<compile_context>
chip_gen: v7x
topology: tpu7x:2x2x1
jax: 0.10.2.dev20260603
libtpu: 0.0.44.dev20260713+nightly
codegen_flags: <defaults>
</compile_context>

<pallas_src>
import functools

import jax
import jax.numpy as jnp
from jax import lax
from jax.experimental import pallas as pl
from jax.experimental.pallas import tpu as pltpu
from jax.experimental.pallas import tpu_sc as plsc


def _sc_gather(idx3, x, nw, nch, k):
    total = nw * nch * k
    _, c = x.shape
    mesh = plsc.VectorSubcoreMesh(core_axis_name="c", subcore_axis_name="s")
    nc = mesh.num_cores

    nbuf = 6

    @functools.partial(
        pl.kernel,
        out_type=jax.ShapeDtypeStruct((total, c), jnp.float32),
        mesh=mesh,
        scratch_types=[
            pltpu.VMEM((nch, k), jnp.int32),
            [pltpu.VMEM((k, c), jnp.float32) for _ in range(nbuf)],
            [pltpu.SemaphoreType.DMA for _ in range(nbuf)],
            [pltpu.SemaphoreType.DMA for _ in range(nbuf)],
        ],
    )
    def gather_kernel(idx_hbm, x_hbm, out_hbm, idx_v, bufs, gsems, wsems):
        wid = lax.axis_index("s") * nc + lax.axis_index("c")
        base = wid * (nch * k)
        pltpu.sync_copy(idx_hbm.at[wid], idx_v)

        for b in range(nbuf):
            if b < nch:
                pltpu.async_copy(x_hbm.at[idx_v.at[b]], bufs[b], gsems[b])

        def quad(j, carry):
            c0 = j * nbuf
            for b in range(nbuf):
                cc = c0 + b

                @pl.when(cc < nch)
                def _(b=b, cc=cc):
                    pltpu.make_async_copy(
                        x_hbm.at[idx_v.at[cc]], bufs[b], gsems[b]
                    ).wait()
                    pltpu.async_copy(
                        bufs[b], out_hbm.at[pl.ds(base + cc * k, k)], wsems[b]
                    )

            for b in range(nbuf):
                cc = c0 + b

                @pl.when(cc < nch)
                def _(b=b, cc=cc):
                    pltpu.make_async_copy(
                        bufs[b], out_hbm.at[pl.ds(base + cc * k, k)], wsems[b]
                    ).wait()

                @pl.when(cc + nbuf < nch)
                def _(b=b, cc=cc):
                    pltpu.async_copy(
                        x_hbm.at[idx_v.at[cc + nbuf]], bufs[b], gsems[b]
                    )

            return carry

        lax.fori_loop(0, (nch + nbuf - 1) // nbuf, quad, 0)

    return gather_kernel(idx3, x)


def _mm_stats_body(x_ref, g_ref, w_ref, y_ref, s_ref):
    i = pl.program_id(0)
    g0 = g_ref[0]
    g1 = g_ref[1]
    g2 = g_ref[2]
    g3 = g_ref[3]
    feat = jnp.concatenate(
        [
            x_ref[...],
            jnp.minimum(g0, g1),
            jnp.maximum(g0, g1),
            jnp.minimum(g2, g3),
            jnp.maximum(g2, g3),
        ],
        axis=1,
    ).astype(jnp.bfloat16)
    y = jnp.dot(feat, w_ref[...], preferred_element_type=jnp.float32)
    y_ref[...] = y.astype(jnp.bfloat16)
    srow = jnp.sum(y, axis=0)[None]
    qrow = jnp.sum(y * y, axis=0)[None]
    blk = jnp.concatenate(
        [srow, qrow, jnp.zeros((6, y.shape[1]), jnp.float32)], axis=0
    )

    @pl.when(i == 0)
    def _():
        s_ref[...] = blk

    @pl.when(i != 0)
    def _():
        s_ref[...] += blk


def _norm2_body(y_ref, st_ref, p_ref, o_ref, *, n_rows, n_parts):
    s0 = st_ref[0]
    s1 = st_ref[1]
    for p in range(1, n_parts):
        s0 = s0 + st_ref[8 * p]
        s1 = s1 + st_ref[8 * p + 1]
    inv_n = 1.0 / n_rows
    mean = s0 * inv_n
    var = s1 * inv_n - mean * mean
    inv = lax.rsqrt(var + 1e-5)
    scale = p_ref[0] * inv
    shift = p_ref[1] - mean * scale
    y = y_ref[...].astype(jnp.float32)
    o_ref[...] = jnp.maximum(y * scale + shift, 0.0)


def _mm_call(x, g, wt, y_in, t, nblk, off, c, c_out, e_full):
    in_specs = [
        pl.BlockSpec((t, c), lambda i: (off + i, 0)),
        pl.BlockSpec((4, t, c), lambda i: (0, i, 0)),
        pl.BlockSpec((5 * c, c_out), lambda i: (0, 0)),
    ]
    args = [x, g, wt]
    aliases = {}
    body = _mm_stats_body
    if y_in is not None:
        in_specs.append(pl.BlockSpec(memory_space=pltpu.MemorySpace.HBM))
        args.append(y_in)
        aliases = {3: 0}

        def body(x_ref, g_ref, w_ref, yin_ref, y_ref, s_ref):
            del yin_ref
            return _mm_stats_body(x_ref, g_ref, w_ref, y_ref, s_ref)

    return pl.pallas_call(
        body,
        grid=(nblk,),
        in_specs=in_specs,
        out_specs=[
            pl.BlockSpec((t, c_out), lambda i: (off + i, 0)),
            pl.BlockSpec((8, c_out), lambda i: (0, 0)),
        ],
        out_shape=[
            jax.ShapeDtypeStruct((e_full, c_out), jnp.bfloat16),
            jax.ShapeDtypeStruct((8, c_out), jnp.float32),
        ],
        input_output_aliases=aliases,
    )(*args)


def kernel(x, nb, W, gamma, beta):
    e, c = x.shape
    c_out = W.shape[0]
    nw = 32

    idx = jnp.clip(nb.astype(jnp.int32), 0, e - 1)

    parts = [
        (0, 20480, 128, 20, 2560),
        (20480, 40960, 128, 40, 2560),
        (61440, 51200, 128, 50, 2560),
        (112640, 47360, 80, 74, 1280),
    ]

    wt = W.T.astype(jnp.bfloat16)

    y_cur = None
    stats = []
    for off, ecnt, kk, nch, t in parts:
        idx_p = idx[off : off + ecnt].T.reshape(nw, nch, kk)
        g_p = _sc_gather(idx_p, x, nw, nch, kk).reshape(4, ecnt, c)
        y_cur, st_p = _mm_call(
            x, g_p, wt, y_cur, t, ecnt // t, off // t, c, c_out, e
        )
        stats.append(st_p)

    st_all = jnp.concatenate(stats, axis=0)
    params = jnp.concatenate(
        [gamma[None], beta[None], jnp.zeros((6, c_out), jnp.float32)], axis=0
    )

    t2 = 8000
    out = pl.pallas_call(
        functools.partial(_norm2_body, n_rows=e, n_parts=len(parts)),
        grid=(e // t2,),
        in_specs=[
            pl.BlockSpec((t2, c_out), lambda i: (i, 0)),
            pl.BlockSpec((8 * len(parts), c_out), lambda i: (0, 0)),
            pl.BlockSpec((8, c_out), lambda i: (0, 0)),
        ],
        out_specs=pl.BlockSpec((t2, c_out), lambda i: (i, 0)),
        out_shape=jax.ShapeDtypeStruct((e, c_out), jnp.float32),
    )(y_cur, st_all, params)

    return out

# --- scband reference (transcript-rebuilt; emitter-appended) ---
"""Pipeline reference for scband-mesh-conv-8323646619907 (READ-ONLY COPY).

The authoritative reference and input builder live on the scoring server;
editing this copy changes nothing except your own understanding.
"""

import jax, jax.numpy as jnp
import numpy as np

E_EDGES = 160000
C_IN = 128
C_OUT = 128


def setup_inputs(seed: int = 0) -> dict:
    key = jax.random.key(seed)
    k1, k2, k3 = jax.random.split(key, 3)
    x = jax.random.normal(k1, (E_EDGES, C_IN), dtype=jnp.float32)
    nb = jax.random.randint(k2, (E_EDGES, 4), 0, E_EDGES)
    # Linear(in_ch*5 -> out_ch, bias=False): torch weight shape (out_ch, in_ch*5)
    W = jax.random.normal(k3, (C_OUT, C_IN * 5), dtype=jnp.float32) * (1.0 / np.sqrt(C_IN * 5))
    # BatchNorm1d affine params
    gamma = jnp.ones((C_OUT,), dtype=jnp.float32)
    beta = jnp.zeros((C_OUT,), dtype=jnp.float32)
    return {"x": x, "nb": nb, "W": W, "gamma": gamma, "beta": beta}


def reference(x, nb, W, gamma, beta):
    E, C = x.shape
    # gather 4 neighbor edge features (clamped indices, like torch .clamp)
    idx = jnp.clip(nb, 0, E - 1).reshape(-1)
    n = jnp.take(x, idx, axis=0).reshape(E, 4, C)
    # symmetrize face pairs by sorting each pair along the pair axis
    p1 = jnp.sort(n[:, :2, :], axis=1)
    p2 = jnp.sort(n[:, 2:, :], axis=1)
    feat = jnp.concatenate([x, p1[:, 0], p1[:, 1], p2[:, 0], p2[:, 1]], axis=1)
    # Linear (no bias)
    y = feat @ W.T
    # BatchNorm1d in training mode: batch statistics, biased variance, eps=1e-5
    mean = jnp.mean(y, axis=0)
    var = jnp.var(y, axis=0)
    y_hat = (y - mean) / jnp.sqrt(var + 1e-5)
    out = jnp.maximum(y_hat * gamma + beta, 0.0)  # ReLU
    return out

if __name__ == "__main__":
    import jax
    _d = setup_inputs()
    print(jax.jit(kernel)(*tuple(_d.values())))

</pallas_src>

<mosaic_0001>
#map = affine_map<(d0, d1) -> (0, 0, 0)>
#map1 = affine_map<(d0, d1) -> (0, 0)>
module attributes {stable_mosaic.version = 14 : i64} {
  func.func @gather_kernel(%arg0: i32, %arg1: i32, %arg2: memref<32x74x80xi32, #tpu.memory_space<hbm>>, %arg3: memref<160000x128xf32, #tpu.memory_space<hbm>>, %arg4: memref<189440x128xf32, #tpu.memory_space<hbm>>, %arg5: memref<74x80xi32, #tpu.memory_space<vmem>>, %arg6: memref<80x128xf32, #tpu.memory_space<vmem>>, %arg7: memref<80x128xf32, #tpu.memory_space<vmem>>, %arg8: memref<80x128xf32, #tpu.memory_space<vmem>>, %arg9: memref<80x128xf32, #tpu.memory_space<vmem>>, %arg10: memref<80x128xf32, #tpu.memory_space<vmem>>, %arg11: memref<80x128xf32, #tpu.memory_space<vmem>>, %arg12: memref<!tpu.dma_semaphore, #tpu.memory_space<semaphore_mem>>, %arg13: memref<!tpu.dma_semaphore, #tpu.memory_space<semaphore_mem>>, %arg14: memref<!tpu.dma_semaphore, #tpu.memory_space<semaphore_mem>>, %arg15: memref<!tpu.dma_semaphore, #tpu.memory_space<semaphore_mem>>, %arg16: memref<!tpu.dma_semaphore, #tpu.memory_space<semaphore_mem>>, %arg17: memref<!tpu.dma_semaphore, #tpu.memory_space<semaphore_mem>>, %arg18: memref<!tpu.dma_semaphore, #tpu.memory_space<semaphore_mem>>, %arg19: memref<!tpu.dma_semaphore, #tpu.memory_space<semaphore_mem>>, %arg20: memref<!tpu.dma_semaphore, #tpu.memory_space<semaphore_mem>>, %arg21: memref<!tpu.dma_semaphore, #tpu.memory_space<semaphore_mem>>, %arg22: memref<!tpu.dma_semaphore, #tpu.memory_space<semaphore_mem>>, %arg23: memref<!tpu.dma_semaphore, #tpu.memory_space<semaphore_mem>>) attributes {dimension_semantics = [#tpu.dimension_semantics<core_parallel>, #tpu.dimension_semantics<subcore_parallel>], iteration_bounds = array<i64: 2, 16>, scalar_prefetch = 0 : i64, scratch_operands = 19 : i64, tpu.core_type = #tpu.core_type<sc_vector_subcore>, window_params = [{transform_indices = #map}, {transform_indices = #map1}, {transform_indices = #map1}]} {
    %mul3A = arith.constant 2 : i32
    %mul3A_0 = arith.muli %arg1, %mul3A : i32
    %add3A = arith.addi %mul3A_0, %arg0 : i32
    %mul3A_1 = arith.constant 5920 : i32
    %mul3A_2 = arith.muli %add3A, %mul3A_1 : i32
    "tpu.region"() ({
      %run_scoped3A = tpu.sem_alloc : memref<!tpu.dma_semaphore, #tpu.memory_space<semaphore_mem>>
      %dma_start3A_49 = arith.constant 0 : i32
      %dma_start3A_50 = arith.constant 0 : i32
      %dma_start3A_51 = tpu.memref_slice %arg2[%add3A, %dma_start3A_49, %dma_start3A_50] : memref<32x74x80xi32, #tpu.memory_space<hbm>> -> memref<1x74x80xi32, #tpu.memory_space<hbm>>
      %dma_start3A_52 = tpu.memref_squeeze %dma_start3A_51 : memref<1x74x80xi32, #tpu.memory_space<hbm>> -> memref<74x80xi32, #tpu.memory_space<hbm>>
      %dma_start3A_53 = arith.constant 0 : i32
      %dma_start3A_54 = arith.constant 0 : i32
      %dma_start3A_55 = tpu.memref_slice %arg2[%add3A, %dma_start3A_53, %dma_start3A_54] : memref<32x74x80xi32, #tpu.memory_space<hbm>> -> memref<1x74x80xi32, #tpu.memory_space<hbm>>
      %dma_start3A_56 = tpu.memref_squeeze %dma_start3A_55 : memref<1x74x80xi32, #tpu.memory_space<hbm>> -> memref<74x80xi32, #tpu.memory_space<hbm>>
      tpu.enqueue_dma source(%dma_start3A_56 : memref<74x80xi32, #tpu.memory_space<hbm>>) target(%arg5 : memref<74x80xi32, #tpu.memory_space<vmem>>) target_semaphore(%run_scoped3A : memref<!tpu.dma_semaphore, #tpu.memory_space<semaphore_mem>>)
      %dma_wait3A = arith.constant 0 : i32
      %dma_wait3A_57 = arith.constant 0 : i32
      %dma_wait3A_58 = tpu.memref_slice %arg2[%add3A, %dma_wait3A, %dma_wait3A_57] : memref<32x74x80xi32, #tpu.memory_space<hbm>> -> memref<1x74x80xi32, #tpu.memory_space<hbm>>
      %dma_wait3A_59 = tpu.memref_squeeze %dma_wait3A_58 : memref<1x74x80xi32, #tpu.memory_space<hbm>> -> memref<74x80xi32, #tpu.memory_space<hbm>>
      %dma_wait3A_60 = arith.constant 0 : i32
      %dma_wait3A_61 = arith.constant 0 : i32
      %dma_wait3A_62 = tpu.memref_slice %arg2[%add3A, %dma_wait3A_60, %dma_wait3A_61] : memref<32x74x80xi32, #tpu.memory_space<hbm>> -> memref<1x74x80xi32, #tpu.memory_space<hbm>>
      %dma_wait3A_63 = tpu.memref_squeeze %dma_wait3A_62 : memref<1x74x80xi32, #tpu.memory_space<hbm>> -> memref<74x80xi32, #tpu.memory_space<hbm>>
      tpu.wait_dma2 semaphore(%run_scoped3A : memref<!tpu.dma_semaphore, #tpu.memory_space<semaphore_mem>>) src(%dma_wait3A_63 : memref<74x80xi32, #tpu.memory_space<hbm>>) dst(%arg5 : memref<74x80xi32, #tpu.memory_space<vmem>>)
      tpu.yield
    }) : () -> ()
    %dma_start3A = arith.constant 0 : i32
    %dma_start3A_3 = arith.constant 0 : i32
    %dma_start3A_4 = tpu.memref_slice %arg5[%dma_start3A, %dma_start3A_3] : memref<74x80xi32, #tpu.memory_space<vmem>> -> memref<1x80xi32, #tpu.memory_space<vmem>>
    %dma_start3A_5 = tpu.memref_squeeze %dma_start3A_4 : memref<1x80xi32, #tpu.memory_space<vmem>> -> memref<80xi32, #tpu.memory_space<vmem>>
    %dma_start3A_6 = arith.constant 0 : i32
    %dma_start3A_7 = arith.constant 0 : i32
    %dma_start3A_8 = tpu.memref_slice %arg3[%dma_start3A_6, %dma_start3A_7] : memref<160000x128xf32, #tpu.memory_space<hbm>> -> memref<160000x128xf32, #tpu.memory_space<hbm>>
    tpu.enqueue_indirect_dma source(%dma_start3A_8 : memref<160000x128xf32, #tpu.memory_space<hbm>>) target(%arg6 : memref<80x128xf32, #tpu.memory_space<vmem>>) offsets(%dma_start3A_5 : memref<80xi32, #tpu.memory_space<vmem>>) semaphore(%arg12 : memref<!tpu.dma_semaphore, #tpu.memory_space<semaphore_mem>>)
    %dma_start3A_9 = arith.constant 1 : i32
    %dma_start3A_10 = arith.constant 0 : i32
    %dma_start3A_11 = tpu.memref_slice %arg5[%dma_start3A_9, %dma_start3A_10] : memref<74x80xi32, #tpu.memory_space<vmem>> -> memref<1x80xi32, #tpu.memory_space<vmem>>
    %dma_start3A_12 = tpu.memref_squeeze %dma_start3A_11 : memref<1x80xi32, #tpu.memory_space<vmem>> -> memref<80xi32, #tpu.memory_space<vmem>>
    %dma_start3A_13 = arith.constant 0 : i32
    %dma_start3A_14 = arith.constant 0 : i32
    %dma_start3A_15 = tpu.memref_slice %arg3[%dma_start3A_13, %dma_start3A_14] : memref<160000x128xf32, #tpu.memory_space<hbm>> -> memref<160000x128xf32, #tpu.memory_space<hbm>>
    tpu.enqueue_indirect_dma source(%dma_start3A_15 : memref<160000x128xf32, #tpu.memory_space<hbm>>) target(%arg7 : memref<80x128xf32, #tpu.memory_space<vmem>>) offsets(%dma_start3A_12 : memref<80xi32, #tpu.memory_space<vmem>>) semaphore(%arg13 : memref<!tpu.dma_semaphore, #tpu.memory_space<semaphore_mem>>)
    %dma_start3A_16 = arith.constant 2 : i32
    %dma_start3A_17 = arith.constant 0 : i32
    %dma_start3A_18 = tpu.memref_slice %arg5[%dma_start3A_16, %dma_start3A_17] : memref<74x80xi32, #tpu.memory_space<vmem>> -> memref<1x80xi32, #tpu.memory_space<vmem>>
    %dma_start3A_19 = tpu.memref_squeeze %dma_start3A_18 : memref<1x80xi32, #tpu.memory_space<vmem>> -> memref<80xi32, #tpu.memory_space<vmem>>
    %dma_start3A_20 = arith.constant 0 : i32
    %dma_start3A_21 = arith.constant 0 : i32
    %dma_start3A_22 = tpu.memref_slice %arg3[%dma_start3A_20, %dma_start3A_21] : memref<160000x128xf32, #tpu.memory_space<hbm>> -> memref<160000x128xf32, #tpu.memory_space<hbm>>
    tpu.enqueue_indirect_dma source(%dma_start3A_22 : memref<160000x128xf32, #tpu.memory_space<hbm>>) target(%arg8 : memref<80x128xf32, #tpu.memory_space<vmem>>) offsets(%dma_start3A_19 : memref<80xi32, #tpu.memory_space<vmem>>) semaphore(%arg14 : memref<!tpu.dma_semaphore, #tpu.memory_space<semaphore_mem>>)
    %dma_start3A_23 = arith.constant 3 : i32
    %dma_start3A_24 = arith.constant 0 : i32
    %dma_start3A_25 = tpu.memref_slice %arg5[%dma_start3A_23, %dma_start3A_24] : memref<74x80xi32, #tpu.memory_space<vmem>> -> memref<1x80xi32, #tpu.memory_space<vmem>>
    %dma_start3A_26 = tpu.memref_squeeze %dma_start3A_25 : memref<1x80xi32, #tpu.memory_space<vmem>> -> memref<80xi32, #tpu.memory_space<vmem>>
    %dma_start3A_27 = arith.constant 0 : i32
    %dma_start3A_28 = arith.constant 0 : i32
    %dma_start3A_29 = tpu.memref_slice %arg3[%dma_start3A_27, %dma_start3A_28] : memref<160000x128xf32, #tpu.memory_space<hbm>> -> memref<160000x128xf32, #tpu.memory_space<hbm>>
    tpu.enqueue_indirect_dma source(%dma_start3A_29 : memref<160000x128xf32, #tpu.memory_space<hbm>>) target(%arg9 : memref<80x128xf32, #tpu.memory_space<vmem>>) offsets(%dma_start3A_26 : memref<80xi32, #tpu.memory_space<vmem>>) semaphore(%arg15 : memref<!tpu.dma_semaphore, #tpu.memory_space<semaphore_mem>>)
    %dma_start3A_30 = arith.constant 4 : i32
    %dma_start3A_31 = arith.constant 0 : i32
    %dma_start3A_32 = tpu.memref_slice %arg5[%dma_start3A_30, %dma_start3A_31] : memref<74x80xi32, #tpu.memory_space<vmem>> -> memref<1x80xi32, #tpu.memory_space<vmem>>
    %dma_start3A_33 = tpu.memref_squeeze %dma_start3A_32 : memref<1x80xi32, #tpu.memory_space<vmem>> -> memref<80xi32, #tpu.memory_space<vmem>>
    %dma_start3A_34 = arith.constant 0 : i32
    %dma_start3A_35 = arith.constant 0 : i32
    %dma_start3A_36 = tpu.memref_slice %arg3[%dma_start3A_34, %dma_start3A_35] : memref<160000x128xf32, #tpu.memory_space<hbm>> -> memref<160000x128xf32, #tpu.memory_space<hbm>>
    tpu.enqueue_indirect_dma source(%dma_start3A_36 : memref<160000x128xf32, #tpu.memory_space<hbm>>) target(%arg10 : memref<80x128xf32, #tpu.memory_space<vmem>>) offsets(%dma_start3A_33 : memref<80xi32, #tpu.memory_space<vmem>>) semaphore(%arg16 : memref<!tpu.dma_semaphore, #tpu.memory_space<semaphore_mem>>)
    %dma_start3A_37 = arith.constant 5 : i32
    %dma_start3A_38 = arith.constant 0 : i32
    %dma_start3A_39 = tpu.memref_slice %arg5[%dma_start3A_37, %dma_start3A_38] : memref<74x80xi32, #tpu.memory_space<vmem>> -> memref<1x80xi32, #tpu.memory_space<vmem>>
    %dma_start3A_40 = tpu.memref_squeeze %dma_start3A_39 : memref<1x80xi32, #tpu.memory_space<vmem>> -> memref<80xi32, #tpu.memory_space<vmem>>
    %dma_start3A_41 = arith.constant 0 : i32
    %dma_start3A_42 = arith.constant 0 : i32
    %dma_start3A_43 = tpu.memref_slice %arg3[%dma_start3A_41, %dma_start3A_42] : memref<160000x128xf32, #tpu.memory_space<hbm>> -> memref<160000x128xf32, #tpu.memory_space<hbm>>
    tpu.enqueue_indirect_dma source(%dma_start3A_43 : memref<160000x128xf32, #tpu.memory_space<hbm>>) target(%arg11 : memref<80x128xf32, #tpu.memory_space<vmem>>) offsets(%dma_start3A_40 : memref<80xi32, #tpu.memory_space<vmem>>) semaphore(%arg17 : memref<!tpu.dma_semaphore, #tpu.memory_space<semaphore_mem>>)
    %scan3A = arith.constant 0 : i32
    %scan3A_44 = arith.constant 0 : i32
    %scan3A_45 = arith.constant 13 : i32
    %scan3A_46 = arith.addi %scan3A_44, %scan3A_45 : i32
    %scan3A_47 = arith.constant 1 : i32
    scf.for %scan3A_49 = %scan3A_44 to %scan3A_46 step %scan3A_47  : i32 {
      %mul3A_50 = arith.constant 6 : i32
      %mul3A_51 = arith.muli %scan3A_49, %mul3A_50 : i32
      %add3A_52 = arith.constant 0 : i32
      %add3A_53 = arith.addi %mul3A_51, %add3A_52 : i32
      %lt3A = arith.constant 74 : i32
      %lt3A_54 = arith.cmpi slt, %add3A_53, %lt3A : i32
      %convert_element_type3A = arith.extui %lt3A_54 : i1 to i32
      %cond3A = arith.constant 0 : i32
      %cond3A_55 = arith.cmpi ne, %convert_element_type3A, %cond3A : i32
      scf.if %cond3A_55 {
        %dma_wait3A = arith.constant 0 : i32
        %dma_wait3A_175 = tpu.memref_slice %arg5[%add3A_53, %dma_wait3A] : memref<74x80xi32, #tpu.memory_space<vmem>> -> memref<1x80xi32, #tpu.memory_space<vmem>>
        %dma_wait3A_176 = tpu.memref_squeeze %dma_wait3A_175 : memref<1x80xi32, #tpu.memory_space<vmem>> -> memref<80xi32, #tpu.memory_space<vmem>>
        %dma_wait3A_177 = arith.constant 0 : i32
        %dma_wait3A_178 = arith.constant 0 : i32
        %dma_wait3A_179 = tpu.memref_slice %arg3[%dma_wait3A_177, %dma_wait3A_178] : memref<160000x128xf32, #tpu.memory_space<hbm>> -> memref<160000x128xf32, #tpu.memory_space<hbm>>
        tpu.wait_indirect_dma semaphore(%arg12 : memref<!tpu.dma_semaphore, #tpu.memory_space<semaphore_mem>>) src(%dma_wait3A_179 : memref<160000x128xf32, #tpu.memory_space<hbm>>) dst(%arg6 : memref<80x128xf32, #tpu.memory_space<vmem>>)
        %mul3A_180 = arith.constant 80 : i32
        %mul3A_181 = arith.muli %add3A_53, %mul3A_180 : i32
        %add3A_182 = arith.addi %mul3A_2, %mul3A_181 : i32
        %dma_start3A_183 = arith.constant 0 : i32
        %dma_start3A_184 = tpu.memref_slice %arg4[%add3A_182, %dma_start3A_183] : memref<189440x128xf32, #tpu.memory_space<hbm>> -> memref<80x128xf32, #tpu.memory_space<hbm>>
        %dma_start3A_185 = arith.constant 0 : i32
        %dma_start3A_186 = tpu.memref_slice %arg4[%add3A_182, %dma_start3A_185] : memref<189440x128xf32, #tpu.memory_space<hbm>> -> memref<80x128xf32, #tpu.memory_space<hbm>>
        tpu.enqueue_dma source(%arg6 : memref<80x128xf32, #tpu.memory_space<vmem>>) target(%dma_start3A_186 : memref<80x128xf32, #tpu.memory_space<hbm>>) target_semaphore(%arg18 : memref<!tpu.dma_semaphore, #tpu.memory_space<semaphore_mem>>)
      } else {
      }
      %add3A_56 = arith.constant 1 : i32
      %add3A_57 = arith.addi %mul3A_51, %add3A_56 : i32
      %lt3A_58 = arith.constant 74 : i32
      %lt3A_59 = arith.cmpi slt, %add3A_57, %lt3A_58 : i32
      %convert_element_type3A_60 = arith.extui %lt3A_59 : i1 to i32
      %cond3A_61 = arith.constant 0 : i32
      %cond3A_62 = arith.cmpi ne, %convert_element_type3A_60, %cond3A_61 : i32
      scf.if %cond3A_62 {
        %dma_wait3A = arith.constant 0 : i32
        %dma_wait3A_175 = tpu.memref_slice %arg5[%add3A_57, %dma_wait3A] : memref<74x80xi32, #tpu.memory_space<vmem>> -> memref<1x80xi32, #tpu.memory_space<vmem>>
        %dma_wait3A_176 = tpu.memref_squeeze %dma_wait3A_175 : memref<1x80xi32, #tpu.memory_space<vmem>> -> memref<80xi32, #tpu.memory_space<vmem>>
        %dma_wait3A_177 = arith.constant 0 : i32
        %dma_wait3A_178 = arith.constant 0 : i32
        %dma_wait3A_179 = tpu.memref_slice %arg3[%dma_wait3A_177, %dma_wait3A_178] : memref<160000x128xf32, #tpu.memory_space<hbm>> -> memref<160000x128xf32, #tpu.memory_space<hbm>>
        tpu.wait_indirect_dma semaphore(%arg13 : memref<!tpu.dma_semaphore, #tpu.memory_space<semaphore_mem>>) src(%dma_wait3A_179 : memref<160000x128xf32, #tpu.memory_space<hbm>>) dst(%arg7 : memref<80x128xf32, #tpu.memory_space<vmem>>)
        %mul3A_180 = arith.constant 80 : i32
        %mul3A_181 = arith.muli %add3A_57, %mul3A_180 : i32
        %add3A_182 = arith.addi %mul3A_2, %mul3A_181 : i32
        %dma_start3A_183 = arith.constant 0 : i32
        %dma_start3A_184 = tpu.memref_slice %arg4[%add3A_182, %dma_start3A_183] : memref<189440x128xf32, #tpu.memory_space<hbm>> -> memref<80x128xf32, #tpu.memory_space<hbm>>
        %dma_start3A_185 = arith.constant 0 : i32
        %dma_start3A_186 = tpu.memref_slice %arg4[%add3A_182, %dma_start3A_185] : memref<189440x128xf32, #tpu.memory_space<hbm>> -> memref<80x128xf32, #tpu.memory_space<hbm>>
        tpu.enqueue_dma source(%arg7 : memref<80x128xf32, #tpu.memory_space<vmem>>) target(%dma_start3A_186 : memref<80x128xf32, #tpu.memory_space<hbm>>) target_semaphore(%arg19 : memref<!tpu.dma_semaphore, #tpu.memory_space<semaphore_mem>>)
      } else {
      }
      %add3A_63 = arith.constant 2 : i32
      %add3A_64 = arith.addi %mul3A_51, %add3A_63 : i32
      %lt3A_65 = arith.constant 74 : i32
      %lt3A_66 = arith.cmpi slt, %add3A_64, %lt3A_65 : i32
      %convert_element_type3A_67 = arith.extui %lt3A_66 : i1 to i32
      %cond3A_68 = arith.constant 0 : i32
      %cond3A_69 = arith.cmpi ne, %convert_element_type3A_67, %cond3A_68 : i32
      scf.if %cond3A_69 {
        %dma_wait3A = arith.constant 0 : i32
        %dma_wait3A_175 = tpu.memref_slice %arg5[%add3A_64, %dma_wait3A] : memref<74x80xi32, #tpu.memory_space<vmem>> -> memref<1x80xi32, #tpu.memory_space<vmem>>
        %dma_wait3A_176 = tpu.memref_squeeze %dma_wait3A_175 : memref<1x80xi32, #tpu.memory_space<vmem>> -> memref<80xi32, #tpu.memory_space<vmem>>
        %dma_wait3A_177 = arith.constant 0 : i32
        %dma_wait3A_178 = arith.constant 0 : i32
        %dma_wait3A_179 = tpu.memref_slice %arg3[%dma_wait3A_177, %dma_wait3A_178] : memref<160000x128xf32, #tpu.memory_space<hbm>> -> memref<160000x128xf32, #tpu.memory_space<hbm>>
        tpu.wait_indirect_dma semaphore(%arg14 : memref<!tpu.dma_semaphore, #tpu.memory_space<semaphore_mem>>) src(%dma_wait3A_179 : memref<160000x128xf32, #tpu.memory_space<hbm>>) dst(%arg8 : memref<80x128xf32, #tpu.memory_space<vmem>>)
        %mul3A_180 = arith.constant 80 : i32
        %mul3A_181 = arith.muli %add3A_64, %mul3A_180 : i32
        %add3A_182 = arith.addi %mul3A_2, %mul3A_181 : i32
        %dma_start3A_183 = arith.constant 0 : i32
        %dma_start3A_184 = tpu.memref_slice %arg4[%add3A_182, %dma_start3A_183] : memref<189440x128xf32, #tpu.memory_space<hbm>> -> memref<80x128xf32, #tpu.memory_space<hbm>>
        %dma_start3A_185 = arith.constant 0 : i32
        %dma_start3A_186 = tpu.memref_slice %arg4[%add3A_182, %dma_start3A_185] : memref<189440x128xf32, #tpu.memory_space<hbm>> -> memref<80x128xf32, #tpu.memory_space<hbm>>
        tpu.enqueue_dma source(%arg8 : memref<80x128xf32, #tpu.memory_space<vmem>>) target(%dma_start3A_186 : memref<80x128xf32, #tpu.memory_space<hbm>>) target_semaphore(%arg20 : memref<!tpu.dma_semaphore, #tpu.memory_space<semaphore_mem>>)
      } else {
      }
      %add3A_70 = arith.constant 3 : i32
      %add3A_71 = arith.addi %mul3A_51, %add3A_70 : i32
      %lt3A_72 = arith.constant 74 : i32
      %lt3A_73 = arith.cmpi slt, %add3A_71, %lt3A_72 : i32
      %convert_element_type3A_74 = arith.extui %lt3A_73 : i1 to i32
      %cond3A_75 = arith.constant 0 : i32
      %cond3A_76 = arith.cmpi ne, %convert_element_type3A_74, %cond3A_75 : i32
      scf.if %cond3A_76 {
        %dma_wait3A = arith.constant 0 : i32
        %dma_wait3A_175 = tpu.memref_slice %arg5[%add3A_71, %dma_wait3A] : memref<74x80xi32, #tpu.memory_space<vmem>> -> memref<1x80xi32, #tpu.memory_space<vmem>>
        %dma_wait3A_176 = tpu.memref_squeeze %dma_wait3A_175 : memref<1x80xi32, #tpu.memory_space<vmem>> -> memref<80xi32, #tpu.memory_space<vmem>>
        %dma_wait3A_177 = arith.constant 0 : i32
        %dma_wait3A_178 = arith.constant 0 : i32
        %dma_wait3A_179 = tpu.memref_slice %arg3[%dma_wait3A_177, %dma_wait3A_178] : memref<160000x128xf32, #tpu.memory_space<hbm>> -> memref<160000x128xf32, #tpu.memory_space<hbm>>
        tpu.wait_indirect_dma semaphore(%arg15 : memref<!tpu.dma_semaphore, #tpu.memory_space<semaphore_mem>>) src(%dma_wait3A_179 : memref<160000x128xf32, #tpu.memory_space<hbm>>) dst(%arg9 : memref<80x128xf32, #tpu.memory_space<vmem>>)
        %mul3A_180 = arith.constant 80 : i32
        %mul3A_181 = arith.muli %add3A_71, %mul3A_180 : i32
        %add3A_182 = arith.addi %mul3A_2, %mul3A_181 : i32
        %dma_start3A_183 = arith.constant 0 : i32
        %dma_start3A_184 = tpu.memref_slice %arg4[%add3A_182, %dma_start3A_183] : memref<189440x128xf32, #tpu.memory_space<hbm>> -> memref<80x128xf32, #tpu.memory_space<hbm>>
        %dma_start3A_185 = arith.constant 0 : i32
        %dma_start3A_186 = tpu.memref_slice %arg4[%add3A_182, %dma_start3A_185] : memref<189440x128xf32, #tpu.memory_space<hbm>> -> memref<80x128xf32, #tpu.memory_space<hbm>>
        tpu.enqueue_dma source(%arg9 : memref<80x128xf32, #tpu.memory_space<vmem>>) target(%dma_start3A_186 : memref<80x128xf32, #tpu.memory_space<hbm>>) target_semaphore(%arg21 : memref<!tpu.dma_semaphore, #tpu.memory_space<semaphore_mem>>)
      } else {
      }
      %add3A_77 = arith.constant 4 : i32
      %add3A_78 = arith.addi %mul3A_51, %add3A_77 : i32
      %lt3A_79 = arith.constant 74 : i32
      %lt3A_80 = arith.cmpi slt, %add3A_78, %lt3A_79 : i32
      %convert_element_type3A_81 = arith.extui %lt3A_80 : i1 to i32
      %cond3A_82 = arith.constant 0 : i32
      %cond3A_83 = arith.cmpi ne, %convert_element_type3A_81, %cond3A_82 : i32
      scf.if %cond3A_83 {
        %dma_wait3A = arith.constant 0 : i32
        %dma_wait3A_175 = tpu.memref_slice %arg5[%add3A_78, %dma_wait3A] : memref<74x80xi32, #tpu.memory_space<vmem>> -> memref<1x80xi32, #tpu.memory_space<vmem>>
        %dma_wait3A_176 = tpu.memref_squeeze %dma_wait3A_175 : memref<1x80xi32, #tpu.memory_space<vmem>> -> memref<80xi32, #tpu.memory_space<vmem>>
        %dma_wait3A_177 = arith.constant 0 : i32
        %dma_wait3A_178 = arith.constant 0 : i32
        %dma_wait3A_179 = tpu.memref_slice %arg3[%dma_wait3A_177, %dma_wait3A_178] : memref<160000x128xf32, #tpu.memory_space<hbm>> -> memref<160000x128xf32, #tpu.memory_space<hbm>>
        tpu.wait_indirect_dma semaphore(%arg16 : memref<!tpu.dma_semaphore, #tpu.memory_space<semaphore_mem>>) src(%dma_wait3A_179 : memref<160000x128xf32, #tpu.memory_space<hbm>>) dst(%arg10 : memref<80x128xf32, #tpu.memory_space<vmem>>)
        %mul3A_180 = arith.constant 80 : i32
        %mul3A_181 = arith.muli %add3A_78, %mul3A_180 : i32
        %add3A_182 = arith.addi %mul3A_2, %mul3A_181 : i32
        %dma_start3A_183 = arith.constant 0 : i32
        %dma_start3A_184 = tpu.memref_slice %arg4[%add3A_182, %dma_start3A_183] : memref<189440x128xf32, #tpu.memory_space<hbm>> -> memref<80x128xf32, #tpu.memory_space<hbm>>
        %dma_start3A_185 = arith.constant 0 : i32
        %dma_start3A_186 = tpu.memref_slice %arg4[%add3A_182, %dma_start3A_185] : memref<189440x128xf32, #tpu.memory_space<hbm>> -> memref<80x128xf32, #tpu.memory_space<hbm>>
        tpu.enqueue_dma source(%arg10 : memref<80x128xf32, #tpu.memory_space<vmem>>) target(%dma_start3A_186 : memref<80x128xf32, #tpu.memory_space<hbm>>) target_semaphore(%arg22 : memref<!tpu.dma_semaphore, #tpu.memory_space<semaphore_mem>>)
      } else {
      }
      %add3A_84 = arith.constant 5 : i32
      %add3A_85 = arith.addi %mul3A_51, %add3A_84 : i32
      %lt3A_86 = arith.constant 74 : i32
      %lt3A_87 = arith.cmpi slt, %add3A_85, %lt3A_86 : i32
      %convert_element_type3A_88 = arith.extui %lt3A_87 : i1 to i32
      %cond3A_89 = arith.constant 0 : i32
      %cond3A_90 = arith.cmpi ne, %convert_element_type3A_88, %cond3A_89 : i32
      scf.if %cond3A_90 {
        %dma_wait3A = arith.constant 0 : i32
        %dma_wait3A_175 = tpu.memref_slice %arg5[%add3A_85, %dma_wait3A] : memref<74x80xi32, #tpu.memory_space<vmem>> -> memref<1x80xi32, #tpu.memory_space<vmem>>
        %dma_wait3A_176 = tpu.memref_squeeze %dma_wait3A_175 : memref<1x80xi32, #tpu.memory_space<vmem>> -> memref<80xi32, #tpu.memory_space<vmem>>
        %dma_wait3A_177 = arith.constant 0 : i32
        %dma_wait3A_178 = arith.constant 0 : i32
        %dma_wait3A_179 = tpu.memref_slice %arg3[%dma_wait3A_177, %dma_wait3A_178] : memref<160000x128xf32, #tpu.memory_space<hbm>> -> memref<160000x128xf32, #tpu.memory_space<hbm>>
        tpu.wait_indirect_dma semaphore(%arg17 : memref<!tpu.dma_semaphore, #tpu.memory_space<semaphore_mem>>) src(%dma_wait3A_179 : memref<160000x128xf32, #tpu.memory_space<hbm>>) dst(%arg11 : memref<80x128xf32, #tpu.memory_space<vmem>>)
        %mul3A_180 = arith.constant 80 : i32
        %mul3A_181 = arith.muli %add3A_85, %mul3A_180 : i32
        %add3A_182 = arith.addi %mul3A_2, %mul3A_181 : i32
        %dma_start3A_183 = arith.constant 0 : i32
        %dma_start3A_184 = tpu.memref_slice %arg4[%add3A_182, %dma_start3A_183] : memref<189440x128xf32, #tpu.memory_space<hbm>> -> memref<80x128xf32, #tpu.memory_space<hbm>>
        %dma_start3A_185 = arith.constant 0 : i32
        %dma_start3A_186 = tpu.memref_slice %arg4[%add3A_182, %dma_start3A_185] : memref<189440x128xf32, #tpu.memory_space<hbm>> -> memref<80x128xf32, #tpu.memory_space<hbm>>
        tpu.enqueue_dma source(%arg11 : memref<80x128xf32, #tpu.memory_space<vmem>>) target(%dma_start3A_186 : memref<80x128xf32, #tpu.memory_space<hbm>>) target_semaphore(%arg23 : memref<!tpu.dma_semaphore, #tpu.memory_space<semaphore_mem>>)
      } else {
      }
      %add3A_91 = arith.constant 0 : i32
      %add3A_92 = arith.addi %mul3A_51, %add3A_91 : i32
      %lt3A_93 = arith.constant 74 : i32
      %lt3A_94 = arith.cmpi slt, %add3A_92, %lt3A_93 : i32
      %convert_element_type3A_95 = arith.extui %lt3A_94 : i1 to i32
      %cond3A_96 = arith.constant 0 : i32
      %cond3A_97 = arith.cmpi ne, %convert_element_type3A_95, %cond3A_96 : i32
      scf.if %cond3A_97 {
        %mul3A_175 = arith.constant 80 : i32
        %mul3A_176 = arith.muli %add3A_92, %mul3A_175 : i32
        %add3A_177 = arith.addi %mul3A_2, %mul3A_176 : i32
        %dma_wait3A = arith.constant 0 : i32
        %dma_wait3A_178 = tpu.memref_slice %arg4[%add3A_177, %dma_wait3A] : memref<189440x128xf32, #tpu.memory_space<hbm>> -> memref<80x128xf32, #tpu.memory_space<hbm>>
        %dma_wait3A_179 = arith.constant 0 : i32
        %dma_wait3A_180 = tpu.memref_slice %arg4[%add3A_177, %dma_wait3A_179] : memref<189440x128xf32, #tpu.memory_space<hbm>> -> memref<80x128xf32, #tpu.memory_space<hbm>>
        tpu.wait_dma2 semaphore(%arg18 : memref<!tpu.dma_semaphore, #tpu.memory_space<semaphore_mem>>) src(%arg6 : memref<80x128xf32, #tpu.memory_space<vmem>>) dst(%dma_wait3A_180 : memref<80x128xf32, #tpu.memory_space<hbm>>)
      } else {
      }
      %add3A_98 = arith.constant 6 : i32
      %add3A_99 = arith.addi %add3A_92, %add3A_98 : i32
      %lt3A_100 = arith.constant 74 : i32
      %lt3A_101 = arith.cmpi slt, %add3A_99, %lt3A_100 : i32
      %convert_element_type3A_102 = arith.extui %lt3A_101 : i1 to i32
      %cond3A_103 = arith.constant 0 : i32
      %cond3A_104 = arith.cmpi ne, %convert_element_type3A_102, %cond3A_103 : i32
      scf.if %cond3A_104 {
        %add3A_175 = arith.constant 6 : i32
        %add3A_176 = arith.addi %add3A_92, %add3A_175 : i32
        %dma_start3A_177 = arith.constant 0 : i32
        %dma_start3A_178 = tpu.memref_slice %arg5[%add3A_176, %dma_start3A_177] : memref<74x80xi32, #tpu.memory_space<vmem>> -> memref<1x80xi32, #tpu.memory_space<vmem>>
        %dma_start3A_179 = tpu.memref_squeeze %dma_start3A_178 : memref<1x80xi32, #tpu.memory_space<vmem>> -> memref<80xi32, #tpu.memory_space<vmem>>
        %dma_start3A_180 = arith.constant 0 : i32
        %dma_start3A_181 = arith.constant 0 : i32
        %dma_start3A_182 = tpu.memref_slice %arg3[%dma_start3A_180, %dma_start3A_181] : memref<160000x128xf32, #tpu.memory_space<hbm>> -> memref<160000x128xf32, #tpu.memory_space<hbm>>
        tpu.enqueue_indirect_dma source(%dma_start3A_182 : memref<160000x128xf32, #tpu.memory_space<hbm>>) target(%arg6 : memref<80x128xf32, #tpu.memory_space<vmem>>) offsets(%dma_start3A_179 : memref<80xi32, #tpu.memory_space<vmem>>) semaphore(%arg12 : memref<!tpu.dma_semaphore, #tpu.memory_space<semaphore_mem>>)
      } else {
      }
      %add3A_105 = arith.constant 1 : i32
      %add3A_106 = arith.addi %mul3A_51, %add3A_105 : i32
      %lt3A_107 = arith.constant 74 : i32
      %lt3A_108 = arith.cmpi slt, %add3A_106, %lt3A_107 : i32
      %convert_element_type3A_109 = arith.extui %lt3A_108 : i1 to i32
      %cond3A_110 = arith.constant 0 : i32
      %cond3A_111 = arith.cmpi ne, %convert_element_type3A_109, %cond3A_110 : i32
      scf.if %cond3A_111 {
        %mul3A_175 = arith.constant 80 : i32
        %mul3A_176 = arith.muli %add3A_106, %mul3A_175 : i32
        %add3A_177 = arith.addi %mul3A_2, %mul3A_176 : i32
        %dma_wait3A = arith.constant 0 : i32
        %dma_wait3A_178 = tpu.memref_slice %arg4[%add3A_177, %dma_wait3A] : memref<189440x128xf32, #tpu.memory_space<hbm>> -> memref<80x128xf32, #tpu.memory_space<hbm>>
        %dma_wait3A_179 = arith.constant 0 : i32
        %dma_wait3A_180 = tpu.memref_slice %arg4[%add3A_177, %dma_wait3A_179] : memref<189440x128xf32, #tpu.memory_space<hbm>> -> memref<80x128xf32, #tpu.memory_space<hbm>>
        tpu.wait_dma2 semaphore(%arg19 : memref<!tpu.dma_semaphore, #tpu.memory_space<semaphore_mem>>) src(%arg7 : memref<80x128xf32, #tpu.memory_space<vmem>>) dst(%dma_wait3A_180 : memref<80x128xf32, #tpu.memory_space<hbm>>)
      } else {
      }
      %add3A_112 = arith.constant 6 : i32
      %add3A_113 = arith.addi %add3A_106, %add3A_112 : i32
      %lt3A_114 = arith.constant 74 : i32
      %lt3A_115 = arith.cmpi slt, %add3A_113, %lt3A_114 : i32
      %convert_element_type3A_116 = arith.extui %lt3A_115 : i1 to i32
      %cond3A_117 = arith.constant 0 : i32
      %cond3A_118 = arith.cmpi ne, %convert_element_type3A_116, %cond3A_117 : i32
      scf.if %cond3A_118 {
        %add3A_175 = arith.constant 6 : i32
        %add3A_176 = arith.addi %add3A_106, %add3A_175 : i32
        %dma_start3A_177 = arith.constant 0 : i32
        %dma_start3A_178 = tpu.memref_slice %arg5[%add3A_176, %dma_start3A_177] : memref<74x80xi32, #tpu.memory_space<vmem>> -> memref<1x80xi32, #tpu.memory_space<vmem>>
        %dma_start3A_179 = tpu.memref_squeeze %dma_start3A_178 : memref<1x80xi32, #tpu.memory_space<vmem>> -> memref<80xi32, #tpu.memory_space<vmem>>
        %dma_start3A_180 = arith.constant 0 : i32
        %dma_start3A_181 = arith.constant 0 : i32
        %dma_start3A_182 = tpu.memref_slice %arg3[%dma_start3A_180, %dma_start3A_181] : memref<160000x128xf32, #tpu.memory_space<hbm>> -> memref<160000x128xf32, #tpu.memory_space<hbm>>
        tpu.enqueue_indirect_dma source(%dma_start3A_182 : memref<160000x128xf32, #tpu.memory_space<hbm>>) target(%arg7 : memref<80x128xf32, #tpu.memory_space<vmem>>) offsets(%dma_start3A_179 : memref<80xi32, #tpu.memory_space<vmem>>) semaphore(%arg13 : memref<!tpu.dma_semaphore, #tpu.memory_space<semaphore_mem>>)
      } else {
      }
      %add3A_119 = arith.constant 2 : i32
      %add3A_120 = arith.addi %mul3A_51, %add3A_119 : i32
      %lt3A_121 = arith.constant 74 : i32
      %lt3A_122 = arith.cmpi slt, %add3A_120, %lt3A_121 : i32
      %convert_element_type3A_123 = arith.extui %lt3A_122 : i1 to i32
      %cond3A_124 = arith.constant 0 : i32
      %cond3A_125 = arith.cmpi ne, %convert_element_type3A_123, %cond3A_124 : i32
      scf.if %cond3A_125 {
        %mul3A_175 = arith.constant 80 : i32
        %mul3A_176 = arith.muli %add3A_120, %mul3A_175 : i32
        %add3A_177 = arith.addi %mul3A_2, %mul3A_176 : i32
        %dma_wait3A = arith.constant 0 : i32
        %dma_wait3A_178 = tpu.memref_slice %arg4[%add3A_177, %dma_wait3A] : memref<189440x128xf32, #tpu.memory_space<hbm>> -> memref<80x128xf32, #tpu.memory_space<hbm>>
        %dma_wait3A_179 = arith.constant 0 : i32
        %dma_wait3A_180 = tpu.memref_slice %arg4[%add3A_177, %dma_wait3A_179] : memref<189440x128xf32, #tpu.memory_space<hbm>> -> memref<80x128xf32, #tpu.memory_space<hbm>>
        tpu.wait_dma2 semaphore(%arg20 : memref<!tpu.dma_semaphore, #tpu.memory_space<semaphore_mem>>) src(%arg8 : memref<80x128xf32, #tpu.memory_space<vmem>>) dst(%dma_wait3A_180 : memref<80x128xf32, #tpu.memory_space<hbm>>)
      } else {
      }
      %add3A_126 = arith.constant 6 : i32
      %add3A_127 = arith.addi %add3A_120, %add3A_126 : i32
      %lt3A_128 = arith.constant 74 : i32
      %lt3A_129 = arith.cmpi slt, %add3A_127, %lt3A_128 : i32
      %convert_element_type3A_130 = arith.extui %lt3A_129 : i1 to i32
      %cond3A_131 = arith.constant 0 : i32
      %cond3A_132 = arith.cmpi ne, %convert_element_type3A_130, %cond3A_131 : i32
      scf.if %cond3A_132 {
        %add3A_175 = arith.constant 6 : i32
        %add3A_176 = arith.addi %add3A_120, %add3A_175 : i32
        %dma_start3A_177 = arith.constant 0 : i32
        %dma_start3A_178 = tpu.memref_slice %arg5[%add3A_176, %dma_start3A_177] : memref<74x80xi32, #tpu.memory_space<vmem>> -> memref<1x80xi32, #tpu.memory_space<vmem>>
        %dma_start3A_179 = tpu.memref_squeeze %dma_start3A_178 : memref<1x80xi32, #tpu.memory_space<vmem>> -> memref<80xi32, #tpu.memory_space<vmem>>
        %dma_start3A_180 = arith.constant 0 : i32
        %dma_start3A_181 = arith.constant 0 : i32
        %dma_start3A_182 = tpu.memref_slice %arg3[%dma_start3A_180, %dma_start3A_181] : memref<160000x128xf32, #tpu.memory_space<hbm>> -> memref<160000x128xf32, #tpu.memory_space<hbm>>
        tpu.enqueue_indirect_dma source(%dma_start3A_182 : memref<160000x128xf32, #tpu.memory_space<hbm>>) target(%arg8 : memref<80x128xf32, #tpu.memory_space<vmem>>) offsets(%dma_start3A_179 : memref<80xi32, #tpu.memory_space<vmem>>) semaphore(%arg14 : memref<!tpu.dma_semaphore, #tpu.memory_space<semaphore_mem>>)
      } else {
      }
      %add3A_133 = arith.constant 3 : i32
      %add3A_134 = arith.addi %mul3A_51, %add3A_133 : i32
      %lt3A_135 = arith.constant 74 : i32
      %lt3A_136 = arith.cmpi slt, %add3A_134, %lt3A_135 : i32
      %convert_element_type3A_137 = arith.extui %lt3A_136 : i1 to i32
      %cond3A_138 = arith.constant 0 : i32
      %cond3A_139 = arith.cmpi ne, %convert_element_type3A_137, %cond3A_138 : i32
      scf.if %cond3A_139 {
        %mul3A_175 = arith.constant 80 : i32
        %mul3A_176 = arith.muli %add3A_134, %mul3A_175 : i32
        %add3A_177 = arith.addi %mul3A_2, %mul3A_176 : i32
        %dma_wait3A = arith.constant 0 : i32
        %dma_wait3A_178 = tpu.memref_slice %arg4[%add3A_177, %dma_wait3A] : memref<189440x128xf32, #tpu.memory_space<hbm>> -> memref<80x128xf32, #tpu.memory_space<hbm>>
        %dma_wait3A_179 = arith.constant 0 : i32
        %dma_wait3A_180 = tpu.memref_slice %arg4[%add3A_177, %dma_wait3A_179] : memref<189440x128xf32, #tpu.memory_space<hbm>> -> memref<80x128xf32, #tpu.memory_space<hbm>>
        tpu.wait_dma2 semaphore(%arg21 : memref<!tpu.dma_semaphore, #tpu.memory_space<semaphore_mem>>) src(%arg9 : memref<80x128xf32, #tpu.memory_space<vmem>>) dst(%dma_wait3A_180 : memref<80x128xf32, #tpu.memory_space<hbm>>)
      } else {
      }
      %add3A_140 = arith.constant 6 : i32
      %add3A_141 = arith.addi %add3A_134, %add3A_140 : i32
      %lt3A_142 = arith.constant 74 : i32
      %lt3A_143 = arith.cmpi slt, %add3A_141, %lt3A_142 : i32
      %convert_element_type3A_144 = arith.extui %lt3A_143 : i1 to i32
      %cond3A_145 = arith.constant 0 : i32
      %cond3A_146 = arith.cmpi ne, %convert_element_type3A_144, %cond3A_145 : i32
      scf.if %cond3A_146 {
        %add3A_175 = arith.constant 6 : i32
        %add3A_176 = arith.addi %add3A_134, %add3A_175 : i32
        %dma_start3A_177 = arith.constant 0 : i32
        %dma_start3A_178 = tpu.memref_slice %arg5[%add3A_176, %dma_start3A_177] : memref<74x80xi32, #tpu.memory_space<vmem>> -> memref<1x80xi32, #tpu.memory_space<vmem>>
        %dma_start3A_179 = tpu.memref_squeeze %dma_start3A_178 : memref<1x80xi32, #tpu.memory_space<vmem>> -> memref<80xi32, #tpu.memory_space<vmem>>
        %dma_start3A_180 = arith.constant 0 : i32
        %dma_start3A_181 = arith.constant 0 : i32
        %dma_start3A_182 = tpu.memref_slice %arg3[%dma_start3A_180, %dma_start3A_181] : memref<160000x128xf32, #tpu.memory_space<hbm>> -> memref<160000x128xf32, #tpu.memory_space<hbm>>
        tpu.enqueue_indirect_dma source(%dma_start3A_182 : memref<160000x128xf32, #tpu.memory_space<hbm>>) target(%arg9 : memref<80x128xf32, #tpu.memory_space<vmem>>) offsets(%dma_start3A_179 : memref<80xi32, #tpu.memory_space<vmem>>) semaphore(%arg15 : memref<!tpu.dma_semaphore, #tpu.memory_space<semaphore_mem>>)
      } else {
      }
      %add3A_147 = arith.constant 4 : i32
      %add3A_148 = arith.addi %mul3A_51, %add3A_147 : i32
      %lt3A_149 = arith.constant 74 : i32
      %lt3A_150 = arith.cmpi slt, %add3A_148, %lt3A_149 : i32
      %convert_element_type3A_151 = arith.extui %lt3A_150 : i1 to i32
      %cond3A_152 = arith.constant 0 : i32
      %cond3A_153 = arith.cmpi ne, %convert_element_type3A_151, %cond3A_152 : i32
      scf.if %cond3A_153 {
        %mul3A_175 = arith.constant 80 : i32
        %mul3A_176 = arith.muli %add3A_148, %mul3A_175 : i32
        %add3A_177 = arith.addi %mul3A_2, %mul3A_176 : i32
        %dma_wait3A = arith.constant 0 : i32
        %dma_wait3A_178 = tpu.memref_slice %arg4[%add3A_177, %dma_wait3A] : memref<189440x128xf32, #tpu.memory_space<hbm>> -> memref<80x128xf32, #tpu.memory_space<hbm>>
        %dma_wait3A_179 = arith.constant 0 : i32
        %dma_wait3A_180 = tpu.memref_slice %arg4[%add3A_177, %dma_wait3A_179] : memref<189440x128xf32, #tpu.memory_space<hbm>> -> memref<80x128xf32, #tpu.memory_space<hbm>>
        tpu.wait_dma2 semaphore(%arg22 : memref<!tpu.dma_semaphore, #tpu.memory_space<semaphore_mem>>) src(%arg10 : memref<80x128xf32, #tpu.memory_space<vmem>>) dst(%dma_wait3A_180 : memref<80x128xf32, #tpu.memory_space<hbm>>)
      } else {
      }
      %add3A_154 = arith.constant 6 : i32
      %add3A_155 = arith.addi %add3A_148, %add3A_154 : i32
      %lt3A_156 = arith.constant 74 : i32
      %lt3A_157 = arith.cmpi slt, %add3A_155, %lt3A_156 : i32
      %convert_element_type3A_158 = arith.extui %lt3A_157 : i1 to i32
      %cond3A_159 = arith.constant 0 : i32
      %cond3A_160 = arith.cmpi ne, %convert_element_type3A_158, %cond3A_159 : i32
      scf.if %cond3A_160 {
        %add3A_175 = arith.constant 6 : i32
        %add3A_176 = arith.addi %add3A_148, %add3A_175 : i32
        %dma_start3A_177 = arith.constant 0 : i32
        %dma_start3A_178 = tpu.memref_slice %arg5[%add3A_176, %dma_start3A_177] : memref<74x80xi32, #tpu.memory_space<vmem>> -> memref<1x80xi32, #tpu.memory_space<vmem>>
        %dma_start3A_179 = tpu.memref_squeeze %dma_start3A_178 : memref<1x80xi32, #tpu.memory_space<vmem>> -> memref<80xi32, #tpu.memory_space<vmem>>
        %dma_start3A_180 = arith.constant 0 : i32
        %dma_start3A_181 = arith.constant 0 : i32
        %dma_start3A_182 = tpu.memref_slice %arg3[%dma_start3A_180, %dma_start3A_181] : memref<160000x128xf32, #tpu.memory_space<hbm>> -> memref<160000x128xf32, #tpu.memory_space<hbm>>
        tpu.enqueue_indirect_dma source(%dma_start3A_182 : memref<160000x128xf32, #tpu.memory_space<hbm>>) target(%arg10 : memref<80x128xf32, #tpu.memory_space<vmem>>) offsets(%dma_start3A_179 : memref<80xi32, #tpu.memory_space<vmem>>) semaphore(%arg16 : memref<!tpu.dma_semaphore, #tpu.memory_space<semaphore_mem>>)
      } else {
      }
      %add3A_161 = arith.constant 5 : i32
      %add3A_162 = arith.addi %mul3A_51, %add3A_161 : i32
      %lt3A_163 = arith.constant 74 : i32
      %lt3A_164 = arith.cmpi slt, %add3A_162, %lt3A_163 : i32
      %convert_element_type3A_165 = arith.extui %lt3A_164 : i1 to i32
      %cond3A_166 = arith.constant 0 : i32
      %cond3A_167 = arith.cmpi ne, %convert_element_type3A_165, %cond3A_166 : i32
      scf.if %cond3A_167 {
        %mul3A_175 = arith.constant 80 : i32
        %mul3A_176 = arith.muli %add3A_162, %mul3A_175 : i32
        %add3A_177 = arith.addi %mul3A_2, %mul3A_176 : i32
        %dma_wait3A = arith.constant 0 : i32
        %dma_wait3A_178 = tpu.memref_slice %arg4[%add3A_177, %dma_wait3A] : memref<189440x128xf32, #tpu.memory_space<hbm>> -> memref<80x128xf32, #tpu.memory_space<hbm>>
        %dma_wait3A_179 = arith.constant 0 : i32
        %dma_wait3A_180 = tpu.memref_slice %arg4[%add3A_177, %dma_wait3A_179] : memref<189440x128xf32, #tpu.memory_space<hbm>> -> memref<80x128xf32, #tpu.memory_space<hbm>>
        tpu.wait_dma2 semaphore(%arg23 : memref<!tpu.dma_semaphore, #tpu.memory_space<semaphore_mem>>) src(%arg11 : memref<80x128xf32, #tpu.memory_space<vmem>>) dst(%dma_wait3A_180 : memref<80x128xf32, #tpu.memory_space<hbm>>)
      } else {
      }
      %add3A_168 = arith.constant 6 : i32
      %add3A_169 = arith.addi %add3A_162, %add3A_168 : i32
      %lt3A_170 = arith.constant 74 : i32
      %lt3A_171 = arith.cmpi slt, %add3A_169, %lt3A_170 : i32
      %convert_element_type3A_172 = arith.extui %lt3A_171 : i1 to i32
      %cond3A_173 = arith.constant 0 : i32
      %cond3A_174 = arith.cmpi ne, %convert_element_type3A_172, %cond3A_173 : i32
      scf.if %cond3A_174 {
        %add3A_175 = arith.constant 6 : i32
        %add3A_176 = arith.addi %add3A_162, %add3A_175 : i32
        %dma_start3A_177 = arith.constant 0 : i32
        %dma_start3A_178 = tpu.memref_slice %arg5[%add3A_176, %dma_start3A_177] : memref<74x80xi32, #tpu.memory_space<vmem>> -> memref<1x80xi32, #tpu.memory_space<vmem>>
        %dma_start3A_179 = tpu.memref_squeeze %dma_start3A_178 : memref<1x80xi32, #tpu.memory_space<vmem>> -> memref<80xi32, #tpu.memory_space<vmem>>
        %dma_start3A_180 = arith.constant 0 : i32
        %dma_start3A_181 = arith.constant 0 : i32
        %dma_start3A_182 = tpu.memref_slice %arg3[%dma_start3A_180, %dma_start3A_181] : memref<160000x128xf32, #tpu.memory_space<hbm>> -> memref<160000x128xf32, #tpu.memory_space<hbm>>
        tpu.enqueue_indirect_dma source(%dma_start3A_182 : memref<160000x128xf32, #tpu.memory_space<hbm>>) target(%arg11 : memref<80x128xf32, #tpu.memory_space<vmem>>) offsets(%dma_start3A_179 : memref<80xi32, #tpu.memory_space<vmem>>) semaphore(%arg17 : memref<!tpu.dma_semaphore, #tpu.memory_space<semaphore_mem>>)
      } else {
      }
    }
    %scan3A_48 = arith.constant 13 : i32
    return
  }
}

#map = affine_map<(d0, d1) -> (0, 0, 0)>
#map1 = affine_map<(d0, d1) -> (0, 0)>
module attributes {stable_mosaic.version = 14 : i64} {
  func.func @gather_kernel(%arg0: i32, %arg1: i32, %arg2: memref<32x40x128xi32, #tpu.memory_space<hbm>>, %arg3: memref<160000x128xf32, #tpu.memory_space<hbm>>, %arg4: memref<163840x128xf32, #tpu.memory_space<hbm>>, %arg5: memref<40x128xi32, #tpu.memory_space<vmem>>, %arg6: memref<128x128xf32, #tpu.memory_space<vmem>>, %arg7: memref<128x128xf32, #tpu.memory_space<vmem>>, %arg8: memref<128x128xf32, #tpu.memory_space<vmem>>, %arg9: memref<128x128xf32, #tpu.memory_space<vmem>>, %arg10: memref<128x128xf32, #tpu.memory_space<vmem>>, %arg11: memref<128x128xf32, #tpu.memory_space<vmem>>, %arg12: memref<!tpu.dma_semaphore, #tpu.memory_space<semaphore_mem>>, %arg13: memref<!tpu.dma_semaphore, #tpu.memory_space<semaphore_mem>>, %arg14: memref<!tpu.dma_semaphore, #tpu.memory_space<semaphore_mem>>, %arg15: memref<!tpu.dma_semaphore, #tpu.memory_space<semaphore_mem>>, %arg16: memref<!tpu.dma_semaphore, #tpu.memory_space<semaphore_mem>>, %arg17: memref<!tpu.dma_semaphore, #tpu.memory_space<semaphore_mem>>, %arg18: memref<!tpu.dma_semaphore, #tpu.memory_space<semaphore_mem>>, %arg19: memref<!tpu.dma_semaphore, #tpu.memory_space<semaphore_mem>>, %arg20: memref<!tpu.dma_semaphore, #tpu.memory_space<semaphore_mem>>, %arg21: memref<!tpu.dma_semaphore, #tpu.memory_space<semaphore_mem>>, %arg22: memref<!tpu.dma_semaphore, #tpu.memory_space<semaphore_mem>>, %arg23: memref<!tpu.dma_semaphore, #tpu.memory_space<semaphore_mem>>) attributes {dimension_semantics = [#tpu.dimension_semantics<core_parallel>, #tpu.dimension_semantics<subcore_parallel>], iteration_bounds = array<i64: 2, 16>, scalar_prefetch = 0 : i64, scratch_operands = 19 : i64, tpu.core_type = #tpu.core_type<sc_vector_subcore>, window_params = [{transform_indices = #map}, {transform_indices = #map1}, {transform_indices = #map1}]} {
    %mul3A = arith.constant 2 : i32
    %mul3A_0 = arith.muli %arg1, %mul3A : i32
    %add3A = arith.addi %mul3A_0, %arg0 : i32
    %mul3A_1 = arith.constant 5120 : i32
    %mul3A_2 = arith.muli %add3A, %mul3A_1 : i32
    "tpu.region"() ({
      %run_scoped3A = tpu.sem_alloc : memref<!tpu.dma_semaphore, #tpu.memory_space<semaphore_mem>>
      %dma_start3A_49 = arith.constant 0 : i32
      %dma_start3A_50 = arith.constant 0 : i32
      %dma_start3A_51 = tpu.memref_slice %arg2[%add3A, %dma_start3A_49, %dma_start3A_50] : memref<32x40x128xi32, #tpu.memory_space<hbm>> -> memref<1x40x128xi32, #tpu.memory_space<hbm>>
      %dma_start3A_52 = tpu.memref_squeeze %dma_start3A_51 : memref<1x40x128xi32, #tpu.memory_space<hbm>> -> memref<40x128xi32, #tpu.memory_space<hbm>>
      %dma_start3A_53 = arith.constant 0 : i32
      %dma_start3A_54 = arith.constant 0 : i32
      %dma_start3A_55 = tpu.memref_slice %arg2[%add3A, %dma_start3A_53, %dma_start3A_54] : memref<32x40x128xi32, #tpu.memory_space<hbm>> -> memref<1x40x128xi32, #tpu.memory_space<hbm>>
      %dma_start3A_56 = tpu.memref_squeeze %dma_start3A_55 : memref<1x40x128xi32, #tpu.memory_space<hbm>> -> memref<40x128xi32, #tpu.memory_space<hbm>>
      tpu.enqueue_dma source(%dma_start3A_56 : memref<40x128xi32, #tpu.memory_space<hbm>>) target(%arg5 : memref<40x128xi32, #tpu.memory_space<vmem>>) target_semaphore(%run_scoped3A : memref<!tpu.dma_semaphore, #tpu.memory_space<semaphore_mem>>)
      %dma_wait3A = arith.constant 0 : i32
      %dma_wait3A_57 = arith.constant 0 : i32
      %dma_wait3A_58 = tpu.memref_slice %arg2[%add3A, %dma_wait3A, %dma_wait3A_57] : memref<32x40x128xi32, #tpu.memory_space<hbm>> -> memref<1x40x128xi32, #tpu.memory_space<hbm>>
      %dma_wait3A_59 = tpu.memref_squeeze %dma_wait3A_58 : memref<1x40x128xi32, #tpu.memory_space<hbm>> -> memref<40x128xi32, #tpu.memory_space<hbm>>
      %dma_wait3A_60 = arith.constant 0 : i32
      %dma_wait3A_61 = arith.constant 0 : i32
      %dma_wait3A_62 = tpu.memref_slice %arg2[%add3A, %dma_wait3A_60, %dma_wait3A_61] : memref<32x40x128xi32, #tpu.memory_space<hbm>> -> memref<1x40x128xi32, #tpu.memory_space<hbm>>
      %dma_wait3A_63 = tpu.memref_squeeze %dma_wait3A_62 : memref<1x40x128xi32, #tpu.memory_space<hbm>> -> memref<40x128xi32, #tpu.memory_space<hbm>>
      tpu.wait_dma2 semaphore(%run_scoped3A : memref<!tpu.dma_semaphore, #tpu.memory_space<semaphore_mem>>) src(%dma_wait3A_63 : memref<40x128xi32, #tpu.memory_space<hbm>>) dst(%arg5 : memref<40x128xi32, #tpu.memory_space<vmem>>)
      tpu.yield
    }) : () -> ()
    %dma_start3A = arith.constant 0 : i32
    %dma_start3A_3 = arith.constant 0 : i32
    %dma_start3A_4 = tpu.memref_slice %arg5[%dma_start3A, %dma_start3A_3] : memref<40x128xi32, #tpu.memory_space<vmem>> -> memref<1x128xi32, #tpu.memory_space<vmem>>
    %dma_start3A_5 = tpu.memref_squeeze %dma_start3A_4 : memref<1x128xi32, #tpu.memory_space<vmem>> -> memref<128xi32, #tpu.memory_space<vmem>>
    %dma_start3A_6 = arith.constant 0 : i32
    %dma_start3A_7 = arith.constant 0 : i32
    %dma_start3A_8 = tpu.memref_slice %arg3[%dma_start3A_6, %dma_start3A_7] : memref<160000x128xf32, #tpu.memory_space<hbm>> -> memref<160000x128xf32, #tpu.memory_space<hbm>>
    tpu.enqueue_indirect_dma source(%dma_start3A_8 : memref<160000x128xf32, #tpu.memory_space<hbm>>) target(%arg6 : memref<128x128xf32, #tpu.memory_space<vmem>>) offsets(%dma_start3A_5 : memref<128xi32, #tpu.memory_space<vmem>>) semaphore(%arg12 : memref<!tpu.dma_semaphore, #tpu.memory_space<semaphore_mem>>)
    %dma_start3A_9 = arith.constant 1 : i32
    %dma_start3A_10 = arith.constant 0 : i32
    %dma_start3A_11 = tpu.memref_slice %arg5[%dma_start3A_9, %dma_start3A_10] : memref<40x128xi32, #tpu.memory_space<vmem>> -> memref<1x128xi32, #tpu.memory_space<vmem>>
    %dma_start3A_12 = tpu.memref_squeeze %dma_start3A_11 : memref<1x128xi32, #tpu.memory_space<vmem>> -> memref<128xi32, #tpu.memory_space<vmem>>
    %dma_start3A_13 = arith.constant 0 : i32
    %dma_start3A_14 = arith.constant 0 : i32
    %dma_start3A_15 = tpu.memref_slice %arg3[%dma_start3A_13, %dma_start3A_14] : memref<160000x128xf32, #tpu.memory_space<hbm>> -> memref<160000x128xf32, #tpu.memory_space<hbm>>
    tpu.enqueue_indirect_dma source(%dma_start3A_15 : memref<160000x128xf32, #tpu.memory_space<hbm>>) target(%arg7 : memref<128x128xf32, #tpu.memory_space<vmem>>) offsets(%dma_start3A_12 : memref<128xi32, #tpu.memory_space<vmem>>) semaphore(%arg13 : memref<!tpu.dma_semaphore, #tpu.memory_space<semaphore_mem>>)
    %dma_start3A_16 = arith.constant 2 : i32
    %dma_start3A_17 = arith.constant 0 : i32
    %dma_start3A_18 = tpu.memref_slice %arg5[%dma_start3A_16, %dma_start3A_17] : memref<40x128xi32, #tpu.memory_space<vmem>> -> memref<1x128xi32, #tpu.memory_space<vmem>>
    %dma_start3A_19 = tpu.memref_squeeze %dma_start3A_18 : memref<1x128xi32, #tpu.memory_space<vmem>> -> memref<128xi32, #tpu.memory_space<vmem>>
    %dma_start3A_20 = arith.constant 0 : i32
    %dma_start3A_21 = arith.constant 0 : i32
    %dma_start3A_22 = tpu.memref_slice %arg3[%dma_start3A_20, %dma_start3A_21] : memref<160000x128xf32, #tpu.memory_space<hbm>> -> memref<160000x128xf32, #tpu.memory_space<hbm>>
    tpu.enqueue_indirect_dma source(%dma_start3A_22 : memref<160000x128xf32, #tpu.memory_space<hbm>>) target(%arg8 : memref<128x128xf32, #tpu.memory_space<vmem>>) offsets(%dma_start3A_19 : memref<128xi32, #tpu.memory_space<vmem>>) semaphore(%arg14 : memref<!tpu.dma_semaphore, #tpu.memory_space<semaphore_mem>>)
    %dma_start3A_23 = arith.constant 3 : i32
    %dma_start3A_24 = arith.constant 0 : i32
    %dma_start3A_25 = tpu.memref_slice %arg5[%dma_start3A_23, %dma_start3A_24] : memref<40x128xi32, #tpu.memory_space<vmem>> -> memref<1x128xi32, #tpu.memory_space<vmem>>
    %dma_start3A_26 = tpu.memref_squeeze %dma_start3A_25 : memref<1x128xi32, #tpu.memory_space<vmem>> -> memref<128xi32, #tpu.memory_space<vmem>>
    %dma_start3A_27 = arith.constant 0 : i32
    %dma_start3A_28 = arith.constant 0 : i32
    %dma_start3A_29 = tpu.memref_slice %arg3[%dma_start3A_27, %dma_start3A_28] : memref<160000x128xf32, #tpu.memory_space<hbm>> -> memref<160000x128xf32, #tpu.memory_space<hbm>>
    tpu.enqueue_indirect_dma source(%dma_start3A_29 : memref<160000x128xf32, #tpu.memory_space<hbm>>) target(%arg9 : memref<128x128xf32, #tpu.memory_space<vmem>>) offsets(%dma_start3A_26 : memref<128xi32, #tpu.memory_space<vmem>>) semaphore(%arg15 : memref<!tpu.dma_semaphore, #tpu.memory_space<semaphore_mem>>)
    %dma_start3A_30 = arith.constant 4 : i32
    %dma_start3A_31 = arith.constant 0 : i32
    %dma_start3A_32 = tpu.memref_slice %arg5[%dma_start3A_30, %dma_start3A_31] : memref<40x128xi32, #tpu.memory_space<vmem>> -> memref<1x128xi32, #tpu.memory_space<vmem>>
    %dma_start3A_33 = tpu.memref_squeeze %dma_start3A_32 : memref<1x128xi32, #tpu.memory_space<vmem>> -> memref<128xi32, #tpu.memory_space<vmem>>
    %dma_start3A_34 = arith.constant 0 : i32
    %dma_start3A_35 = arith.constant 0 : i32
    %dma_start3A_36 = tpu.memref_slice %arg3[%dma_start3A_34, %dma_start3A_35] : memref<160000x128xf32, #tpu.memory_space<hbm>> -> memref<160000x128xf32, #tpu.memory_space<hbm>>
    tpu.enqueue_indirect_dma source(%dma_start3A_36 : memref<160000x128xf32, #tpu.memory_space<hbm>>) target(%arg10 : memref<128x128xf32, #tpu.memory_space<vmem>>) offsets(%dma_start3A_33 : memref<128xi32, #tpu.memory_space<vmem>>) semaphore(%arg16 : memref<!tpu.dma_semaphore, #tpu.memory_space<semaphore_mem>>)
    %dma_start3A_37 = arith.constant 5 : i32
    %dma_start3A_38 = arith.constant 0 : i32
    %dma_start3A_39 = tpu.memref_slice %arg5[%dma_start3A_37, %dma_start3A_38] : memref<40x128xi32, #tpu.memory_space<vmem>> -> memref<1x128xi32, #tpu.memory_space<vmem>>
    %dma_start3A_40 = tpu.memref_squeeze %dma_start3A_39 : memref<1x128xi32, #tpu.memory_space<vmem>> -> memref<128xi32, #tpu.memory_space<vmem>>
    %dma_start3A_41 = arith.constant 0 : i32
    %dma_start3A_42 = arith.constant 0 : i32
    %dma_start3A_43 = tpu.memref_slice %arg3[%dma_start3A_41, %dma_start3A_42] : memref<160000x128xf32, #tpu.memory_space<hbm>> -> memref<160000x128xf32, #tpu.memory_space<hbm>>
    tpu.enqueue_indirect_dma source(%dma_start3A_43 : memref<160000x128xf32, #tpu.memory_space<hbm>>) target(%arg11 : memref<128x128xf32, #tpu.memory_space<vmem>>) offsets(%dma_start3A_40 : memref<128xi32, #tpu.memory_space<vmem>>) semaphore(%arg17 : memref<!tpu.dma_semaphore, #tpu.memory_space<semaphore_mem>>)
    %scan3A = arith.constant 0 : i32
    %scan3A_44 = arith.constant 0 : i32
    %scan3A_45 = arith.constant 7 : i32
    %scan3A_46 = arith.addi %scan3A_44, %scan3A_45 : i32
    %scan3A_47 = arith.constant 1 : i32
    scf.for %scan3A_49 = %scan3A_44 to %scan3A_46 step %scan3A_47  : i32 {
      %mul3A_50 = arith.constant 6 : i32
      %mul3A_51 = arith.muli %scan3A_49, %mul3A_50 : i32
      %add3A_52 = arith.constant 0 : i32
      %add3A_53 = arith.addi %mul3A_51, %add3A_52 : i32
      %lt3A = arith.constant 40 : i32
      %lt3A_54 = arith.cmpi slt, %add3A_53, %lt3A : i32
      %convert_element_type3A = arith.extui %lt3A_54 : i1 to i32
      %cond3A = arith.constant 0 : i32
      %cond3A_55 = arith.cmpi ne, %convert_element_type3A, %cond3A : i32
      scf.if %cond3A_55 {
        %dma_wait3A = arith.constant 0 : i32
        %dma_wait3A_175 = tpu.memref_slice %arg5[%add3A_53, %dma_wait3A] : memref<40x128xi32, #tpu.memory_space<vmem>> -> memref<1x128xi32, #tpu.memory_space<vmem>>
        %dma_wait3A_176 = tpu.memref_squeeze %dma_wait3A_175 : memref<1x128xi32, #tpu.memory_space<vmem>> -> memref<128xi32, #tpu.memory_space<vmem>>
        %dma_wait3A_177 = arith.constant 0 : i32
        %dma_wait3A_178 = arith.constant 0 : i32
        %dma_wait3A_179 = tpu.memref_slice %arg3[%dma_wait3A_177, %dma_wait3A_178] : memref<160000x128xf32, #tpu.memory_space<hbm>> -> memref<160000x128xf32, #tpu.memory_space<hbm>>
        tpu.wait_indirect_dma semaphore(%arg12 : memref<!tpu.dma_semaphore, #tpu.memory_space<semaphore_mem>>) src(%dma_wait3A_179 : memref<160000x128xf32, #tpu.memory_space<hbm>>) dst(%arg6 : memref<128x128xf32, #tpu.memory_space<vmem>>)
        %mul3A_180 = arith.constant 128 : i32
        %mul3A_181 = arith.muli %add3A_53, %mul3A_180 : i32
        %add3A_182 = arith.addi %mul3A_2, %mul3A_181 : i32
        %dma_start3A_183 = arith.constant 0 : i32
        %dma_start3A_184 = tpu.memref_slice %arg4[%add3A_182, %dma_start3A_183] : memref<163840x128xf32, #tpu.memory_space<hbm>> -> memref<128x128xf32, #tpu.memory_space<hbm>>
        %dma_start3A_185 = arith.constant 0 : i32
        %dma_start3A_186 = tpu.memref_slice %arg4[%add3A_182, %dma_start3A_185] : memref<163840x128xf32, #tpu.memory_space<hbm>> -> memref<128x128xf32, #tpu.memory_space<hbm>>
        tpu.enqueue_dma source(%arg6 : memref<128x128xf32, #tpu.memory_space<vmem>>) target(%dma_start3A_186 : memref<128x128xf32, #tpu.memory_space<hbm>>) target_semaphore(%arg18 : memref<!tpu.dma_semaphore, #tpu.memory_space<semaphore_mem>>)
      } else {
      }
      %add3A_56 = arith.constant 1 : i32
      %add3A_57 = arith.addi %mul3A_51, %add3A_56 : i32
      %lt3A_58 = arith.constant 40 : i32
      %lt3A_59 = arith.cmpi slt, %add3A_57, %lt3A_58 : i32
      %convert_element_type3A_60 = arith.extui %lt3A_59 : i1 to i32
      %cond3A_61 = arith.constant 0 : i32
      %cond3A_62 = arith.cmpi ne, %convert_element_type3A_60, %cond3A_61 : i32
      scf.if %cond3A_62 {
        %dma_wait3A = arith.constant 0 : i32
        %dma_wait3A_175 = tpu.memref_slice %arg5[%add3A_57, %dma_wait3A] : memref<40x128xi32, #tpu.memory_space<vmem>> -> memref<1x128xi32, #tpu.memory_space<vmem>>
        %dma_wait3A_176 = tpu.memref_squeeze %dma_wait3A_175 : memref<1x128xi32, #tpu.memory_space<vmem>> -> memref<128xi32, #tpu.memory_space<vmem>>
        %dma_wait3A_177 = arith.constant 0 : i32
        %dma_wait3A_178 = arith.constant 0 : i32
        %dma_wait3A_179 = tpu.memref_slice %arg3[%dma_wait3A_177, %dma_wait3A_178] : memref<160000x128xf32, #tpu.memory_space<hbm>> -> memref<160000x128xf32, #tpu.memory_space<hbm>>
        tpu.wait_indirect_dma semaphore(%arg13 : memref<!tpu.dma_semaphore, #tpu.memory_space<semaphore_mem>>) src(%dma_wait3A_179 : memref<160000x128xf32, #tpu.memory_space<hbm>>) dst(%arg7 : memref<128x128xf32, #tpu.memory_space<vmem>>)
        %mul3A_180 = arith.constant 128 : i32
        %mul3A_181 = arith.muli %add3A_57, %mul3A_180 : i32
        %add3A_182 = arith.addi %mul3A_2, %mul3A_181 : i32
        %dma_start3A_183 = arith.constant 0 : i32
        %dma_start3A_184 = tpu.memref_slice %arg4[%add3A_182, %dma_start3A_183] : memref<163840x128xf32, #tpu.memory_space<hbm>> -> memref<128x128xf32, #tpu.memory_space<hbm>>
        %dma_start3A_185 = arith.constant 0 : i32
        %dma_start3A_186 = tpu.memref_slice %arg4[%add3A_182, %dma_start3A_185] : memref<163840x128xf32, #tpu.memory_space<hbm>> -> memref<128x128xf32, #tpu.memory_space<hbm>>
        tpu.enqueue_dma source(%arg7 : memref<128x128xf32, #tpu.memory_space<vmem>>) target(%dma_start3A_186 : memref<128x128xf32, #tpu.memory_space<hbm>>) target_semaphore(%arg19 : memref<!tpu.dma_semaphore, #tpu.memory_space<semaphore_mem>>)
      } else {
      }
      %add3A_63 = arith.constant 2 : i32
      %add3A_64 = arith.addi %mul3A_51, %add3A_63 : i32
      %lt3A_65 = arith.constant 40 : i32
      %lt3A_66 = arith.cmpi slt, %add3A_64, %lt3A_65 : i32
      %convert_element_type3A_67 = arith.extui %lt3A_66 : i1 to i32
      %cond3A_68 = arith.constant 0 : i32
      %cond3A_69 = arith.cmpi ne, %convert_element_type3A_67, %cond3A_68 : i32
      scf.if %cond3A_69 {
        %dma_wait3A = arith.constant 0 : i32
        %dma_wait3A_175 = tpu.memref_slice %arg5[%add3A_64, %dma_wait3A] : memref<40x128xi32, #tpu.memory_space<vmem>> -> memref<1x128xi32, #tpu.memory_space<vmem>>
        %dma_wait3A_176 = tpu.memref_squeeze %dma_wait3A_175 : memref<1x128xi32, #tpu.memory_space<vmem>> -> memref<128xi32, #tpu.memory_space<vmem>>
        %dma_wait3A_177 = arith.constant 0 : i32
        %dma_wait3A_178 = arith.constant 0 : i32
        %dma_wait3A_179 = tpu.memref_slice %arg3[%dma_wait3A_177, %dma_wait3A_178] : memref<160000x128xf32, #tpu.memory_space<hbm>> -> memref<160000x128xf32, #tpu.memory_space<hbm>>
        tpu.wait_indirect_dma semaphore(%arg14 : memref<!tpu.dma_semaphore, #tpu.memory_space<semaphore_mem>>) src(%dma_wait3A_179 : memref<160000x128xf32, #tpu.memory_space<hbm>>) dst(%arg8 : memref<128x128xf32, #tpu.memory_space<vmem>>)
        %mul3A_180 = arith.constant 128 : i32
        %mul3A_181 = arith.muli %add3A_64, %mul3A_180 : i32
        %add3A_182 = arith.addi %mul3A_2, %mul3A_181 : i32
        %dma_start3A_183 = arith.constant 0 : i32
        %dma_start3A_184 = tpu.memref_slice %arg4[%add3A_182, %dma_start3A_183] : memref<163840x128xf32, #tpu.memory_space<hbm>> -> memref<128x128xf32, #tpu.memory_space<hbm>>
        %dma_start3A_185 = arith.constant 0 : i32
        %dma_start3A_186 = tpu.memref_slice %arg4[%add3A_182, %dma_start3A_185] : memref<163840x128xf32, #tpu.memory_space<hbm>> -> memref<128x128xf32, #tpu.memory_space<hbm>>
        tpu.enqueue_dma source(%arg8 : memref<128x128xf32, #tpu.memory_space<vmem>>) target(%dma_start3A_186 : memref<128x128xf32, #tpu.memory_space<hbm>>) target_semaphore(%arg20 : memref<!tpu.dma_semaphore, #tpu.memory_space<semaphore_mem>>)
      } else {
      }
      %add3A_70 = arith.constant 3 : i32
      %add3A_71 = arith.addi %mul3A_51, %add3A_70 : i32
      %lt3A_72 = arith.constant 40 : i32
      %lt3A_73 = arith.cmpi slt, %add3A_71, %lt3A_72 : i32
      %convert_element_type3A_74 = arith.extui %lt3A_73 : i1 to i32
      %cond3A_75 = arith.constant 0 : i32
      %cond3A_76 = arith.cmpi ne, %convert_element_type3A_74, %cond3A_75 : i32
      scf.if %cond3A_76 {
        %dma_wait3A = arith.constant 0 : i32
        %dma_wait3A_175 = tpu.memref_slice %arg5[%add3A_71, %dma_wait3A] : memref<40x128xi32, #tpu.memory_space<vmem>> -> memref<1x128xi32, #tpu.memory_space<vmem>>
        %dma_wait3A_176 = tpu.memref_squeeze %dma_wait3A_175 : memref<1x128xi32, #tpu.memory_space<vmem>> -> memref<128xi32, #tpu.memory_space<vmem>>
        %dma_wait3A_177 = arith.constant 0 : i32
        %dma_wait3A_178 = arith.constant 0 : i32
        %dma_wait3A_179 = tpu.memref_slice %arg3[%dma_wait3A_177, %dma_wait3A_178] : memref<160000x128xf32, #tpu.memory_space<hbm>> -> memref<160000x128xf32, #tpu.memory_space<hbm>>
        tpu.wait_indirect_dma semaphore(%arg15 : memref<!tpu.dma_semaphore, #tpu.memory_space<semaphore_mem>>) src(%dma_wait3A_179 : memref<160000x128xf32, #tpu.memory_space<hbm>>) dst(%arg9 : memref<128x128xf32, #tpu.memory_space<vmem>>)
        %mul3A_180 = arith.constant 128 : i32
        %mul3A_181 = arith.muli %add3A_71, %mul3A_180 : i32
        %add3A_182 = arith.addi %mul3A_2, %mul3A_181 : i32
        %dma_start3A_183 = arith.constant 0 : i32
        %dma_start3A_184 = tpu.memref_slice %arg4[%add3A_182, %dma_start3A_183] : memref<163840x128xf32, #tpu.memory_space<hbm>> -> memref<128x128xf32, #tpu.memory_space<hbm>>
        %dma_start3A_185 = arith.constant 0 : i32
        %dma_start3A_186 = tpu.memref_slice %arg4[%add3A_182, %dma_start3A_185] : memref<163840x128xf32, #tpu.memory_space<hbm>> -> memref<128x128xf32, #tpu.memory_space<hbm>>
        tpu.enqueue_dma source(%arg9 : memref<128x128xf32, #tpu.memory_space<vmem>>) target(%dma_start3A_186 : memref<128x128xf32, #tpu.memory_space<hbm>>) target_semaphore(%arg21 : memref<!tpu.dma_semaphore, #tpu.memory_space<semaphore_mem>>)
      } else {
      }
      %add3A_77 = arith.constant 4 : i32
      %add3A_78 = arith.addi %mul3A_51, %add3A_77 : i32
      %lt3A_79 = arith.constant 40 : i32
      %lt3A_80 = arith.cmpi slt, %add3A_78, %lt3A_79 : i32
      %convert_element_type3A_81 = arith.extui %lt3A_80 : i1 to i32
      %cond3A_82 = arith.constant 0 : i32
      %cond3A_83 = arith.cmpi ne, %convert_element_type3A_81, %cond3A_82 : i32
      scf.if %cond3A_83 {
        %dma_wait3A = arith.constant 0 : i32
        %dma_wait3A_175 = tpu.memref_slice %arg5[%add3A_78, %dma_wait3A] : memref<40x128xi32, #tpu.memory_space<vmem>> -> memref<1x128xi32, #tpu.memory_space<vmem>>
        %dma_wait3A_176 = tpu.memref_squeeze %dma_wait3A_175 : memref<1x128xi32, #tpu.memory_space<vmem>> -> memref<128xi32, #tpu.memory_space<vmem>>
        %dma_wait3A_177 = arith.constant 0 : i32
        %dma_wait3A_178 = arith.constant 0 : i32
        %dma_wait3A_179 = tpu.memref_slice %arg3[%dma_wait3A_177, %dma_wait3A_178] : memref<160000x128xf32, #tpu.memory_space<hbm>> -> memref<160000x128xf32, #tpu.memory_space<hbm>>
        tpu.wait_indirect_dma semaphore(%arg16 : memref<!tpu.dma_semaphore, #tpu.memory_space<semaphore_mem>>) src(%dma_wait3A_179 : memref<160000x128xf32, #tpu.memory_space<hbm>>) dst(%arg10 : memref<128x128xf32, #tpu.memory_space<vmem>>)
        %mul3A_180 = arith.constant 128 : i32
        %mul3A_181 = arith.muli %add3A_78, %mul3A_180 : i32
        %add3A_182 = arith.addi %mul3A_2, %mul3A_181 : i32
        %dma_start3A_183 = arith.constant 0 : i32
        %dma_start3A_184 = tpu.memref_slice %arg4[%add3A_182, %dma_start3A_183] : memref<163840x128xf32, #tpu.memory_space<hbm>> -> memref<128x128xf32, #tpu.memory_space<hbm>>
        %dma_start3A_185 = arith.constant 0 : i32
        %dma_start3A_186 = tpu.memref_slice %arg4[%add3A_182, %dma_start3A_185] : memref<163840x128xf32, #tpu.memory_space<hbm>> -> memref<128x128xf32, #tpu.memory_space<hbm>>
        tpu.enqueue_dma source(%arg10 : memref<128x128xf32, #tpu.memory_space<vmem>>) target(%dma_start3A_186 : memref<128x128xf32, #tpu.memory_space<hbm>>) target_semaphore(%arg22 : memref<!tpu.dma_semaphore, #tpu.memory_space<semaphore_mem>>)
      } else {
      }
      %add3A_84 = arith.constant 5 : i32
      %add3A_85 = arith.addi %mul3A_51, %add3A_84 : i32
      %lt3A_86 = arith.constant 40 : i32
      %lt3A_87 = arith.cmpi slt, %add3A_85, %lt3A_86 : i32
      %convert_element_type3A_88 = arith.extui %lt3A_87 : i1 to i32
      %cond3A_89 = arith.constant 0 : i32
      %cond3A_90 = arith.cmpi ne, %convert_element_type3A_88, %cond3A_89 : i32
      scf.if %cond3A_90 {
        %dma_wait3A = arith.constant 0 : i32
        %dma_wait3A_175 = tpu.memref_slice %arg5[%add3A_85, %dma_wait3A] : memref<40x128xi32, #tpu.memory_space<vmem>> -> memref<1x128xi32, #tpu.memory_space<vmem>>
        %dma_wait3A_176 = tpu.memref_squeeze %dma_wait3A_175 : memref<1x128xi32, #tpu.memory_space<vmem>> -> memref<128xi32, #tpu.memory_space<vmem>>
        %dma_wait3A_177 = arith.constant 0 : i32
        %dma_wait3A_178 = arith.constant 0 : i32
        %dma_wait3A_179 = tpu.memref_slice %arg3[%dma_wait3A_177, %dma_wait3A_178] : memref<160000x128xf32, #tpu.memory_space<hbm>> -> memref<160000x128xf32, #tpu.memory_space<hbm>>
        tpu.wait_indirect_dma semaphore(%arg17 : memref<!tpu.dma_semaphore, #tpu.memory_space<semaphore_mem>>) src(%dma_wait3A_179 : memref<160000x128xf32, #tpu.memory_space<hbm>>) dst(%arg11 : memref<128x128xf32, #tpu.memory_space<vmem>>)
        %mul3A_180 = arith.constant 128 : i32
        %mul3A_181 = arith.muli %add3A_85, %mul3A_180 : i32
        %add3A_182 = arith.addi %mul3A_2, %mul3A_181 : i32
        %dma_start3A_183 = arith.constant 0 : i32
        %dma_start3A_184 = tpu.memref_slice %arg4[%add3A_182, %dma_start3A_183] : memref<163840x128xf32, #tpu.memory_space<hbm>> -> memref<128x128xf32, #tpu.memory_space<hbm>>
        %dma_start3A_185 = arith.constant 0 : i32
        %dma_start3A_186 = tpu.memref_slice %arg4[%add3A_182, %dma_start3A_185] : memref<163840x128xf32, #tpu.memory_space<hbm>> -> memref<128x128xf32, #tpu.memory_space<hbm>>
        tpu.enqueue_dma source(%arg11 : memref<128x128xf32, #tpu.memory_space<vmem>>) target(%dma_start3A_186 : memref<128x128xf32, #tpu.memory_space<hbm>>) target_semaphore(%arg23 : memref<!tpu.dma_semaphore, #tpu.memory_space<semaphore_mem>>)
      } else {
      }
      %add3A_91 = arith.constant 0 : i32
      %add3A_92 = arith.addi %mul3A_51, %add3A_91 : i32
      %lt3A_93 = arith.constant 40 : i32
      %lt3A_94 = arith.cmpi slt, %add3A_92, %lt3A_93 : i32
      %convert_element_type3A_95 = arith.extui %lt3A_94 : i1 to i32
      %cond3A_96 = arith.constant 0 : i32
      %cond3A_97 = arith.cmpi ne, %convert_element_type3A_95, %cond3A_96 : i32
      scf.if %cond3A_97 {
        %mul3A_175 = arith.constant 128 : i32
        %mul3A_176 = arith.muli %add3A_92, %mul3A_175 : i32
        %add3A_177 = arith.addi %mul3A_2, %mul3A_176 : i32
        %dma_wait3A = arith.constant 0 : i32
        %dma_wait3A_178 = tpu.memref_slice %arg4[%add3A_177, %dma_wait3A] : memref<163840x128xf32, #tpu.memory_space<hbm>> -> memref<128x128xf32, #tpu.memory_space<hbm>>
        %dma_wait3A_179 = arith.constant 0 : i32
        %dma_wait3A_180 = tpu.memref_slice %arg4[%add3A_177, %dma_wait3A_179] : memref<163840x128xf32, #tpu.memory_space<hbm>> -> memref<128x128xf32, #tpu.memory_space<hbm>>
        tpu.wait_dma2 semaphore(%arg18 : memref<!tpu.dma_semaphore, #tpu.memory_space<semaphore_mem>>) src(%arg6 : memref<128x128xf32, #tpu.memory_space<vmem>>) dst(%dma_wait3A_180 : memref<128x128xf32, #tpu.memory_space<hbm>>)
      } else {
      }
      %add3A_98 = arith.constant 6 : i32
      %add3A_99 = arith.addi %add3A_92, %add3A_98 : i32
      %lt3A_100 = arith.constant 40 : i32
      %lt3A_101 = arith.cmpi slt, %add3A_99, %lt3A_100 : i32
      %convert_element_type3A_102 = arith.extui %lt3A_101 : i1 to i32
      %cond3A_103 = arith.constant 0 : i32
      %cond3A_104 = arith.cmpi ne, %convert_element_type3A_102, %cond3A_103 : i32
      scf.if %cond3A_104 {
        %add3A_175 = arith.constant 6 : i32
        %add3A_176 = arith.addi %add3A_92, %add3A_175 : i32
        %dma_start3A_177 = arith.constant 0 : i32
        %dma_start3A_178 = tpu.memref_slice %arg5[%add3A_176, %dma_start3A_177] : memref<40x128xi32, #tpu.memory_space<vmem>> -> memref<1x128xi32, #tpu.memory_space<vmem>>
        %dma_start3A_179 = tpu.memref_squeeze %dma_start3A_178 : memref<1x128xi32, #tpu.memory_space<vmem>> -> memref<128xi32, #tpu.memory_space<vmem>>
        %dma_start3A_180 = arith.constant 0 : i32
        %dma_start3A_181 = arith.constant 0 : i32
        %dma_start3A_182 = tpu.memref_slice %arg3[%dma_start3A_180, %dma_start3A_181] : memref<160000x128xf32, #tpu.memory_space<hbm>> -> memref<160000x128xf32, #tpu.memory_space<hbm>>
        tpu.enqueue_indirect_dma source(%dma_start3A_182 : memref<160000x128xf32, #tpu.memory_space<hbm>>) target(%arg6 : memref<128x128xf32, #tpu.memory_space<vmem>>) offsets(%dma_start3A_179 : memref<128xi32, #tpu.memory_space<vmem>>) semaphore(%arg12 : memref<!tpu.dma_semaphore, #tpu.memory_space<semaphore_mem>>)
      } else {
      }
      %add3A_105 = arith.constant 1 : i32
      %add3A_106 = arith.addi %mul3A_51, %add3A_105 : i32
      %lt3A_107 = arith.constant 40 : i32
      %lt3A_108 = arith.cmpi slt, %add3A_106, %lt3A_107 : i32
      %convert_element_type3A_109 = arith.extui %lt3A_108 : i1 to i32
      %cond3A_110 = arith.constant 0 : i32
      %cond3A_111 = arith.cmpi ne, %convert_element_type3A_109, %cond3A_110 : i32
      scf.if %cond3A_111 {
        %mul3A_175 = arith.constant 128 : i32
        %mul3A_176 = arith.muli %add3A_106, %mul3A_175 : i32
        %add3A_177 = arith.addi %mul3A_2, %mul3A_176 : i32
        %dma_wait3A = arith.constant 0 : i32
        %dma_wait3A_178 = tpu.memref_slice %arg4[%add3A_177, %dma_wait3A] : memref<163840x128xf32, #tpu.memory_space<hbm>> -> memref<128x128xf32, #tpu.memory_space<hbm>>
        %dma_wait3A_179 = arith.constant 0 : i32
        %dma_wait3A_180 = tpu.memref_slice %arg4[%add3A_177, %dma_wait3A_179] : memref<163840x128xf32, #tpu.memory_space<hbm>> -> memref<128x128xf32, #tpu.memory_space<hbm>>
        tpu.wait_dma2 semaphore(%arg19 : memref<!tpu.dma_semaphore, #tpu.memory_space<semaphore_mem>>) src(%arg7 : memref<128x128xf32, #tpu.memory_space<vmem>>) dst(%dma_wait3A_180 : memref<128x128xf32, #tpu.memory_space<hbm>>)
      } else {
      }
      %add3A_112 = arith.constant 6 : i32
      %add3A_113 = arith.addi %add3A_106, %add3A_112 : i32
      %lt3A_114 = arith.constant 40 : i32
      %lt3A_115 = arith.cmpi slt, %add3A_113, %lt3A_114 : i32
      %convert_element_type3A_116 = arith.extui %lt3A_115 : i1 to i32
      %cond3A_117 = arith.constant 0 : i32
      %cond3A_118 = arith.cmpi ne, %convert_element_type3A_116, %cond3A_117 : i32
      scf.if %cond3A_118 {
        %add3A_175 = arith.constant 6 : i32
        %add3A_176 = arith.addi %add3A_106, %add3A_175 : i32
        %dma_start3A_177 = arith.constant 0 : i32
        %dma_start3A_178 = tpu.memref_slice %arg5[%add3A_176, %dma_start3A_177] : memref<40x128xi32, #tpu.memory_space<vmem>> -> memref<1x128xi32, #tpu.memory_space<vmem>>
        %dma_start3A_179 = tpu.memref_squeeze %dma_start3A_178 : memref<1x128xi32, #tpu.memory_space<vmem>> -> memref<128xi32, #tpu.memory_space<vmem>>
        %dma_start3A_180 = arith.constant 0 : i32
        %dma_start3A_181 = arith.constant 0 : i32
        %dma_start3A_182 = tpu.memref_slice %arg3[%dma_start3A_180, %dma_start3A_181] : memref<160000x128xf32, #tpu.memory_space<hbm>> -> memref<160000x128xf32, #tpu.memory_space<hbm>>
        tpu.enqueue_indirect_dma source(%dma_start3A_182 : memref<160000x128xf32, #tpu.memory_space<hbm>>) target(%arg7 : memref<128x128xf32, #tpu.memory_space<vmem>>) offsets(%dma_start3A_179 : memref<128xi32, #tpu.memory_space<vmem>>) semaphore(%arg13 : memref<!tpu.dma_semaphore, #tpu.memory_space<semaphore_mem>>)
      } else {
      }
      %add3A_119 = arith.constant 2 : i32
      %add3A_120 = arith.addi %mul3A_51, %add3A_119 : i32
      %lt3A_121 = arith.constant 40 : i32
      %lt3A_122 = arith.cmpi slt, %add3A_120, %lt3A_121 : i32
      %convert_element_type3A_123 = arith.extui %lt3A_122 : i1 to i32
      %cond3A_124 = arith.constant 0 : i32
      %cond3A_125 = arith.cmpi ne, %convert_element_type3A_123, %cond3A_124 : i32
      scf.if %cond3A_125 {
        %mul3A_175 = arith.constant 128 : i32
        %mul3A_176 = arith.muli %add3A_120, %mul3A_175 : i32
        %add3A_177 = arith.addi %mul3A_2, %mul3A_176 : i32
        %dma_wait3A = arith.constant 0 : i32
        %dma_wait3A_178 = tpu.memref_slice %arg4[%add3A_177, %dma_wait3A] : memref<163840x128xf32, #tpu.memory_space<hbm>> -> memref<128x128xf32, #tpu.memory_space<hbm>>
        %dma_wait3A_179 = arith.constant 0 : i32
        %dma_wait3A_180 = tpu.memref_slice %arg4[%add3A_177, %dma_wait3A_179] : memref<163840x128xf32, #tpu.memory_space<hbm>> -> memref<128x128xf32, #tpu.memory_space<hbm>>
        tpu.wait_dma2 semaphore(%arg20 : memref<!tpu.dma_semaphore, #tpu.memory_space<semaphore_mem>>) src(%arg8 : memref<128x128xf32, #tpu.memory_space<vmem>>) dst(%dma_wait3A_180 : memref<128x128xf32, #tpu.memory_space<hbm>>)
      } else {
      }
      %add3A_126 = arith.constant 6 : i32
      %add3A_127 = arith.addi %add3A_120, %add3A_126 : i32
      %lt3A_128 = arith.constant 40 : i32
      %lt3A_129 = arith.cmpi slt, %add3A_127, %lt3A_128 : i32
      %convert_element_type3A_130 = arith.extui %lt3A_129 : i1 to i32
      %cond3A_131 = arith.constant 0 : i32
      %cond3A_132 = arith.cmpi ne, %convert_element_type3A_130, %cond3A_131 : i32
      scf.if %cond3A_132 {
        %add3A_175 = arith.constant 6 : i32
        %add3A_176 = arith.addi %add3A_120, %add3A_175 : i32
        %dma_start3A_177 = arith.constant 0 : i32
        %dma_start3A_178 = tpu.memref_slice %arg5[%add3A_176, %dma_start3A_177] : memref<40x128xi32, #tpu.memory_space<vmem>> -> memref<1x128xi32, #tpu.memory_space<vmem>>
        %dma_start3A_179 = tpu.memref_squeeze %dma_start3A_178 : memref<1x128xi32, #tpu.memory_space<vmem>> -> memref<128xi32, #tpu.memory_space<vmem>>
        %dma_start3A_180 = arith.constant 0 : i32
        %dma_start3A_181 = arith.constant 0 : i32
        %dma_start3A_182 = tpu.memref_slice %arg3[%dma_start3A_180, %dma_start3A_181] : memref<160000x128xf32, #tpu.memory_space<hbm>> -> memref<160000x128xf32, #tpu.memory_space<hbm>>
        tpu.enqueue_indirect_dma source(%dma_start3A_182 : memref<160000x128xf32, #tpu.memory_space<hbm>>) target(%arg8 : memref<128x128xf32, #tpu.memory_space<vmem>>) offsets(%dma_start3A_179 : memref<128xi32, #tpu.memory_space<vmem>>) semaphore(%arg14 : memref<!tpu.dma_semaphore, #tpu.memory_space<semaphore_mem>>)
      } else {
      }
      %add3A_133 = arith.constant 3 : i32
      %add3A_134 = arith.addi %mul3A_51, %add3A_133 : i32
      %lt3A_135 = arith.constant 40 : i32
      %lt3A_136 = arith.cmpi slt, %add3A_134, %lt3A_135 : i32
      %convert_element_type3A_137 = arith.extui %lt3A_136 : i1 to i32
      %cond3A_138 = arith.constant 0 : i32
      %cond3A_139 = arith.cmpi ne, %convert_element_type3A_137, %cond3A_138 : i32
      scf.if %cond3A_139 {
        %mul3A_175 = arith.constant 128 : i32
        %mul3A_176 = arith.muli %add3A_134, %mul3A_175 : i32
        %add3A_177 = arith.addi %mul3A_2, %mul3A_176 : i32
        %dma_wait3A = arith.constant 0 : i32
        %dma_wait3A_178 = tpu.memref_slice %arg4[%add3A_177, %dma_wait3A] : memref<163840x128xf32, #tpu.memory_space<hbm>> -> memref<128x128xf32, #tpu.memory_space<hbm>>
        %dma_wait3A_179 = arith.constant 0 : i32
        %dma_wait3A_180 = tpu.memref_slice %arg4[%add3A_177, %dma_wait3A_179] : memref<163840x128xf32, #tpu.memory_space<hbm>> -> memref<128x128xf32, #tpu.memory_space<hbm>>
        tpu.wait_dma2 semaphore(%arg21 : memref<!tpu.dma_semaphore, #tpu.memory_space<semaphore_mem>>) src(%arg9 : memref<128x128xf32, #tpu.memory_space<vmem>>) dst(%dma_wait3A_180 : memref<128x128xf32, #tpu.memory_space<hbm>>)
      } else {
      }
      %add3A_140 = arith.constant 6 : i32
      %add3A_141 = arith.addi %add3A_134, %add3A_140 : i32
      %lt3A_142 = arith.constant 40 : i32
      %lt3A_143 = arith.cmpi slt, %add3A_141, %lt3A_142 : i32
      %convert_element_type3A_144 = arith.extui %lt3A_143 : i1 to i32
      %cond3A_145 = arith.constant 0 : i32
      %cond3A_146 = arith.cmpi ne, %convert_element_type3A_144, %cond3A_145 : i32
      scf.if %cond3A_146 {
        %add3A_175 = arith.constant 6 : i32
        %add3A_176 = arith.addi %add3A_134, %add3A_175 : i32
        %dma_start3A_177 = arith.constant 0 : i32
        %dma_start3A_178 = tpu.memref_slice %arg5[%add3A_176, %dma_start3A_177] : memref<40x128xi32, #tpu.memory_space<vmem>> -> memref<1x128xi32, #tpu.memory_space<vmem>>
        %dma_start3A_179 = tpu.memref_squeeze %dma_start3A_178 : memref<1x128xi32, #tpu.memory_space<vmem>> -> memref<128xi32, #tpu.memory_space<vmem>>
        %dma_start3A_180 = arith.constant 0 : i32
        %dma_start3A_181 = arith.constant 0 : i32
        %dma_start3A_182 = tpu.memref_slice %arg3[%dma_start3A_180, %dma_start3A_181] : memref<160000x128xf32, #tpu.memory_space<hbm>> -> memref<160000x128xf32, #tpu.memory_space<hbm>>
        tpu.enqueue_indirect_dma source(%dma_start3A_182 : memref<160000x128xf32, #tpu.memory_space<hbm>>) target(%arg9 : memref<128x128xf32, #tpu.memory_space<vmem>>) offsets(%dma_start3A_179 : memref<128xi32, #tpu.memory_space<vmem>>) semaphore(%arg15 : memref<!tpu.dma_semaphore, #tpu.memory_space<semaphore_mem>>)
      } else {
      }
      %add3A_147 = arith.constant 4 : i32
      %add3A_148 = arith.addi %mul3A_51, %add3A_147 : i32
      %lt3A_149 = arith.constant 40 : i32
      %lt3A_150 = arith.cmpi slt, %add3A_148, %lt3A_149 : i32
      %convert_element_type3A_151 = arith.extui %lt3A_150 : i1 to i32
      %cond3A_152 = arith.constant 0 : i32
      %cond3A_153 = arith.cmpi ne, %convert_element_type3A_151, %cond3A_152 : i32
      scf.if %cond3A_153 {
        %mul3A_175 = arith.constant 128 : i32
        %mul3A_176 = arith.muli %add3A_148, %mul3A_175 : i32
        %add3A_177 = arith.addi %mul3A_2, %mul3A_176 : i32
        %dma_wait3A = arith.constant 0 : i32
        %dma_wait3A_178 = tpu.memref_slice %arg4[%add3A_177, %dma_wait3A] : memref<163840x128xf32, #tpu.memory_space<hbm>> -> memref<128x128xf32, #tpu.memory_space<hbm>>
        %dma_wait3A_179 = arith.constant 0 : i32
        %dma_wait3A_180 = tpu.memref_slice %arg4[%add3A_177, %dma_wait3A_179] : memref<163840x128xf32, #tpu.memory_space<hbm>> -> memref<128x128xf32, #tpu.memory_space<hbm>>
        tpu.wait_dma2 semaphore(%arg22 : memref<!tpu.dma_semaphore, #tpu.memory_space<semaphore_mem>>) src(%arg10 : memref<128x128xf32, #tpu.memory_space<vmem>>) dst(%dma_wait3A_180 : memref<128x128xf32, #tpu.memory_space<hbm>>)
      } else {
      }
      %add3A_154 = arith.constant 6 : i32
      %add3A_155 = arith.addi %add3A_148, %add3A_154 : i32
      %lt3A_156 = arith.constant 40 : i32
      %lt3A_157 = arith.cmpi slt, %add3A_155, %lt3A_156 : i32
      %convert_element_type3A_158 = arith.extui %lt3A_157 : i1 to i32
      %cond3A_159 = arith.constant 0 : i32
      %cond3A_160 = arith.cmpi ne, %convert_element_type3A_158, %cond3A_159 : i32
      scf.if %cond3A_160 {
        %add3A_175 = arith.constant 6 : i32
        %add3A_176 = arith.addi %add3A_148, %add3A_175 : i32
        %dma_start3A_177 = arith.constant 0 : i32
        %dma_start3A_178 = tpu.memref_slice %arg5[%add3A_176, %dma_start3A_177] : memref<40x128xi32, #tpu.memory_space<vmem>> -> memref<1x128xi32, #tpu.memory_space<vmem>>
        %dma_start3A_179 = tpu.memref_squeeze %dma_start3A_178 : memref<1x128xi32, #tpu.memory_space<vmem>> -> memref<128xi32, #tpu.memory_space<vmem>>
        %dma_start3A_180 = arith.constant 0 : i32
        %dma_start3A_181 = arith.constant 0 : i32
        %dma_start3A_182 = tpu.memref_slice %arg3[%dma_start3A_180, %dma_start3A_181] : memref<160000x128xf32, #tpu.memory_space<hbm>> -> memref<160000x128xf32, #tpu.memory_space<hbm>>
        tpu.enqueue_indirect_dma source(%dma_start3A_182 : memref<160000x128xf32, #tpu.memory_space<hbm>>) target(%arg10 : memref<128x128xf32, #tpu.memory_space<vmem>>) offsets(%dma_start3A_179 : memref<128xi32, #tpu.memory_space<vmem>>) semaphore(%arg16 : memref<!tpu.dma_semaphore, #tpu.memory_space<semaphore_mem>>)
      } else {
      }
      %add3A_161 = arith.constant 5 : i32
      %add3A_162 = arith.addi %mul3A_51, %add3A_161 : i32
      %lt3A_163 = arith.constant 40 : i32
      %lt3A_164 = arith.cmpi slt, %add3A_162, %lt3A_163 : i32
      %convert_element_type3A_165 = arith.extui %lt3A_164 : i1 to i32
      %cond3A_166 = arith.constant 0 : i32
      %cond3A_167 = arith.cmpi ne, %convert_element_type3A_165, %cond3A_166 : i32
      scf.if %cond3A_167 {
        %mul3A_175 = arith.constant 128 : i32
        %mul3A_176 = arith.muli %add3A_162, %mul3A_175 : i32
        %add3A_177 = arith.addi %mul3A_2, %mul3A_176 : i32
        %dma_wait3A = arith.constant 0 : i32
        %dma_wait3A_178 = tpu.memref_slice %arg4[%add3A_177, %dma_wait3A] : memref<163840x128xf32, #tpu.memory_space<hbm>> -> memref<128x128xf32, #tpu.memory_space<hbm>>
        %dma_wait3A_179 = arith.constant 0 : i32
        %dma_wait3A_180 = tpu.memref_slice %arg4[%add3A_177, %dma_wait3A_179] : memref<163840x128xf32, #tpu.memory_space<hbm>> -> memref<128x128xf32, #tpu.memory_space<hbm>>
        tpu.wait_dma2 semaphore(%arg23 : memref<!tpu.dma_semaphore, #tpu.memory_space<semaphore_mem>>) src(%arg11 : memref<128x128xf32, #tpu.memory_space<vmem>>) dst(%dma_wait3A_180 : memref<128x128xf32, #tpu.memory_space<hbm>>)
      } else {
      }
      %add3A_168 = arith.constant 6 : i32
      %add3A_169 = arith.addi %add3A_162, %add3A_168 : i32
      %lt3A_170 = arith.constant 40 : i32
      %lt3A_171 = arith.cmpi slt, %add3A_169, %lt3A_170 : i32
      %convert_element_type3A_172 = arith.extui %lt3A_171 : i1 to i32
      %cond3A_173 = arith.constant 0 : i32
      %cond3A_174 = arith.cmpi ne, %convert_element_type3A_172, %cond3A_173 : i32
      scf.if %cond3A_174 {
        %add3A_175 = arith.constant 6 : i32
        %add3A_176 = arith.addi %add3A_162, %add3A_175 : i32
        %dma_start3A_177 = arith.constant 0 : i32
        %dma_start3A_178 = tpu.memref_slice %arg5[%add3A_176, %dma_start3A_177] : memref<40x128xi32, #tpu.memory_space<vmem>> -> memref<1x128xi32, #tpu.memory_space<vmem>>
        %dma_start3A_179 = tpu.memref_squeeze %dma_start3A_178 : memref<1x128xi32, #tpu.memory_space<vmem>> -> memref<128xi32, #tpu.memory_space<vmem>>
        %dma_start3A_180 = arith.constant 0 : i32
        %dma_start3A_181 = arith.constant 0 : i32
        %dma_start3A_182 = tpu.memref_slice %arg3[%dma_start3A_180, %dma_start3A_181] : memref<160000x128xf32, #tpu.memory_space<hbm>> -> memref<160000x128xf32, #tpu.memory_space<hbm>>
        tpu.enqueue_indirect_dma source(%dma_start3A_182 : memref<160000x128xf32, #tpu.memory_space<hbm>>) target(%arg11 : memref<128x128xf32, #tpu.memory_space<vmem>>) offsets(%dma_start3A_179 : memref<128xi32, #tpu.memory_space<vmem>>) semaphore(%arg17 : memref<!tpu.dma_semaphore, #tpu.memory_space<semaphore_mem>>)
      } else {
      }
    }
    %scan3A_48 = arith.constant 7 : i32
    return
  }
}

#map = affine_map<(d0, d1) -> (0, 0, 0)>
#map1 = affine_map<(d0, d1) -> (0, 0)>
module attributes {stable_mosaic.version = 14 : i64} {
  func.func @gather_kernel(%arg0: i32, %arg1: i32, %arg2: memref<32x50x128xi32, #tpu.memory_space<hbm>>, %arg3: memref<160000x128xf32, #tpu.memory_space<hbm>>, %arg4: memref<204800x128xf32, #tpu.memory_space<hbm>>, %arg5: memref<50x128xi32, #tpu.memory_space<vmem>>, %arg6: memref<128x128xf32, #tpu.memory_space<vmem>>, %arg7: memref<128x128xf32, #tpu.memory_space<vmem>>, %arg8: memref<128x128xf32, #tpu.memory_space<vmem>>, %arg9: memref<128x128xf32, #tpu.memory_space<vmem>>, %arg10: memref<128x128xf32, #tpu.memory_space<vmem>>, %arg11: memref<128x128xf32, #tpu.memory_space<vmem>>, %arg12: memref<!tpu.dma_semaphore, #tpu.memory_space<semaphore_mem>>, %arg13: memref<!tpu.dma_semaphore, #tpu.memory_space<semaphore_mem>>, %arg14: memref<!tpu.dma_semaphore, #tpu.memory_space<semaphore_mem>>, %arg15: memref<!tpu.dma_semaphore, #tpu.memory_space<semaphore_mem>>, %arg16: memref<!tpu.dma_semaphore, #tpu.memory_space<semaphore_mem>>, %arg17: memref<!tpu.dma_semaphore, #tpu.memory_space<semaphore_mem>>, %arg18: memref<!tpu.dma_semaphore, #tpu.memory_space<semaphore_mem>>, %arg19: memref<!tpu.dma_semaphore, #tpu.memory_space<semaphore_mem>>, %arg20: memref<!tpu.dma_semaphore, #tpu.memory_space<semaphore_mem>>, %arg21: memref<!tpu.dma_semaphore, #tpu.memory_space<semaphore_mem>>, %arg22: memref<!tpu.dma_semaphore, #tpu.memory_space<semaphore_mem>>, %arg23: memref<!tpu.dma_semaphore, #tpu.memory_space<semaphore_mem>>) attributes {dimension_semantics = [#tpu.dimension_semantics<core_parallel>, #tpu.dimension_semantics<subcore_parallel>], iteration_bounds = array<i64: 2, 16>, scalar_prefetch = 0 : i64, scratch_operands = 19 : i64, tpu.core_type = #tpu.core_type<sc_vector_subcore>, window_params = [{transform_indices = #map}, {transform_indices = #map1}, {transform_indices = #map1}]} {
    %mul3A = arith.constant 2 : i32
    %mul3A_0 = arith.muli %arg1, %mul3A : i32
    %add3A = arith.addi %mul3A_0, %arg0 : i32
    %mul3A_1 = arith.constant 6400 : i32
    %mul3A_2 = arith.muli %add3A, %mul3A_1 : i32
    "tpu.region"() ({
      %run_scoped3A = tpu.sem_alloc : memref<!tpu.dma_semaphore, #tpu.memory_space<semaphore_mem>>
      %dma_start3A_49 = arith.constant 0 : i32
      %dma_start3A_50 = arith.constant 0 : i32
      %dma_start3A_51 = tpu.memref_slice %arg2[%add3A, %dma_start3A_49, %dma_start3A_50] : memref<32x50x128xi32, #tpu.memory_space<hbm>> -> memref<1x50x128xi32, #tpu.memory_space<hbm>>
      %dma_start3A_52 = tpu.memref_squeeze %dma_start3A_51 : memref<1x50x128xi32, #tpu.memory_space<hbm>> -> memref<50x128xi32, #tpu.memory_space<hbm>>
      %dma_start3A_53 = arith.constant 0 : i32
      %dma_start3A_54 = arith.constant 0 : i32
      %dma_start3A_55 = tpu.memref_slice %arg2[%add3A, %dma_start3A_53, %dma_start3A_54] : memref<32x50x128xi32, #tpu.memory_space<hbm>> -> memref<1x50x128xi32, #tpu.memory_space<hbm>>
      %dma_start3A_56 = tpu.memref_squeeze %dma_start3A_55 : memref<1x50x128xi32, #tpu.memory_space<hbm>> -> memref<50x128xi32, #tpu.memory_space<hbm>>
      tpu.enqueue_dma source(%dma_start3A_56 : memref<50x128xi32, #tpu.memory_space<hbm>>) target(%arg5 : memref<50x128xi32, #tpu.memory_space<vmem>>) target_semaphore(%run_scoped3A : memref<!tpu.dma_semaphore, #tpu.memory_space<semaphore_mem>>)
      %dma_wait3A = arith.constant 0 : i32
      %dma_wait3A_57 = arith.constant 0 : i32
      %dma_wait3A_58 = tpu.memref_slice %arg2[%add3A, %dma_wait3A, %dma_wait3A_57] : memref<32x50x128xi32, #tpu.memory_space<hbm>> -> memref<1x50x128xi32, #tpu.memory_space<hbm>>
      %dma_wait3A_59 = tpu.memref_squeeze %dma_wait3A_58 : memref<1x50x128xi32, #tpu.memory_space<hbm>> -> memref<50x128xi32, #tpu.memory_space<hbm>>
      %dma_wait3A_60 = arith.constant 0 : i32
      %dma_wait3A_61 = arith.constant 0 : i32
      %dma_wait3A_62 = tpu.memref_slice %arg2[%add3A, %dma_wait3A_60, %dma_wait3A_61] : memref<32x50x128xi32, #tpu.memory_space<hbm>> -> memref<1x50x128xi32, #tpu.memory_space<hbm>>
      %dma_wait3A_63 = tpu.memref_squeeze %dma_wait3A_62 : memref<1x50x128xi32, #tpu.memory_space<hbm>> -> memref<50x128xi32, #tpu.memory_space<hbm>>
      tpu.wait_dma2 semaphore(%run_scoped3A : memref<!tpu.dma_semaphore, #tpu.memory_space<semaphore_mem>>) src(%dma_wait3A_63 : memref<50x128xi32, #tpu.memory_space<hbm>>) dst(%arg5 : memref<50x128xi32, #tpu.memory_space<vmem>>)
      tpu.yield
    }) : () -> ()
    %dma_start3A = arith.constant 0 : i32
    %dma_start3A_3 = arith.constant 0 : i32
    %dma_start3A_4 = tpu.memref_slice %arg5[%dma_start3A, %dma_start3A_3] : memref<50x128xi32, #tpu.memory_space<vmem>> -> memref<1x128xi32, #tpu.memory_space<vmem>>
    %dma_start3A_5 = tpu.memref_squeeze %dma_start3A_4 : memref<1x128xi32, #tpu.memory_space<vmem>> -> memref<128xi32, #tpu.memory_space<vmem>>
    %dma_start3A_6 = arith.constant 0 : i32
    %dma_start3A_7 = arith.constant 0 : i32
    %dma_start3A_8 = tpu.memref_slice %arg3[%dma_start3A_6, %dma_start3A_7] : memref<160000x128xf32, #tpu.memory_space<hbm>> -> memref<160000x128xf32, #tpu.memory_space<hbm>>
    tpu.enqueue_indirect_dma source(%dma_start3A_8 : memref<160000x128xf32, #tpu.memory_space<hbm>>) target(%arg6 : memref<128x128xf32, #tpu.memory_space<vmem>>) offsets(%dma_start3A_5 : memref<128xi32, #tpu.memory_space<vmem>>) semaphore(%arg12 : memref<!tpu.dma_semaphore, #tpu.memory_space<semaphore_mem>>)
    %dma_start3A_9 = arith.constant 1 : i32
    %dma_start3A_10 = arith.constant 0 : i32
    %dma_start3A_11 = tpu.memref_slice %arg5[%dma_start3A_9, %dma_start3A_10] : memref<50x128xi32, #tpu.memory_space<vmem>> -> memref<1x128xi32, #tpu.memory_space<vmem>>
    %dma_start3A_12 = tpu.memref_squeeze %dma_start3A_11 : memref<1x128xi32, #tpu.memory_space<vmem>> -> memref<128xi32, #tpu.memory_space<vmem>>
    %dma_start3A_13 = arith.constant 0 : i32
    %dma_start3A_14 = arith.constant 0 : i32
    %dma_start3A_15 = tpu.memref_slice %arg3[%dma_start3A_13, %dma_start3A_14] : memref<160000x128xf32, #tpu.memory_space<hbm>> -> memref<160000x128xf32, #tpu.memory_space<hbm>>
    tpu.enqueue_indirect_dma source(%dma_start3A_15 : memref<160000x128xf32, #tpu.memory_space<hbm>>) target(%arg7 : memref<128x128xf32, #tpu.memory_space<vmem>>) offsets(%dma_start3A_12 : memref<128xi32, #tpu.memory_space<vmem>>) semaphore(%arg13 : memref<!tpu.dma_semaphore, #tpu.memory_space<semaphore_mem>>)
    %dma_start3A_16 = arith.constant 2 : i32
    %dma_start3A_17 = arith.constant 0 : i32
    %dma_start3A_18 = tpu.memref_slice %arg5[%dma_start3A_16, %dma_start3A_17] : memref<50x128xi32, #tpu.memory_space<vmem>> -> memref<1x128xi32, #tpu.memory_space<vmem>>
    %dma_start3A_19 = tpu.memref_squeeze %dma_start3A_18 : memref<1x128xi32, #tpu.memory_space<vmem>> -> memref<128xi32, #tpu.memory_space<vmem>>
    %dma_start3A_20 = arith.constant 0 : i32
    %dma_start3A_21 = arith.constant 0 : i32
    %dma_start3A_22 = tpu.memref_slice %arg3[%dma_start3A_20, %dma_start3A_21] : memref<160000x128xf32, #tpu.memory_space<hbm>> -> memref<160000x128xf32, #tpu.memory_space<hbm>>
    tpu.enqueue_indirect_dma source(%dma_start3A_22 : memref<160000x128xf32, #tpu.memory_space<hbm>>) target(%arg8 : memref<128x128xf32, #tpu.memory_space<vmem>>) offsets(%dma_start3A_19 : memref<128xi32, #tpu.memory_space<vmem>>) semaphore(%arg14 : memref<!tpu.dma_semaphore, #tpu.memory_space<semaphore_mem>>)
    %dma_start3A_23 = arith.constant 3 : i32
    %dma_start3A_24 = arith.constant 0 : i32
    %dma_start3A_25 = tpu.memref_slice %arg5[%dma_start3A_23, %dma_start3A_24] : memref<50x128xi32, #tpu.memory_space<vmem>> -> memref<1x128xi32, #tpu.memory_space<vmem>>
    %dma_start3A_26 = tpu.memref_squeeze %dma_start3A_25 : memref<1x128xi32, #tpu.memory_space<vmem>> -> memref<128xi32, #tpu.memory_space<vmem>>
    %dma_start3A_27 = arith.constant 0 : i32
    %dma_start3A_28 = arith.constant 0 : i32
    %dma_start3A_29 = tpu.memref_slice %arg3[%dma_start3A_27, %dma_start3A_28] : memref<160000x128xf32, #tpu.memory_space<hbm>> -> memref<160000x128xf32, #tpu.memory_space<hbm>>
    tpu.enqueue_indirect_dma source(%dma_start3A_29 : memref<160000x128xf32, #tpu.memory_space<hbm>>) target(%arg9 : memref<128x128xf32, #tpu.memory_space<vmem>>) offsets(%dma_start3A_26 : memref<128xi32, #tpu.memory_space<vmem>>) semaphore(%arg15 : memref<!tpu.dma_semaphore, #tpu.memory_space<semaphore_mem>>)
    %dma_start3A_30 = arith.constant 4 : i32
    %dma_start3A_31 = arith.constant 0 : i32
    %dma_start3A_32 = tpu.memref_slice %arg5[%dma_start3A_30, %dma_start3A_31] : memref<50x128xi32, #tpu.memory_space<vmem>> -> memref<1x128xi32, #tpu.memory_space<vmem>>
    %dma_start3A_33 = tpu.memref_squeeze %dma_start3A_32 : memref<1x128xi32, #tpu.memory_space<vmem>> -> memref<128xi32, #tpu.memory_space<vmem>>
    %dma_start3A_34 = arith.constant 0 : i32
    %dma_start3A_35 = arith.constant 0 : i32
    %dma_start3A_36 = tpu.memref_slice %arg3[%dma_start3A_34, %dma_start3A_35] : memref<160000x128xf32, #tpu.memory_space<hbm>> -> memref<160000x128xf32, #tpu.memory_space<hbm>>
    tpu.enqueue_indirect_dma source(%dma_start3A_36 : memref<160000x128xf32, #tpu.memory_space<hbm>>) target(%arg10 : memref<128x128xf32, #tpu.memory_space<vmem>>) offsets(%dma_start3A_33 : memref<128xi32, #tpu.memory_space<vmem>>) semaphore(%arg16 : memref<!tpu.dma_semaphore, #tpu.memory_space<semaphore_mem>>)
    %dma_start3A_37 = arith.constant 5 : i32
    %dma_start3A_38 = arith.constant 0 : i32
    %dma_start3A_39 = tpu.memref_slice %arg5[%dma_start3A_37, %dma_start3A_38] : memref<50x128xi32, #tpu.memory_space<vmem>> -> memref<1x128xi32, #tpu.memory_space<vmem>>
    %dma_start3A_40 = tpu.memref_squeeze %dma_start3A_39 : memref<1x128xi32, #tpu.memory_space<vmem>> -> memref<128xi32, #tpu.memory_space<vmem>>
    %dma_start3A_41 = arith.constant 0 : i32
    %dma_start3A_42 = arith.constant 0 : i32
    %dma_start3A_43 = tpu.memref_slice %arg3[%dma_start3A_41, %dma_start3A_42] : memref<160000x128xf32, #tpu.memory_space<hbm>> -> memref<160000x128xf32, #tpu.memory_space<hbm>>
    tpu.enqueue_indirect_dma source(%dma_start3A_43 : memref<160000x128xf32, #tpu.memory_space<hbm>>) target(%arg11 : memref<128x128xf32, #tpu.memory_space<vmem>>) offsets(%dma_start3A_40 : memref<128xi32, #tpu.memory_space<vmem>>) semaphore(%arg17 : memref<!tpu.dma_semaphore, #tpu.memory_space<semaphore_mem>>)
    %scan3A = arith.constant 0 : i32
    %scan3A_44 = arith.constant 0 : i32
    %scan3A_45 = arith.constant 9 : i32
    %scan3A_46 = arith.addi %scan3A_44, %scan3A_45 : i32
    %scan3A_47 = arith.constant 1 : i32
    scf.for %scan3A_49 = %scan3A_44 to %scan3A_46 step %scan3A_47  : i32 {
      %mul3A_50 = arith.constant 6 : i32
      %mul3A_51 = arith.muli %scan3A_49, %mul3A_50 : i32
      %add3A_52 = arith.constant 0 : i32
      %add3A_53 = arith.addi %mul3A_51, %add3A_52 : i32
      %lt3A = arith.constant 50 : i32
      %lt3A_54 = arith.cmpi slt, %add3A_53, %lt3A : i32
      %convert_element_type3A = arith.extui %lt3A_54 : i1 to i32
      %cond3A = arith.constant 0 : i32
      %cond3A_55 = arith.cmpi ne, %convert_element_type3A, %cond3A : i32
      scf.if %cond3A_55 {
        %dma_wait3A = arith.constant 0 : i32
        %dma_wait3A_175 = tpu.memref_slice %arg5[%add3A_53, %dma_wait3A] : memref<50x128xi32, #tpu.memory_space<vmem>> -> memref<1x128xi32, #tpu.memory_space<vmem>>
        %dma_wait3A_176 = tpu.memref_squeeze %dma_wait3A_175 : memref<1x128xi32, #tpu.memory_space<vmem>> -> memref<128xi32, #tpu.memory_space<vmem>>
        %dma_wait3A_177 = arith.constant 0 : i32
        %dma_wait3A_178 = arith.constant 0 : i32
        %dma_wait3A_179 = tpu.memref_slice %arg3[%dma_wait3A_177, %dma_wait3A_178] : memref<160000x128xf32, #tpu.memory_space<hbm>> -> memref<160000x128xf32, #tpu.memory_space<hbm>>
        tpu.wait_indirect_dma semaphore(%arg12 : memref<!tpu.dma_semaphore, #tpu.memory_space<semaphore_mem>>) src(%dma_wait3A_179 : memref<160000x128xf32, #tpu.memory_space<hbm>>) dst(%arg6 : memref<128x128xf32, #tpu.memory_space<vmem>>)
        %mul3A_180 = arith.constant 128 : i32
        %mul3A_181 = arith.muli %add3A_53, %mul3A_180 : i32
        %add3A_182 = arith.addi %mul3A_2, %mul3A_181 : i32
        %dma_start3A_183 = arith.constant 0 : i32
        %dma_start3A_184 = tpu.memref_slice %arg4[%add3A_182, %dma_start3A_183] : memref<204800x128xf32, #tpu.memory_space<hbm>> -> memref<128x128xf32, #tpu.memory_space<hbm>>
        %dma_start3A_185 = arith.constant 0 : i32
        %dma_start3A_186 = tpu.memref_slice %arg4[%add3A_182, %dma_start3A_185] : memref<204800x128xf32, #tpu.memory_space<hbm>> -> memref<128x128xf32, #tpu.memory_space<hbm>>
        tpu.enqueue_dma source(%arg6 : memref<128x128xf32, #tpu.memory_space<vmem>>) target(%dma_start3A_186 : memref<128x128xf32, #tpu.memory_space<hbm>>) target_semaphore(%arg18 : memref<!tpu.dma_semaphore, #tpu.memory_space<semaphore_mem>>)
      } else {
      }
      %add3A_56 = arith.constant 1 : i32
      %add3A_57 = arith.addi %mul3A_51, %add3A_56 : i32
      %lt3A_58 = arith.constant 50 : i32
      %lt3A_59 = arith.cmpi slt, %add3A_57, %lt3A_58 : i32
      %convert_element_type3A_60 = arith.extui %lt3A_59 : i1 to i32
      %cond3A_61 = arith.constant 0 : i32
      %cond3A_62 = arith.cmpi ne, %convert_element_type3A_60, %cond3A_61 : i32
      scf.if %cond3A_62 {
        %dma_wait3A = arith.constant 0 : i32
        %dma_wait3A_175 = tpu.memref_slice %arg5[%add3A_57, %dma_wait3A] : memref<50x128xi32, #tpu.memory_space<vmem>> -> memref<1x128xi32, #tpu.memory_space<vmem>>
        %dma_wait3A_176 = tpu.memref_squeeze %dma_wait3A_175 : memref<1x128xi32, #tpu.memory_space<vmem>> -> memref<128xi32, #tpu.memory_space<vmem>>
        %dma_wait3A_177 = arith.constant 0 : i32
        %dma_wait3A_178 = arith.constant 0 : i32
        %dma_wait3A_179 = tpu.memref_slice %arg3[%dma_wait3A_177, %dma_wait3A_178] : memref<160000x128xf32, #tpu.memory_space<hbm>> -> memref<160000x128xf32, #tpu.memory_space<hbm>>
        tpu.wait_indirect_dma semaphore(%arg13 : memref<!tpu.dma_semaphore, #tpu.memory_space<semaphore_mem>>) src(%dma_wait3A_179 : memref<160000x128xf32, #tpu.memory_space<hbm>>) dst(%arg7 : memref<128x128xf32, #tpu.memory_space<vmem>>)
        %mul3A_180 = arith.constant 128 : i32
        %mul3A_181 = arith.muli %add3A_57, %mul3A_180 : i32
        %add3A_182 = arith.addi %mul3A_2, %mul3A_181 : i32
        %dma_start3A_183 = arith.constant 0 : i32
        %dma_start3A_184 = tpu.memref_slice %arg4[%add3A_182, %dma_start3A_183] : memref<204800x128xf32, #tpu.memory_space<hbm>> -> memref<128x128xf32, #tpu.memory_space<hbm>>
        %dma_start3A_185 = arith.constant 0 : i32
        %dma_start3A_186 = tpu.memref_slice %arg4[%add3A_182, %dma_start3A_185] : memref<204800x128xf32, #tpu.memory_space<hbm>> -> memref<128x128xf32, #tpu.memory_space<hbm>>
        tpu.enqueue_dma source(%arg7 : memref<128x128xf32, #tpu.memory_space<vmem>>) target(%dma_start3A_186 : memref<128x128xf32, #tpu.memory_space<hbm>>) target_semaphore(%arg19 : memref<!tpu.dma_semaphore, #tpu.memory_space<semaphore_mem>>)
      } else {
      }
      %add3A_63 = arith.constant 2 : i32
      %add3A_64 = arith.addi %mul3A_51, %add3A_63 : i32
      %lt3A_65 = arith.constant 50 : i32
      %lt3A_66 = arith.cmpi slt, %add3A_64, %lt3A_65 : i32
      %convert_element_type3A_67 = arith.extui %lt3A_66 : i1 to i32
      %cond3A_68 = arith.constant 0 : i32
      %cond3A_69 = arith.cmpi ne, %convert_element_type3A_67, %cond3A_68 : i32
      scf.if %cond3A_69 {
        %dma_wait3A = arith.constant 0 : i32
        %dma_wait3A_175 = tpu.memref_slice %arg5[%add3A_64, %dma_wait3A] : memref<50x128xi32, #tpu.memory_space<vmem>> -> memref<1x128xi32, #tpu.memory_space<vmem>>
        %dma_wait3A_176 = tpu.memref_squeeze %dma_wait3A_175 : memref<1x128xi32, #tpu.memory_space<vmem>> -> memref<128xi32, #tpu.memory_space<vmem>>
        %dma_wait3A_177 = arith.constant 0 : i32
        %dma_wait3A_178 = arith.constant 0 : i32
        %dma_wait3A_179 = tpu.memref_slice %arg3[%dma_wait3A_177, %dma_wait3A_178] : memref<160000x128xf32, #tpu.memory_space<hbm>> -> memref<160000x128xf32, #tpu.memory_space<hbm>>
        tpu.wait_indirect_dma semaphore(%arg14 : memref<!tpu.dma_semaphore, #tpu.memory_space<semaphore_mem>>) src(%dma_wait3A_179 : memref<160000x128xf32, #tpu.memory_space<hbm>>) dst(%arg8 : memref<128x128xf32, #tpu.memory_space<vmem>>)
        %mul3A_180 = arith.constant 128 : i32
        %mul3A_181 = arith.muli %add3A_64, %mul3A_180 : i32
        %add3A_182 = arith.addi %mul3A_2, %mul3A_181 : i32
        %dma_start3A_183 = arith.constant 0 : i32
        %dma_start3A_184 = tpu.memref_slice %arg4[%add3A_182, %dma_start3A_183] : memref<204800x128xf32, #tpu.memory_space<hbm>> -> memref<128x128xf32, #tpu.memory_space<hbm>>
        %dma_start3A_185 = arith.constant 0 : i32
        %dma_start3A_186 = tpu.memref_slice %arg4[%add3A_182, %dma_start3A_185] : memref<204800x128xf32, #tpu.memory_space<hbm>> -> memref<128x128xf32, #tpu.memory_space<hbm>>
        tpu.enqueue_dma source(%arg8 : memref<128x128xf32, #tpu.memory_space<vmem>>) target(%dma_start3A_186 : memref<128x128xf32, #tpu.memory_space<hbm>>) target_semaphore(%arg20 : memref<!tpu.dma_semaphore, #tpu.memory_space<semaphore_mem>>)
      } else {
      }
      %add3A_70 = arith.constant 3 : i32
      %add3A_71 = arith.addi %mul3A_51, %add3A_70 : i32
      %lt3A_72 = arith.constant 50 : i32
      %lt3A_73 = arith.cmpi slt, %add3A_71, %lt3A_72 : i32
      %convert_element_type3A_74 = arith.extui %lt3A_73 : i1 to i32
      %cond3A_75 = arith.constant 0 : i32
      %cond3A_76 = arith.cmpi ne, %convert_element_type3A_74, %cond3A_75 : i32
      scf.if %cond3A_76 {
        %dma_wait3A = arith.constant 0 : i32
        %dma_wait3A_175 = tpu.memref_slice %arg5[%add3A_71, %dma_wait3A] : memref<50x128xi32, #tpu.memory_space<vmem>> -> memref<1x128xi32, #tpu.memory_space<vmem>>
        %dma_wait3A_176 = tpu.memref_squeeze %dma_wait3A_175 : memref<1x128xi32, #tpu.memory_space<vmem>> -> memref<128xi32, #tpu.memory_space<vmem>>
        %dma_wait3A_177 = arith.constant 0 : i32
        %dma_wait3A_178 = arith.constant 0 : i32
        %dma_wait3A_179 = tpu.memref_slice %arg3[%dma_wait3A_177, %dma_wait3A_178] : memref<160000x128xf32, #tpu.memory_space<hbm>> -> memref<160000x128xf32, #tpu.memory_space<hbm>>
        tpu.wait_indirect_dma semaphore(%arg15 : memref<!tpu.dma_semaphore, #tpu.memory_space<semaphore_mem>>) src(%dma_wait3A_179 : memref<160000x128xf32, #tpu.memory_space<hbm>>) dst(%arg9 : memref<128x128xf32, #tpu.memory_space<vmem>>)
        %mul3A_180 = arith.constant 128 : i32
        %mul3A_181 = arith.muli %add3A_71, %mul3A_180 : i32
        %add3A_182 = arith.addi %mul3A_2, %mul3A_181 : i32
        %dma_start3A_183 = arith.constant 0 : i32
        %dma_start3A_184 = tpu.memref_slice %arg4[%add3A_182, %dma_start3A_183] : memref<204800x128xf32, #tpu.memory_space<hbm>> -> memref<128x128xf32, #tpu.memory_space<hbm>>
        %dma_start3A_185 = arith.constant 0 : i32
        %dma_start3A_186 = tpu.memref_slice %arg4[%add3A_182, %dma_start3A_185] : memref<204800x128xf32, #tpu.memory_space<hbm>> -> memref<128x128xf32, #tpu.memory_space<hbm>>
        tpu.enqueue_dma source(%arg9 : memref<128x128xf32, #tpu.memory_space<vmem>>) target(%dma_start3A_186 : memref<128x128xf32, #tpu.memory_space<hbm>>) target_semaphore(%arg21 : memref<!tpu.dma_semaphore, #tpu.memory_space<semaphore_mem>>)
      } else {
      }
      %add3A_77 = arith.constant 4 : i32
      %add3A_78 = arith.addi %mul3A_51, %add3A_77 : i32
      %lt3A_79 = arith.constant 50 : i32
      %lt3A_80 = arith.cmpi slt, %add3A_78, %lt3A_79 : i32
      %convert_element_type3A_81 = arith.extui %lt3A_80 : i1 to i32
      %cond3A_82 = arith.constant 0 : i32
      %cond3A_83 = arith.cmpi ne, %convert_element_type3A_81, %cond3A_82 : i32
      scf.if %cond3A_83 {
        %dma_wait3A = arith.constant 0 : i32
        %dma_wait3A_175 = tpu.memref_slice %arg5[%add3A_78, %dma_wait3A] : memref<50x128xi32, #tpu.memory_space<vmem>> -> memref<1x128xi32, #tpu.memory_space<vmem>>
        %dma_wait3A_176 = tpu.memref_squeeze %dma_wait3A_175 : memref<1x128xi32, #tpu.memory_space<vmem>> -> memref<128xi32, #tpu.memory_space<vmem>>
        %dma_wait3A_177 = arith.constant 0 : i32
        %dma_wait3A_178 = arith.constant 0 : i32
        %dma_wait3A_179 = tpu.memref_slice %arg3[%dma_wait3A_177, %dma_wait3A_178] : memref<160000x128xf32, #tpu.memory_space<hbm>> -> memref<160000x128xf32, #tpu.memory_space<hbm>>
        tpu.wait_indirect_dma semaphore(%arg16 : memref<!tpu.dma_semaphore, #tpu.memory_space<semaphore_mem>>) src(%dma_wait3A_179 : memref<160000x128xf32, #tpu.memory_space<hbm>>) dst(%arg10 : memref<128x128xf32, #tpu.memory_space<vmem>>)
        %mul3A_180 = arith.constant 128 : i32
        %mul3A_181 = arith.muli %add3A_78, %mul3A_180 : i32
        %add3A_182 = arith.addi %mul3A_2, %mul3A_181 : i32
        %dma_start3A_183 = arith.constant 0 : i32
        %dma_start3A_184 = tpu.memref_slice %arg4[%add3A_182, %dma_start3A_183] : memref<204800x128xf32, #tpu.memory_space<hbm>> -> memref<128x128xf32, #tpu.memory_space<hbm>>
        %dma_start3A_185 = arith.constant 0 : i32
        %dma_start3A_186 = tpu.memref_slice %arg4[%add3A_182, %dma_start3A_185] : memref<204800x128xf32, #tpu.memory_space<hbm>> -> memref<128x128xf32, #tpu.memory_space<hbm>>
        tpu.enqueue_dma source(%arg10 : memref<128x128xf32, #tpu.memory_space<vmem>>) target(%dma_start3A_186 : memref<128x128xf32, #tpu.memory_space<hbm>>) target_semaphore(%arg22 : memref<!tpu.dma_semaphore, #tpu.memory_space<semaphore_mem>>)
      } else {
      }
      %add3A_84 = arith.constant 5 : i32
      %add3A_85 = arith.addi %mul3A_51, %add3A_84 : i32
      %lt3A_86 = arith.constant 50 : i32
      %lt3A_87 = arith.cmpi slt, %add3A_85, %lt3A_86 : i32
      %convert_element_type3A_88 = arith.extui %lt3A_87 : i1 to i32
      %cond3A_89 = arith.constant 0 : i32
      %cond3A_90 = arith.cmpi ne, %convert_element_type3A_88, %cond3A_89 : i32
      scf.if %cond3A_90 {
        %dma_wait3A = arith.constant 0 : i32
        %dma_wait3A_175 = tpu.memref_slice %arg5[%add3A_85, %dma_wait3A] : memref<50x128xi32, #tpu.memory_space<vmem>> -> memref<1x128xi32, #tpu.memory_space<vmem>>
        %dma_wait3A_176 = tpu.memref_squeeze %dma_wait3A_175 : memref<1x128xi32, #tpu.memory_space<vmem>> -> memref<128xi32, #tpu.memory_space<vmem>>
        %dma_wait3A_177 = arith.constant 0 : i32
        %dma_wait3A_178 = arith.constant 0 : i32
        %dma_wait3A_179 = tpu.memref_slice %arg3[%dma_wait3A_177, %dma_wait3A_178] : memref<160000x128xf32, #tpu.memory_space<hbm>> -> memref<160000x128xf32, #tpu.memory_space<hbm>>
        tpu.wait_indirect_dma semaphore(%arg17 : memref<!tpu.dma_semaphore, #tpu.memory_space<semaphore_mem>>) src(%dma_wait3A_179 : memref<160000x128xf32, #tpu.memory_space<hbm>>) dst(%arg11 : memref<128x128xf32, #tpu.memory_space<vmem>>)
        %mul3A_180 = arith.constant 128 : i32
        %mul3A_181 = arith.muli %add3A_85, %mul3A_180 : i32
        %add3A_182 = arith.addi %mul3A_2, %mul3A_181 : i32
        %dma_start3A_183 = arith.constant 0 : i32
        %dma_start3A_184 = tpu.memref_slice %arg4[%add3A_182, %dma_start3A_183] : memref<204800x128xf32, #tpu.memory_space<hbm>> -> memref<128x128xf32, #tpu.memory_space<hbm>>
        %dma_start3A_185 = arith.constant 0 : i32
        %dma_start3A_186 = tpu.memref_slice %arg4[%add3A_182, %dma_start3A_185] : memref<204800x128xf32, #tpu.memory_space<hbm>> -> memref<128x128xf32, #tpu.memory_space<hbm>>
        tpu.enqueue_dma source(%arg11 : memref<128x128xf32, #tpu.memory_space<vmem>>) target(%dma_start3A_186 : memref<128x128xf32, #tpu.memory_space<hbm>>) target_semaphore(%arg23 : memref<!tpu.dma_semaphore, #tpu.memory_space<semaphore_mem>>)
      } else {
      }
      %add3A_91 = arith.constant 0 : i32
      %add3A_92 = arith.addi %mul3A_51, %add3A_91 : i32
      %lt3A_93 = arith.constant 50 : i32
      %lt3A_94 = arith.cmpi slt, %add3A_92, %lt3A_93 : i32
      %convert_element_type3A_95 = arith.extui %lt3A_94 : i1 to i32
      %cond3A_96 = arith.constant 0 : i32
      %cond3A_97 = arith.cmpi ne, %convert_element_type3A_95, %cond3A_96 : i32
      scf.if %cond3A_97 {
        %mul3A_175 = arith.constant 128 : i32
        %mul3A_176 = arith.muli %add3A_92, %mul3A_175 : i32
        %add3A_177 = arith.addi %mul3A_2, %mul3A_176 : i32
        %dma_wait3A = arith.constant 0 : i32
        %dma_wait3A_178 = tpu.memref_slice %arg4[%add3A_177, %dma_wait3A] : memref<204800x128xf32, #tpu.memory_space<hbm>> -> memref<128x128xf32, #tpu.memory_space<hbm>>
        %dma_wait3A_179 = arith.constant 0 : i32
        %dma_wait3A_180 = tpu.memref_slice %arg4[%add3A_177, %dma_wait3A_179] : memref<204800x128xf32, #tpu.memory_space<hbm>> -> memref<128x128xf32, #tpu.memory_space<hbm>>
        tpu.wait_dma2 semaphore(%arg18 : memref<!tpu.dma_semaphore, #tpu.memory_space<semaphore_mem>>) src(%arg6 : memref<128x128xf32, #tpu.memory_space<vmem>>) dst(%dma_wait3A_180 : memref<128x128xf32, #tpu.memory_space<hbm>>)
      } else {
      }
      %add3A_98 = arith.constant 6 : i32
      %add3A_99 = arith.addi %add3A_92, %add3A_98 : i32
      %lt3A_100 = arith.constant 50 : i32
      %lt3A_101 = arith.cmpi slt, %add3A_99, %lt3A_100 : i32
      %convert_element_type3A_102 = arith.extui %lt3A_101 : i1 to i32
      %cond3A_103 = arith.constant 0 : i32
      %cond3A_104 = arith.cmpi ne, %convert_element_type3A_102, %cond3A_103 : i32
      scf.if %cond3A_104 {
        %add3A_175 = arith.constant 6 : i32
        %add3A_176 = arith.addi %add3A_92, %add3A_175 : i32
        %dma_start3A_177 = arith.constant 0 : i32
        %dma_start3A_178 = tpu.memref_slice %arg5[%add3A_176, %dma_start3A_177] : memref<50x128xi32, #tpu.memory_space<vmem>> -> memref<1x128xi32, #tpu.memory_space<vmem>>
        %dma_start3A_179 = tpu.memref_squeeze %dma_start3A_178 : memref<1x128xi32, #tpu.memory_space<vmem>> -> memref<128xi32, #tpu.memory_space<vmem>>
        %dma_start3A_180 = arith.constant 0 : i32
        %dma_start3A_181 = arith.constant 0 : i32
        %dma_start3A_182 = tpu.memref_slice %arg3[%dma_start3A_180, %dma_start3A_181] : memref<160000x128xf32, #tpu.memory_space<hbm>> -> memref<160000x128xf32, #tpu.memory_space<hbm>>
        tpu.enqueue_indirect_dma source(%dma_start3A_182 : memref<160000x128xf32, #tpu.memory_space<hbm>>) target(%arg6 : memref<128x128xf32, #tpu.memory_space<vmem>>) offsets(%dma_start3A_179 : memref<128xi32, #tpu.memory_space<vmem>>) semaphore(%arg12 : memref<!tpu.dma_semaphore, #tpu.memory_space<semaphore_mem>>)
      } else {
      }
      %add3A_105 = arith.constant 1 : i32
      %add3A_106 = arith.addi %mul3A_51, %add3A_105 : i32
      %lt3A_107 = arith.constant 50 : i32
      %lt3A_108 = arith.cmpi slt, %add3A_106, %lt3A_107 : i32
      %convert_element_type3A_109 = arith.extui %lt3A_108 : i1 to i32
      %cond3A_110 = arith.constant 0 : i32
      %cond3A_111 = arith.cmpi ne, %convert_element_type3A_109, %cond3A_110 : i32
      scf.if %cond3A_111 {
        %mul3A_175 = arith.constant 128 : i32
        %mul3A_176 = arith.muli %add3A_106, %mul3A_175 : i32
        %add3A_177 = arith.addi %mul3A_2, %mul3A_176 : i32
        %dma_wait3A = arith.constant 0 : i32
        %dma_wait3A_178 = tpu.memref_slice %arg4[%add3A_177, %dma_wait3A] : memref<204800x128xf32, #tpu.memory_space<hbm>> -> memref<128x128xf32, #tpu.memory_space<hbm>>
        %dma_wait3A_179 = arith.constant 0 : i32
        %dma_wait3A_180 = tpu.memref_slice %arg4[%add3A_177, %dma_wait3A_179] : memref<204800x128xf32, #tpu.memory_space<hbm>> -> memref<128x128xf32, #tpu.memory_space<hbm>>
        tpu.wait_dma2 semaphore(%arg19 : memref<!tpu.dma_semaphore, #tpu.memory_space<semaphore_mem>>) src(%arg7 : memref<128x128xf32, #tpu.memory_space<vmem>>) dst(%dma_wait3A_180 : memref<128x128xf32, #tpu.memory_space<hbm>>)
      } else {
      }
      %add3A_112 = arith.constant 6 : i32
      %add3A_113 = arith.addi %add3A_106, %add3A_112 : i32
      %lt3A_114 = arith.constant 50 : i32
      %lt3A_115 = arith.cmpi slt, %add3A_113, %lt3A_114 : i32
      %convert_element_type3A_116 = arith.extui %lt3A_115 : i1 to i32
      %cond3A_117 = arith.constant 0 : i32
      %cond3A_118 = arith.cmpi ne, %convert_element_type3A_116, %cond3A_117 : i32
      scf.if %cond3A_118 {
        %add3A_175 = arith.constant 6 : i32
        %add3A_176 = arith.addi %add3A_106, %add3A_175 : i32
        %dma_start3A_177 = arith.constant 0 : i32
        %dma_start3A_178 = tpu.memref_slice %arg5[%add3A_176, %dma_start3A_177] : memref<50x128xi32, #tpu.memory_space<vmem>> -> memref<1x128xi32, #tpu.memory_space<vmem>>
        %dma_start3A_179 = tpu.memref_squeeze %dma_start3A_178 : memref<1x128xi32, #tpu.memory_space<vmem>> -> memref<128xi32, #tpu.memory_space<vmem>>
        %dma_start3A_180 = arith.constant 0 : i32
        %dma_start3A_181 = arith.constant 0 : i32
        %dma_start3A_182 = tpu.memref_slice %arg3[%dma_start3A_180, %dma_start3A_181] : memref<160000x128xf32, #tpu.memory_space<hbm>> -> memref<160000x128xf32, #tpu.memory_space<hbm>>
        tpu.enqueue_indirect_dma source(%dma_start3A_182 : memref<160000x128xf32, #tpu.memory_space<hbm>>) target(%arg7 : memref<128x128xf32, #tpu.memory_space<vmem>>) offsets(%dma_start3A_179 : memref<128xi32, #tpu.memory_space<vmem>>) semaphore(%arg13 : memref<!tpu.dma_semaphore, #tpu.memory_space<semaphore_mem>>)
      } else {
      }
      %add3A_119 = arith.constant 2 : i32
      %add3A_120 = arith.addi %mul3A_51, %add3A_119 : i32
      %lt3A_121 = arith.constant 50 : i32
      %lt3A_122 = arith.cmpi slt, %add3A_120, %lt3A_121 : i32
      %convert_element_type3A_123 = arith.extui %lt3A_122 : i1 to i32
      %cond3A_124 = arith.constant 0 : i32
      %cond3A_125 = arith.cmpi ne, %convert_element_type3A_123, %cond3A_124 : i32
      scf.if %cond3A_125 {
        %mul3A_175 = arith.constant 128 : i32
        %mul3A_176 = arith.muli %add3A_120, %mul3A_175 : i32
        %add3A_177 = arith.addi %mul3A_2, %mul3A_176 : i32
        %dma_wait3A = arith.constant 0 : i32
        %dma_wait3A_178 = tpu.memref_slice %arg4[%add3A_177, %dma_wait3A] : memref<204800x128xf32, #tpu.memory_space<hbm>> -> memref<128x128xf32, #tpu.memory_space<hbm>>
        %dma_wait3A_179 = arith.constant 0 : i32
        %dma_wait3A_180 = tpu.memref_slice %arg4[%add3A_177, %dma_wait3A_179] : memref<204800x128xf32, #tpu.memory_space<hbm>> -> memref<128x128xf32, #tpu.memory_space<hbm>>
        tpu.wait_dma2 semaphore(%arg20 : memref<!tpu.dma_semaphore, #tpu.memory_space<semaphore_mem>>) src(%arg8 : memref<128x128xf32, #tpu.memory_space<vmem>>) dst(%dma_wait3A_180 : memref<128x128xf32, #tpu.memory_space<hbm>>)
      } else {
      }
      %add3A_126 = arith.constant 6 : i32
      %add3A_127 = arith.addi %add3A_120, %add3A_126 : i32
      %lt3A_128 = arith.constant 50 : i32
      %lt3A_129 = arith.cmpi slt, %add3A_127, %lt3A_128 : i32
      %convert_element_type3A_130 = arith.extui %lt3A_129 : i1 to i32
      %cond3A_131 = arith.constant 0 : i32
      %cond3A_132 = arith.cmpi ne, %convert_element_type3A_130, %cond3A_131 : i32
      scf.if %cond3A_132 {
        %add3A_175 = arith.constant 6 : i32
        %add3A_176 = arith.addi %add3A_120, %add3A_175 : i32
        %dma_start3A_177 = arith.constant 0 : i32
        %dma_start3A_178 = tpu.memref_slice %arg5[%add3A_176, %dma_start3A_177] : memref<50x128xi32, #tpu.memory_space<vmem>> -> memref<1x128xi32, #tpu.memory_space<vmem>>
        %dma_start3A_179 = tpu.memref_squeeze %dma_start3A_178 : memref<1x128xi32, #tpu.memory_space<vmem>> -> memref<128xi32, #tpu.memory_space<vmem>>
        %dma_start3A_180 = arith.constant 0 : i32
        %dma_start3A_181 = arith.constant 0 : i32
        %dma_start3A_182 = tpu.memref_slice %arg3[%dma_start3A_180, %dma_start3A_181] : memref<160000x128xf32, #tpu.memory_space<hbm>> -> memref<160000x128xf32, #tpu.memory_space<hbm>>
        tpu.enqueue_indirect_dma source(%dma_start3A_182 : memref<160000x128xf32, #tpu.memory_space<hbm>>) target(%arg8 : memref<128x128xf32, #tpu.memory_space<vmem>>) offsets(%dma_start3A_179 : memref<128xi32, #tpu.memory_space<vmem>>) semaphore(%arg14 : memref<!tpu.dma_semaphore, #tpu.memory_space<semaphore_mem>>)
      } else {
      }
      %add3A_133 = arith.constant 3 : i32
      %add3A_134 = arith.addi %mul3A_51, %add3A_133 : i32
      %lt3A_135 = arith.constant 50 : i32
      %lt3A_136 = arith.cmpi slt, %add3A_134, %lt3A_135 : i32
      %convert_element_type3A_137 = arith.extui %lt3A_136 : i1 to i32
      %cond3A_138 = arith.constant 0 : i32
      %cond3A_139 = arith.cmpi ne, %convert_element_type3A_137, %cond3A_138 : i32
      scf.if %cond3A_139 {
        %mul3A_175 = arith.constant 128 : i32
        %mul3A_176 = arith.muli %add3A_134, %mul3A_175 : i32
        %add3A_177 = arith.addi %mul3A_2, %mul3A_176 : i32
        %dma_wait3A = arith.constant 0 : i32
        %dma_wait3A_178 = tpu.memref_slice %arg4[%add3A_177, %dma_wait3A] : memref<204800x128xf32, #tpu.memory_space<hbm>> -> memref<128x128xf32, #tpu.memory_space<hbm>>
        %dma_wait3A_179 = arith.constant 0 : i32
        %dma_wait3A_180 = tpu.memref_slice %arg4[%add3A_177, %dma_wait3A_179] : memref<204800x128xf32, #tpu.memory_space<hbm>> -> memref<128x128xf32, #tpu.memory_space<hbm>>
        tpu.wait_dma2 semaphore(%arg21 : memref<!tpu.dma_semaphore, #tpu.memory_space<semaphore_mem>>) src(%arg9 : memref<128x128xf32, #tpu.memory_space<vmem>>) dst(%dma_wait3A_180 : memref<128x128xf32, #tpu.memory_space<hbm>>)
      } else {
      }
      %add3A_140 = arith.constant 6 : i32
      %add3A_141 = arith.addi %add3A_134, %add3A_140 : i32
      %lt3A_142 = arith.constant 50 : i32
      %lt3A_143 = arith.cmpi slt, %add3A_141, %lt3A_142 : i32
      %convert_element_type3A_144 = arith.extui %lt3A_143 : i1 to i32
      %cond3A_145 = arith.constant 0 : i32
      %cond3A_146 = arith.cmpi ne, %convert_element_type3A_144, %cond3A_145 : i32
      scf.if %cond3A_146 {
        %add3A_175 = arith.constant 6 : i32
        %add3A_176 = arith.addi %add3A_134, %add3A_175 : i32
        %dma_start3A_177 = arith.constant 0 : i32
        %dma_start3A_178 = tpu.memref_slice %arg5[%add3A_176, %dma_start3A_177] : memref<50x128xi32, #tpu.memory_space<vmem>> -> memref<1x128xi32, #tpu.memory_space<vmem>>
        %dma_start3A_179 = tpu.memref_squeeze %dma_start3A_178 : memref<1x128xi32, #tpu.memory_space<vmem>> -> memref<128xi32, #tpu.memory_space<vmem>>
        %dma_start3A_180 = arith.constant 0 : i32
        %dma_start3A_181 = arith.constant 0 : i32
        %dma_start3A_182 = tpu.memref_slice %arg3[%dma_start3A_180, %dma_start3A_181] : memref<160000x128xf32, #tpu.memory_space<hbm>> -> memref<160000x128xf32, #tpu.memory_space<hbm>>
        tpu.enqueue_indirect_dma source(%dma_start3A_182 : memref<160000x128xf32, #tpu.memory_space<hbm>>) target(%arg9 : memref<128x128xf32, #tpu.memory_space<vmem>>) offsets(%dma_start3A_179 : memref<128xi32, #tpu.memory_space<vmem>>) semaphore(%arg15 : memref<!tpu.dma_semaphore, #tpu.memory_space<semaphore_mem>>)
      } else {
      }
      %add3A_147 = arith.constant 4 : i32
      %add3A_148 = arith.addi %mul3A_51, %add3A_147 : i32
      %lt3A_149 = arith.constant 50 : i32
      %lt3A_150 = arith.cmpi slt, %add3A_148, %lt3A_149 : i32
      %convert_element_type3A_151 = arith.extui %lt3A_150 : i1 to i32
      %cond3A_152 = arith.constant 0 : i32
      %cond3A_153 = arith.cmpi ne, %convert_element_type3A_151, %cond3A_152 : i32
      scf.if %cond3A_153 {
        %mul3A_175 = arith.constant 128 : i32
        %mul3A_176 = arith.muli %add3A_148, %mul3A_175 : i32
        %add3A_177 = arith.addi %mul3A_2, %mul3A_176 : i32
        %dma_wait3A = arith.constant 0 : i32
        %dma_wait3A_178 = tpu.memref_slice %arg4[%add3A_177, %dma_wait3A] : memref<204800x128xf32, #tpu.memory_space<hbm>> -> memref<128x128xf32, #tpu.memory_space<hbm>>
        %dma_wait3A_179 = arith.constant 0 : i32
        %dma_wait3A_180 = tpu.memref_slice %arg4[%add3A_177, %dma_wait3A_179] : memref<204800x128xf32, #tpu.memory_space<hbm>> -> memref<128x128xf32, #tpu.memory_space<hbm>>
        tpu.wait_dma2 semaphore(%arg22 : memref<!tpu.dma_semaphore, #tpu.memory_space<semaphore_mem>>) src(%arg10 : memref<128x128xf32, #tpu.memory_space<vmem>>) dst(%dma_wait3A_180 : memref<128x128xf32, #tpu.memory_space<hbm>>)
      } else {
      }
      %add3A_154 = arith.constant 6 : i32
      %add3A_155 = arith.addi %add3A_148, %add3A_154 : i32
      %lt3A_156 = arith.constant 50 : i32
      %lt3A_157 = arith.cmpi slt, %add3A_155, %lt3A_156 : i32
      %convert_element_type3A_158 = arith.extui %lt3A_157 : i1 to i32
      %cond3A_159 = arith.constant 0 : i32
      %cond3A_160 = arith.cmpi ne, %convert_element_type3A_158, %cond3A_159 : i32
      scf.if %cond3A_160 {
        %add3A_175 = arith.constant 6 : i32
        %add3A_176 = arith.addi %add3A_148, %add3A_175 : i32
        %dma_start3A_177 = arith.constant 0 : i32
        %dma_start3A_178 = tpu.memref_slice %arg5[%add3A_176, %dma_start3A_177] : memref<50x128xi32, #tpu.memory_space<vmem>> -> memref<1x128xi32, #tpu.memory_space<vmem>>
        %dma_start3A_179 = tpu.memref_squeeze %dma_start3A_178 : memref<1x128xi32, #tpu.memory_space<vmem>> -> memref<128xi32, #tpu.memory_space<vmem>>
        %dma_start3A_180 = arith.constant 0 : i32
        %dma_start3A_181 = arith.constant 0 : i32
        %dma_start3A_182 = tpu.memref_slice %arg3[%dma_start3A_180, %dma_start3A_181] : memref<160000x128xf32, #tpu.memory_space<hbm>> -> memref<160000x128xf32, #tpu.memory_space<hbm>>
        tpu.enqueue_indirect_dma source(%dma_start3A_182 : memref<160000x128xf32, #tpu.memory_space<hbm>>) target(%arg10 : memref<128x128xf32, #tpu.memory_space<vmem>>) offsets(%dma_start3A_179 : memref<128xi32, #tpu.memory_space<vmem>>) semaphore(%arg16 : memref<!tpu.dma_semaphore, #tpu.memory_space<semaphore_mem>>)
      } else {
      }
      %add3A_161 = arith.constant 5 : i32
      %add3A_162 = arith.addi %mul3A_51, %add3A_161 : i32
      %lt3A_163 = arith.constant 50 : i32
      %lt3A_164 = arith.cmpi slt, %add3A_162, %lt3A_163 : i32
      %convert_element_type3A_165 = arith.extui %lt3A_164 : i1 to i32
      %cond3A_166 = arith.constant 0 : i32
      %cond3A_167 = arith.cmpi ne, %convert_element_type3A_165, %cond3A_166 : i32
      scf.if %cond3A_167 {
        %mul3A_175 = arith.constant 128 : i32
        %mul3A_176 = arith.muli %add3A_162, %mul3A_175 : i32
        %add3A_177 = arith.addi %mul3A_2, %mul3A_176 : i32
        %dma_wait3A = arith.constant 0 : i32
        %dma_wait3A_178 = tpu.memref_slice %arg4[%add3A_177, %dma_wait3A] : memref<204800x128xf32, #tpu.memory_space<hbm>> -> memref<128x128xf32, #tpu.memory_space<hbm>>
        %dma_wait3A_179 = arith.constant 0 : i32
        %dma_wait3A_180 = tpu.memref_slice %arg4[%add3A_177, %dma_wait3A_179] : memref<204800x128xf32, #tpu.memory_space<hbm>> -> memref<128x128xf32, #tpu.memory_space<hbm>>
        tpu.wait_dma2 semaphore(%arg23 : memref<!tpu.dma_semaphore, #tpu.memory_space<semaphore_mem>>) src(%arg11 : memref<128x128xf32, #tpu.memory_space<vmem>>) dst(%dma_wait3A_180 : memref<128x128xf32, #tpu.memory_space<hbm>>)
      } else {
      }
      %add3A_168 = arith.constant 6 : i32
      %add3A_169 = arith.addi %add3A_162, %add3A_168 : i32
      %lt3A_170 = arith.constant 50 : i32
      %lt3A_171 = arith.cmpi slt, %add3A_169, %lt3A_170 : i32
      %convert_element_type3A_172 = arith.extui %lt3A_171 : i1 to i32
      %cond3A_173 = arith.constant 0 : i32
      %cond3A_174 = arith.cmpi ne, %convert_element_type3A_172, %cond3A_173 : i32
      scf.if %cond3A_174 {
        %add3A_175 = arith.constant 6 : i32
        %add3A_176 = arith.addi %add3A_162, %add3A_175 : i32
        %dma_start3A_177 = arith.constant 0 : i32
        %dma_start3A_178 = tpu.memref_slice %arg5[%add3A_176, %dma_start3A_177] : memref<50x128xi32, #tpu.memory_space<vmem>> -> memref<1x128xi32, #tpu.memory_space<vmem>>
        %dma_start3A_179 = tpu.memref_squeeze %dma_start3A_178 : memref<1x128xi32, #tpu.memory_space<vmem>> -> memref<128xi32, #tpu.memory_space<vmem>>
        %dma_start3A_180 = arith.constant 0 : i32
        %dma_start3A_181 = arith.constant 0 : i32
        %dma_start3A_182 = tpu.memref_slice %arg3[%dma_start3A_180, %dma_start3A_181] : memref<160000x128xf32, #tpu.memory_space<hbm>> -> memref<160000x128xf32, #tpu.memory_space<hbm>>
        tpu.enqueue_indirect_dma source(%dma_start3A_182 : memref<160000x128xf32, #tpu.memory_space<hbm>>) target(%arg11 : memref<128x128xf32, #tpu.memory_space<vmem>>) offsets(%dma_start3A_179 : memref<128xi32, #tpu.memory_space<vmem>>) semaphore(%arg17 : memref<!tpu.dma_semaphore, #tpu.memory_space<semaphore_mem>>)
      } else {
      }
    }
    %scan3A_48 = arith.constant 9 : i32
    return
  }
}

#map = affine_map<(d0, d1) -> (0, 0, 0)>
#map1 = affine_map<(d0, d1) -> (0, 0)>
module attributes {stable_mosaic.version = 14 : i64} {
  func.func @gather_kernel(%arg0: i32, %arg1: i32, %arg2: memref<32x20x128xi32, #tpu.memory_space<hbm>>, %arg3: memref<160000x128xf32, #tpu.memory_space<hbm>>, %arg4: memref<81920x128xf32, #tpu.memory_space<hbm>>, %arg5: memref<20x128xi32, #tpu.memory_space<vmem>>, %arg6: memref<128x128xf32, #tpu.memory_space<vmem>>, %arg7: memref<128x128xf32, #tpu.memory_space<vmem>>, %arg8: memref<128x128xf32, #tpu.memory_space<vmem>>, %arg9: memref<128x128xf32, #tpu.memory_space<vmem>>, %arg10: memref<128x128xf32, #tpu.memory_space<vmem>>, %arg11: memref<128x128xf32, #tpu.memory_space<vmem>>, %arg12: memref<!tpu.dma_semaphore, #tpu.memory_space<semaphore_mem>>, %arg13: memref<!tpu.dma_semaphore, #tpu.memory_space<semaphore_mem>>, %arg14: memref<!tpu.dma_semaphore, #tpu.memory_space<semaphore_mem>>, %arg15: memref<!tpu.dma_semaphore, #tpu.memory_space<semaphore_mem>>, %arg16: memref<!tpu.dma_semaphore, #tpu.memory_space<semaphore_mem>>, %arg17: memref<!tpu.dma_semaphore, #tpu.memory_space<semaphore_mem>>, %arg18: memref<!tpu.dma_semaphore, #tpu.memory_space<semaphore_mem>>, %arg19: memref<!tpu.dma_semaphore, #tpu.memory_space<semaphore_mem>>, %arg20: memref<!tpu.dma_semaphore, #tpu.memory_space<semaphore_mem>>, %arg21: memref<!tpu.dma_semaphore, #tpu.memory_space<semaphore_mem>>, %arg22: memref<!tpu.dma_semaphore, #tpu.memory_space<semaphore_mem>>, %arg23: memref<!tpu.dma_semaphore, #tpu.memory_space<semaphore_mem>>) attributes {dimension_semantics = [#tpu.dimension_semantics<core_parallel>, #tpu.dimension_semantics<subcore_parallel>], iteration_bounds = array<i64: 2, 16>, scalar_prefetch = 0 : i64, scratch_operands = 19 : i64, tpu.core_type = #tpu.core_type<sc_vector_subcore>, window_params = [{transform_indices = #map}, {transform_indices = #map1}, {transform_indices = #map1}]} {
    %mul3A = arith.constant 2 : i32
    %mul3A_0 = arith.muli %arg1, %mul3A : i32
    %add3A = arith.addi %mul3A_0, %arg0 : i32
    %mul3A_1 = arith.constant 2560 : i32
    %mul3A_2 = arith.muli %add3A, %mul3A_1 : i32
    "tpu.region"() ({
      %run_scoped3A = tpu.sem_alloc : memref<!tpu.dma_semaphore, #tpu.memory_space<semaphore_mem>>
      %dma_start3A_49 = arith.constant 0 : i32
      %dma_start3A_50 = arith.constant 0 : i32
      %dma_start3A_51 = tpu.memref_slice %arg2[%add3A, %dma_start3A_49, %dma_start3A_50] : memref<32x20x128xi32, #tpu.memory_space<hbm>> -> memref<1x20x128xi32, #tpu.memory_space<hbm>>
      %dma_start3A_52 = tpu.memref_squeeze %dma_start3A_51 : memref<1x20x128xi32, #tpu.memory_space<hbm>> -> memref<20x128xi32, #tpu.memory_space<hbm>>
      %dma_start3A_53 = arith.constant 0 : i32
      %dma_start3A_54 = arith.constant 0 : i32
      %dma_start3A_55 = tpu.memref_slice %arg2[%add3A, %dma_start3A_53, %dma_start3A_54] : memref<32x20x128xi32, #tpu.memory_space<hbm>> -> memref<1x20x128xi32, #tpu.memory_space<hbm>>
      %dma_start3A_56 = tpu.memref_squeeze %dma_start3A_55 : memref<1x20x128xi32, #tpu.memory_space<hbm>> -> memref<20x128xi32, #tpu.memory_space<hbm>>
      tpu.enqueue_dma source(%dma_start3A_56 : memref<20x128xi32, #tpu.memory_space<hbm>>) target(%arg5 : memref<20x128xi32, #tpu.memory_space<vmem>>) target_semaphore(%run_scoped3A : memref<!tpu.dma_semaphore, #tpu.memory_space<semaphore_mem>>)
      %dma_wait3A = arith.constant 0 : i32
      %dma_wait3A_57 = arith.constant 0 : i32
      %dma_wait3A_58 = tpu.memref_slice %arg2[%add3A, %dma_wait3A, %dma_wait3A_57] : memref<32x20x128xi32, #tpu.memory_space<hbm>> -> memref<1x20x128xi32, #tpu.memory_space<hbm>>
      %dma_wait3A_59 = tpu.memref_squeeze %dma_wait3A_58 : memref<1x20x128xi32, #tpu.memory_space<hbm>> -> memref<20x128xi32, #tpu.memory_space<hbm>>
      %dma_wait3A_60 = arith.constant 0 : i32
      %dma_wait3A_61 = arith.constant 0 : i32
      %dma_wait3A_62 = tpu.memref_slice %arg2[%add3A, %dma_wait3A_60, %dma_wait3A_61] : memref<32x20x128xi32, #tpu.memory_space<hbm>> -> memref<1x20x128xi32, #tpu.memory_space<hbm>>
      %dma_wait3A_63 = tpu.memref_squeeze %dma_wait3A_62 : memref<1x20x128xi32, #tpu.memory_space<hbm>> -> memref<20x128xi32, #tpu.memory_space<hbm>>
      tpu.wait_dma2 semaphore(%run_scoped3A : memref<!tpu.dma_semaphore, #tpu.memory_space<semaphore_mem>>) src(%dma_wait3A_63 : memref<20x128xi32, #tpu.memory_space<hbm>>) dst(%arg5 : memref<20x128xi32, #tpu.memory_space<vmem>>)
      tpu.yield
    }) : () -> ()
    %dma_start3A = arith.constant 0 : i32
    %dma_start3A_3 = arith.constant 0 : i32
    %dma_start3A_4 = tpu.memref_slice %arg5[%dma_start3A, %dma_start3A_3] : memref<20x128xi32, #tpu.memory_space<vmem>> -> memref<1x128xi32, #tpu.memory_space<vmem>>
    %dma_start3A_5 = tpu.memref_squeeze %dma_start3A_4 : memref<1x128xi32, #tpu.memory_space<vmem>> -> memref<128xi32, #tpu.memory_space<vmem>>
    %dma_start3A_6 = arith.constant 0 : i32
    %dma_start3A_7 = arith.constant 0 : i32
    %dma_start3A_8 = tpu.memref_slice %arg3[%dma_start3A_6, %dma_start3A_7] : memref<160000x128xf32, #tpu.memory_space<hbm>> -> memref<160000x128xf32, #tpu.memory_space<hbm>>
    tpu.enqueue_indirect_dma source(%dma_start3A_8 : memref<160000x128xf32, #tpu.memory_space<hbm>>) target(%arg6 : memref<128x128xf32, #tpu.memory_space<vmem>>) offsets(%dma_start3A_5 : memref<128xi32, #tpu.memory_space<vmem>>) semaphore(%arg12 : memref<!tpu.dma_semaphore, #tpu.memory_space<semaphore_mem>>)
    %dma_start3A_9 = arith.constant 1 : i32
    %dma_start3A_10 = arith.constant 0 : i32
    %dma_start3A_11 = tpu.memref_slice %arg5[%dma_start3A_9, %dma_start3A_10] : memref<20x128xi32, #tpu.memory_space<vmem>> -> memref<1x128xi32, #tpu.memory_space<vmem>>
    %dma_start3A_12 = tpu.memref_squeeze %dma_start3A_11 : memref<1x128xi32, #tpu.memory_space<vmem>> -> memref<128xi32, #tpu.memory_space<vmem>>
    %dma_start3A_13 = arith.constant 0 : i32
    %dma_start3A_14 = arith.constant 0 : i32
    %dma_start3A_15 = tpu.memref_slice %arg3[%dma_start3A_13, %dma_start3A_14] : memref<160000x128xf32, #tpu.memory_space<hbm>> -> memref<160000x128xf32, #tpu.memory_space<hbm>>
    tpu.enqueue_indirect_dma source(%dma_start3A_15 : memref<160000x128xf32, #tpu.memory_space<hbm>>) target(%arg7 : memref<128x128xf32, #tpu.memory_space<vmem>>) offsets(%dma_start3A_12 : memref<128xi32, #tpu.memory_space<vmem>>) semaphore(%arg13 : memref<!tpu.dma_semaphore, #tpu.memory_space<semaphore_mem>>)
    %dma_start3A_16 = arith.constant 2 : i32
    %dma_start3A_17 = arith.constant 0 : i32
    %dma_start3A_18 = tpu.memref_slice %arg5[%dma_start3A_16, %dma_start3A_17] : memref<20x128xi32, #tpu.memory_space<vmem>> -> memref<1x128xi32, #tpu.memory_space<vmem>>
    %dma_start3A_19 = tpu.memref_squeeze %dma_start3A_18 : memref<1x128xi32, #tpu.memory_space<vmem>> -> memref<128xi32, #tpu.memory_space<vmem>>
    %dma_start3A_20 = arith.constant 0 : i32
    %dma_start3A_21 = arith.constant 0 : i32
    %dma_start3A_22 = tpu.memref_slice %arg3[%dma_start3A_20, %dma_start3A_21] : memref<160000x128xf32, #tpu.memory_space<hbm>> -> memref<160000x128xf32, #tpu.memory_space<hbm>>
    tpu.enqueue_indirect_dma source(%dma_start3A_22 : memref<160000x128xf32, #tpu.memory_space<hbm>>) target(%arg8 : memref<128x128xf32, #tpu.memory_space<vmem>>) offsets(%dma_start3A_19 : memref<128xi32, #tpu.memory_space<vmem>>) semaphore(%arg14 : memref<!tpu.dma_semaphore, #tpu.memory_space<semaphore_mem>>)
    %dma_start3A_23 = arith.constant 3 : i32
    %dma_start3A_24 = arith.constant 0 : i32
    %dma_start3A_25 = tpu.memref_slice %arg5[%dma_start3A_23, %dma_start3A_24] : memref<20x128xi32, #tpu.memory_space<vmem>> -> memref<1x128xi32, #tpu.memory_space<vmem>>
    %dma_start3A_26 = tpu.memref_squeeze %dma_start3A_25 : memref<1x128xi32, #tpu.memory_space<vmem>> -> memref<128xi32, #tpu.memory_space<vmem>>
    %dma_start3A_27 = arith.constant 0 : i32
    %dma_start3A_28 = arith.constant 0 : i32
    %dma_start3A_29 = tpu.memref_slice %arg3[%dma_start3A_27, %dma_start3A_28] : memref<160000x128xf32, #tpu.memory_space<hbm>> -> memref<160000x128xf32, #tpu.memory_space<hbm>>
    tpu.enqueue_indirect_dma source(%dma_start3A_29 : memref<160000x128xf32, #tpu.memory_space<hbm>>) target(%arg9 : memref<128x128xf32, #tpu.memory_space<vmem>>) offsets(%dma_start3A_26 : memref<128xi32, #tpu.memory_space<vmem>>) semaphore(%arg15 : memref<!tpu.dma_semaphore, #tpu.memory_space<semaphore_mem>>)
    %dma_start3A_30 = arith.constant 4 : i32
    %dma_start3A_31 = arith.constant 0 : i32
    %dma_start3A_32 = tpu.memref_slice %arg5[%dma_start3A_30, %dma_start3A_31] : memref<20x128xi32, #tpu.memory_space<vmem>> -> memref<1x128xi32, #tpu.memory_space<vmem>>
    %dma_start3A_33 = tpu.memref_squeeze %dma_start3A_32 : memref<1x128xi32, #tpu.memory_space<vmem>> -> memref<128xi32, #tpu.memory_space<vmem>>
    %dma_start3A_34 = arith.constant 0 : i32
    %dma_start3A_35 = arith.constant 0 : i32
    %dma_start3A_36 = tpu.memref_slice %arg3[%dma_start3A_34, %dma_start3A_35] : memref<160000x128xf32, #tpu.memory_space<hbm>> -> memref<160000x128xf32, #tpu.memory_space<hbm>>
    tpu.enqueue_indirect_dma source(%dma_start3A_36 : memref<160000x128xf32, #tpu.memory_space<hbm>>) target(%arg10 : memref<128x128xf32, #tpu.memory_space<vmem>>) offsets(%dma_start3A_33 : memref<128xi32, #tpu.memory_space<vmem>>) semaphore(%arg16 : memref<!tpu.dma_semaphore, #tpu.memory_space<semaphore_mem>>)
    %dma_start3A_37 = arith.constant 5 : i32
    %dma_start3A_38 = arith.constant 0 : i32
    %dma_start3A_39 = tpu.memref_slice %arg5[%dma_start3A_37, %dma_start3A_38] : memref<20x128xi32, #tpu.memory_space<vmem>> -> memref<1x128xi32, #tpu.memory_space<vmem>>
    %dma_start3A_40 = tpu.memref_squeeze %dma_start3A_39 : memref<1x128xi32, #tpu.memory_space<vmem>> -> memref<128xi32, #tpu.memory_space<vmem>>
    %dma_start3A_41 = arith.constant 0 : i32
    %dma_start3A_42 = arith.constant 0 : i32
    %dma_start3A_43 = tpu.memref_slice %arg3[%dma_start3A_41, %dma_start3A_42] : memref<160000x128xf32, #tpu.memory_space<hbm>> -> memref<160000x128xf32, #tpu.memory_space<hbm>>
    tpu.enqueue_indirect_dma source(%dma_start3A_43 : memref<160000x128xf32, #tpu.memory_space<hbm>>) target(%arg11 : memref<128x128xf32, #tpu.memory_space<vmem>>) offsets(%dma_start3A_40 : memref<128xi32, #tpu.memory_space<vmem>>) semaphore(%arg17 : memref<!tpu.dma_semaphore, #tpu.memory_space<semaphore_mem>>)
    %scan3A = arith.constant 0 : i32
    %scan3A_44 = arith.constant 0 : i32
    %scan3A_45 = arith.constant 4 : i32
    %scan3A_46 = arith.addi %scan3A_44, %scan3A_45 : i32
    %scan3A_47 = arith.constant 1 : i32
    scf.for %scan3A_49 = %scan3A_44 to %scan3A_46 step %scan3A_47  : i32 {
      %mul3A_50 = arith.constant 6 : i32
      %mul3A_51 = arith.muli %scan3A_49, %mul3A_50 : i32
      %add3A_52 = arith.constant 0 : i32
      %add3A_53 = arith.addi %mul3A_51, %add3A_52 : i32
      %lt3A = arith.constant 20 : i32
      %lt3A_54 = arith.cmpi slt, %add3A_53, %lt3A : i32
      %convert_element_type3A = arith.extui %lt3A_54 : i1 to i32
      %cond3A = arith.constant 0 : i32
      %cond3A_55 = arith.cmpi ne, %convert_element_type3A, %cond3A : i32
      scf.if %cond3A_55 {
        %dma_wait3A = arith.constant 0 : i32
        %dma_wait3A_175 = tpu.memref_slice %arg5[%add3A_53, %dma_wait3A] : memref<20x128xi32, #tpu.memory_space<vmem>> -> memref<1x128xi32, #tpu.memory_space<vmem>>
        %dma_wait3A_176 = tpu.memref_squeeze %dma_wait3A_175 : memref<1x128xi32, #tpu.memory_space<vmem>> -> memref<128xi32, #tpu.memory_space<vmem>>
        %dma_wait3A_177 = arith.constant 0 : i32
        %dma_wait3A_178 = arith.constant 0 : i32
        %dma_wait3A_179 = tpu.memref_slice %arg3[%dma_wait3A_177, %dma_wait3A_178] : memref<160000x128xf32, #tpu.memory_space<hbm>> -> memref<160000x128xf32, #tpu.memory_space<hbm>>
        tpu.wait_indirect_dma semaphore(%arg12 : memref<!tpu.dma_semaphore, #tpu.memory_space<semaphore_mem>>) src(%dma_wait3A_179 : memref<160000x128xf32, #tpu.memory_space<hbm>>) dst(%arg6 : memref<128x128xf32, #tpu.memory_space<vmem>>)
        %mul3A_180 = arith.constant 128 : i32
        %mul3A_181 = arith.muli %add3A_53, %mul3A_180 : i32
        %add3A_182 = arith.addi %mul3A_2, %mul3A_181 : i32
        %dma_start3A_183 = arith.constant 0 : i32
        %dma_start3A_184 = tpu.memref_slice %arg4[%add3A_182, %dma_start3A_183] : memref<81920x128xf32, #tpu.memory_space<hbm>> -> memref<128x128xf32, #tpu.memory_space<hbm>>
        %dma_start3A_185 = arith.constant 0 : i32
        %dma_start3A_186 = tpu.memref_slice %arg4[%add3A_182, %dma_start3A_185] : memref<81920x128xf32, #tpu.memory_space<hbm>> -> memref<128x128xf32, #tpu.memory_space<hbm>>
        tpu.enqueue_dma source(%arg6 : memref<128x128xf32, #tpu.memory_space<vmem>>) target(%dma_start3A_186 : memref<128x128xf32, #tpu.memory_space<hbm>>) target_semaphore(%arg18 : memref<!tpu.dma_semaphore, #tpu.memory_space<semaphore_mem>>)
      } else {
      }
      %add3A_56 = arith.constant 1 : i32
      %add3A_57 = arith.addi %mul3A_51, %add3A_56 : i32
      %lt3A_58 = arith.constant 20 : i32
      %lt3A_59 = arith.cmpi slt, %add3A_57, %lt3A_58 : i32
      %convert_element_type3A_60 = arith.extui %lt3A_59 : i1 to i32
      %cond3A_61 = arith.constant 0 : i32
      %cond3A_62 = arith.cmpi ne, %convert_element_type3A_60, %cond3A_61 : i32
      scf.if %cond3A_62 {
        %dma_wait3A = arith.constant 0 : i32
        %dma_wait3A_175 = tpu.memref_slice %arg5[%add3A_57, %dma_wait3A] : memref<20x128xi32, #tpu.memory_space<vmem>> -> memref<1x128xi32, #tpu.memory_space<vmem>>
        %dma_wait3A_176 = tpu.memref_squeeze %dma_wait3A_175 : memref<1x128xi32, #tpu.memory_space<vmem>> -> memref<128xi32, #tpu.memory_space<vmem>>
        %dma_wait3A_177 = arith.constant 0 : i32
        %dma_wait3A_178 = arith.constant 0 : i32
        %dma_wait3A_179 = tpu.memref_slice %arg3[%dma_wait3A_177, %dma_wait3A_178] : memref<160000x128xf32, #tpu.memory_space<hbm>> -> memref<160000x128xf32, #tpu.memory_space<hbm>>
        tpu.wait_indirect_dma semaphore(%arg13 : memref<!tpu.dma_semaphore, #tpu.memory_space<semaphore_mem>>) src(%dma_wait3A_179 : memref<160000x128xf32, #tpu.memory_space<hbm>>) dst(%arg7 : memref<128x128xf32, #tpu.memory_space<vmem>>)
        %mul3A_180 = arith.constant 128 : i32
        %mul3A_181 = arith.muli %add3A_57, %mul3A_180 : i32
        %add3A_182 = arith.addi %mul3A_2, %mul3A_181 : i32
        %dma_start3A_183 = arith.constant 0 : i32
        %dma_start3A_184 = tpu.memref_slice %arg4[%add3A_182, %dma_start3A_183] : memref<81920x128xf32, #tpu.memory_space<hbm>> -> memref<128x128xf32, #tpu.memory_space<hbm>>
        %dma_start3A_185 = arith.constant 0 : i32
        %dma_start3A_186 = tpu.memref_slice %arg4[%add3A_182, %dma_start3A_185] : memref<81920x128xf32, #tpu.memory_space<hbm>> -> memref<128x128xf32, #tpu.memory_space<hbm>>
        tpu.enqueue_dma source(%arg7 : memref<128x128xf32, #tpu.memory_space<vmem>>) target(%dma_start3A_186 : memref<128x128xf32, #tpu.memory_space<hbm>>) target_semaphore(%arg19 : memref<!tpu.dma_semaphore, #tpu.memory_space<semaphore_mem>>)
      } else {
      }
      %add3A_63 = arith.constant 2 : i32
      %add3A_64 = arith.addi %mul3A_51, %add3A_63 : i32
      %lt3A_65 = arith.constant 20 : i32
      %lt3A_66 = arith.cmpi slt, %add3A_64, %lt3A_65 : i32
      %convert_element_type3A_67 = arith.extui %lt3A_66 : i1 to i32
      %cond3A_68 = arith.constant 0 : i32
      %cond3A_69 = arith.cmpi ne, %convert_element_type3A_67, %cond3A_68 : i32
      scf.if %cond3A_69 {
        %dma_wait3A = arith.constant 0 : i32
        %dma_wait3A_175 = tpu.memref_slice %arg5[%add3A_64, %dma_wait3A] : memref<20x128xi32, #tpu.memory_space<vmem>> -> memref<1x128xi32, #tpu.memory_space<vmem>>
        %dma_wait3A_176 = tpu.memref_squeeze %dma_wait3A_175 : memref<1x128xi32, #tpu.memory_space<vmem>> -> memref<128xi32, #tpu.memory_space<vmem>>
        %dma_wait3A_177 = arith.constant 0 : i32
        %dma_wait3A_178 = arith.constant 0 : i32
        %dma_wait3A_179 = tpu.memref_slice %arg3[%dma_wait3A_177, %dma_wait3A_178] : memref<160000x128xf32, #tpu.memory_space<hbm>> -> memref<160000x128xf32, #tpu.memory_space<hbm>>
        tpu.wait_indirect_dma semaphore(%arg14 : memref<!tpu.dma_semaphore, #tpu.memory_space<semaphore_mem>>) src(%dma_wait3A_179 : memref<160000x128xf32, #tpu.memory_space<hbm>>) dst(%arg8 : memref<128x128xf32, #tpu.memory_space<vmem>>)
        %mul3A_180 = arith.constant 128 : i32
        %mul3A_181 = arith.muli %add3A_64, %mul3A_180 : i32
        %add3A_182 = arith.addi %mul3A_2, %mul3A_181 : i32
        %dma_start3A_183 = arith.constant 0 : i32
        %dma_start3A_184 = tpu.memref_slice %arg4[%add3A_182, %dma_start3A_183] : memref<81920x128xf32, #tpu.memory_space<hbm>> -> memref<128x128xf32, #tpu.memory_space<hbm>>
        %dma_start3A_185 = arith.constant 0 : i32
        %dma_start3A_186 = tpu.memref_slice %arg4[%add3A_182, %dma_start3A_185] : memref<81920x128xf32, #tpu.memory_space<hbm>> -> memref<128x128xf32, #tpu.memory_space<hbm>>
        tpu.enqueue_dma source(%arg8 : memref<128x128xf32, #tpu.memory_space<vmem>>) target(%dma_start3A_186 : memref<128x128xf32, #tpu.memory_space<hbm>>) target_semaphore(%arg20 : memref<!tpu.dma_semaphore, #tpu.memory_space<semaphore_mem>>)
      } else {
      }
      %add3A_70 = arith.constant 3 : i32
      %add3A_71 = arith.addi %mul3A_51, %add3A_70 : i32
      %lt3A_72 = arith.constant 20 : i32
      %lt3A_73 = arith.cmpi slt, %add3A_71, %lt3A_72 : i32
      %convert_element_type3A_74 = arith.extui %lt3A_73 : i1 to i32
      %cond3A_75 = arith.constant 0 : i32
      %cond3A_76 = arith.cmpi ne, %convert_element_type3A_74, %cond3A_75 : i32
      scf.if %cond3A_76 {
        %dma_wait3A = arith.constant 0 : i32
        %dma_wait3A_175 = tpu.memref_slice %arg5[%add3A_71, %dma_wait3A] : memref<20x128xi32, #tpu.memory_space<vmem>> -> memref<1x128xi32, #tpu.memory_space<vmem>>
        %dma_wait3A_176 = tpu.memref_squeeze %dma_wait3A_175 : memref<1x128xi32, #tpu.memory_space<vmem>> -> memref<128xi32, #tpu.memory_space<vmem>>
        %dma_wait3A_177 = arith.constant 0 : i32
        %dma_wait3A_178 = arith.constant 0 : i32
        %dma_wait3A_179 = tpu.memref_slice %arg3[%dma_wait3A_177, %dma_wait3A_178] : memref<160000x128xf32, #tpu.memory_space<hbm>> -> memref<160000x128xf32, #tpu.memory_space<hbm>>
        tpu.wait_indirect_dma semaphore(%arg15 : memref<!tpu.dma_semaphore, #tpu.memory_space<semaphore_mem>>) src(%dma_wait3A_179 : memref<160000x128xf32, #tpu.memory_space<hbm>>) dst(%arg9 : memref<128x128xf32, #tpu.memory_space<vmem>>)
        %mul3A_180 = arith.constant 128 : i32
        %mul3A_181 = arith.muli %add3A_71, %mul3A_180 : i32
        %add3A_182 = arith.addi %mul3A_2, %mul3A_181 : i32
        %dma_start3A_183 = arith.constant 0 : i32
        %dma_start3A_184 = tpu.memref_slice %arg4[%add3A_182, %dma_start3A_183] : memref<81920x128xf32, #tpu.memory_space<hbm>> -> memref<128x128xf32, #tpu.memory_space<hbm>>
        %dma_start3A_185 = arith.constant 0 : i32
        %dma_start3A_186 = tpu.memref_slice %arg4[%add3A_182, %dma_start3A_185] : memref<81920x128xf32, #tpu.memory_space<hbm>> -> memref<128x128xf32, #tpu.memory_space<hbm>>
        tpu.enqueue_dma source(%arg9 : memref<128x128xf32, #tpu.memory_space<vmem>>) target(%dma_start3A_186 : memref<128x128xf32, #tpu.memory_space<hbm>>) target_semaphore(%arg21 : memref<!tpu.dma_semaphore, #tpu.memory_space<semaphore_mem>>)
      } else {
      }
      %add3A_77 = arith.constant 4 : i32
      %add3A_78 = arith.addi %mul3A_51, %add3A_77 : i32
      %lt3A_79 = arith.constant 20 : i32
      %lt3A_80 = arith.cmpi slt, %add3A_78, %lt3A_79 : i32
      %convert_element_type3A_81 = arith.extui %lt3A_80 : i1 to i32
      %cond3A_82 = arith.constant 0 : i32
      %cond3A_83 = arith.cmpi ne, %convert_element_type3A_81, %cond3A_82 : i32
      scf.if %cond3A_83 {
        %dma_wait3A = arith.constant 0 : i32
        %dma_wait3A_175 = tpu.memref_slice %arg5[%add3A_78, %dma_wait3A] : memref<20x128xi32, #tpu.memory_space<vmem>> -> memref<1x128xi32, #tpu.memory_space<vmem>>
        %dma_wait3A_176 = tpu.memref_squeeze %dma_wait3A_175 : memref<1x128xi32, #tpu.memory_space<vmem>> -> memref<128xi32, #tpu.memory_space<vmem>>
        %dma_wait3A_177 = arith.constant 0 : i32
        %dma_wait3A_178 = arith.constant 0 : i32
        %dma_wait3A_179 = tpu.memref_slice %arg3[%dma_wait3A_177, %dma_wait3A_178] : memref<160000x128xf32, #tpu.memory_space<hbm>> -> memref<160000x128xf32, #tpu.memory_space<hbm>>
        tpu.wait_indirect_dma semaphore(%arg16 : memref<!tpu.dma_semaphore, #tpu.memory_space<semaphore_mem>>) src(%dma_wait3A_179 : memref<160000x128xf32, #tpu.memory_space<hbm>>) dst(%arg10 : memref<128x128xf32, #tpu.memory_space<vmem>>)
        %mul3A_180 = arith.constant 128 : i32
        %mul3A_181 = arith.muli %add3A_78, %mul3A_180 : i32
        %add3A_182 = arith.addi %mul3A_2, %mul3A_181 : i32
        %dma_start3A_183 = arith.constant 0 : i32
        %dma_start3A_184 = tpu.memref_slice %arg4[%add3A_182, %dma_start3A_183] : memref<81920x128xf32, #tpu.memory_space<hbm>> -> memref<128x128xf32, #tpu.memory_space<hbm>>
        %dma_start3A_185 = arith.constant 0 : i32
        %dma_start3A_186 = tpu.memref_slice %arg4[%add3A_182, %dma_start3A_185] : memref<81920x128xf32, #tpu.memory_space<hbm>> -> memref<128x128xf32, #tpu.memory_space<hbm>>
        tpu.enqueue_dma source(%arg10 : memref<128x128xf32, #tpu.memory_space<vmem>>) target(%dma_start3A_186 : memref<128x128xf32, #tpu.memory_space<hbm>>) target_semaphore(%arg22 : memref<!tpu.dma_semaphore, #tpu.memory_space<semaphore_mem>>)
      } else {
      }
      %add3A_84 = arith.constant 5 : i32
      %add3A_85 = arith.addi %mul3A_51, %add3A_84 : i32
      %lt3A_86 = arith.constant 20 : i32
      %lt3A_87 = arith.cmpi slt, %add3A_85, %lt3A_86 : i32
      %convert_element_type3A_88 = arith.extui %lt3A_87 : i1 to i32
      %cond3A_89 = arith.constant 0 : i32
      %cond3A_90 = arith.cmpi ne, %convert_element_type3A_88, %cond3A_89 : i32
      scf.if %cond3A_90 {
        %dma_wait3A = arith.constant 0 : i32
        %dma_wait3A_175 = tpu.memref_slice %arg5[%add3A_85, %dma_wait3A] : memref<20x128xi32, #tpu.memory_space<vmem>> -> memref<1x128xi32, #tpu.memory_space<vmem>>
        %dma_wait3A_176 = tpu.memref_squeeze %dma_wait3A_175 : memref<1x128xi32, #tpu.memory_space<vmem>> -> memref<128xi32, #tpu.memory_space<vmem>>
        %dma_wait3A_177 = arith.constant 0 : i32
        %dma_wait3A_178 = arith.constant 0 : i32
        %dma_wait3A_179 = tpu.memref_slice %arg3[%dma_wait3A_177, %dma_wait3A_178] : memref<160000x128xf32, #tpu.memory_space<hbm>> -> memref<160000x128xf32, #tpu.memory_space<hbm>>
        tpu.wait_indirect_dma semaphore(%arg17 : memref<!tpu.dma_semaphore, #tpu.memory_space<semaphore_mem>>) src(%dma_wait3A_179 : memref<160000x128xf32, #tpu.memory_space<hbm>>) dst(%arg11 : memref<128x128xf32, #tpu.memory_space<vmem>>)
        %mul3A_180 = arith.constant 128 : i32
        %mul3A_181 = arith.muli %add3A_85, %mul3A_180 : i32
        %add3A_182 = arith.addi %mul3A_2, %mul3A_181 : i32
        %dma_start3A_183 = arith.constant 0 : i32
        %dma_start3A_184 = tpu.memref_slice %arg4[%add3A_182, %dma_start3A_183] : memref<81920x128xf32, #tpu.memory_space<hbm>> -> memref<128x128xf32, #tpu.memory_space<hbm>>
        %dma_start3A_185 = arith.constant 0 : i32
        %dma_start3A_186 = tpu.memref_slice %arg4[%add3A_182, %dma_start3A_185] : memref<81920x128xf32, #tpu.memory_space<hbm>> -> memref<128x128xf32, #tpu.memory_space<hbm>>
        tpu.enqueue_dma source(%arg11 : memref<128x128xf32, #tpu.memory_space<vmem>>) target(%dma_start3A_186 : memref<128x128xf32, #tpu.memory_space<hbm>>) target_semaphore(%arg23 : memref<!tpu.dma_semaphore, #tpu.memory_space<semaphore_mem>>)
      } else {
      }
      %add3A_91 = arith.constant 0 : i32
      %add3A_92 = arith.addi %mul3A_51, %add3A_91 : i32
      %lt3A_93 = arith.constant 20 : i32
      %lt3A_94 = arith.cmpi slt, %add3A_92, %lt3A_93 : i32
      %convert_element_type3A_95 = arith.extui %lt3A_94 : i1 to i32
      %cond3A_96 = arith.constant 0 : i32
      %cond3A_97 = arith.cmpi ne, %convert_element_type3A_95, %cond3A_96 : i32
      scf.if %cond3A_97 {
        %mul3A_175 = arith.constant 128 : i32
        %mul3A_176 = arith.muli %add3A_92, %mul3A_175 : i32
        %add3A_177 = arith.addi %mul3A_2, %mul3A_176 : i32
        %dma_wait3A = arith.constant 0 : i32
        %dma_wait3A_178 = tpu.memref_slice %arg4[%add3A_177, %dma_wait3A] : memref<81920x128xf32, #tpu.memory_space<hbm>> -> memref<128x128xf32, #tpu.memory_space<hbm>>
        %dma_wait3A_179 = arith.constant 0 : i32
        %dma_wait3A_180 = tpu.memref_slice %arg4[%add3A_177, %dma_wait3A_179] : memref<81920x128xf32, #tpu.memory_space<hbm>> -> memref<128x128xf32, #tpu.memory_space<hbm>>
        tpu.wait_dma2 semaphore(%arg18 : memref<!tpu.dma_semaphore, #tpu.memory_space<semaphore_mem>>) src(%arg6 : memref<128x128xf32, #tpu.memory_space<vmem>>) dst(%dma_wait3A_180 : memref<128x128xf32, #tpu.memory_space<hbm>>)
      } else {
      }
      %add3A_98 = arith.constant 6 : i32
      %add3A_99 = arith.addi %add3A_92, %add3A_98 : i32
      %lt3A_100 = arith.constant 20 : i32
      %lt3A_101 = arith.cmpi slt, %add3A_99, %lt3A_100 : i32
      %convert_element_type3A_102 = arith.extui %lt3A_101 : i1 to i32
      %cond3A_103 = arith.constant 0 : i32
      %cond3A_104 = arith.cmpi ne, %convert_element_type3A_102, %cond3A_103 : i32
      scf.if %cond3A_104 {
        %add3A_175 = arith.constant 6 : i32
        %add3A_176 = arith.addi %add3A_92, %add3A_175 : i32
        %dma_start3A_177 = arith.constant 0 : i32
        %dma_start3A_178 = tpu.memref_slice %arg5[%add3A_176, %dma_start3A_177] : memref<20x128xi32, #tpu.memory_space<vmem>> -> memref<1x128xi32, #tpu.memory_space<vmem>>
        %dma_start3A_179 = tpu.memref_squeeze %dma_start3A_178 : memref<1x128xi32, #tpu.memory_space<vmem>> -> memref<128xi32, #tpu.memory_space<vmem>>
        %dma_start3A_180 = arith.constant 0 : i32
        %dma_start3A_181 = arith.constant 0 : i32
        %dma_start3A_182 = tpu.memref_slice %arg3[%dma_start3A_180, %dma_start3A_181] : memref<160000x128xf32, #tpu.memory_space<hbm>> -> memref<160000x128xf32, #tpu.memory_space<hbm>>
        tpu.enqueue_indirect_dma source(%dma_start3A_182 : memref<160000x128xf32, #tpu.memory_space<hbm>>) target(%arg6 : memref<128x128xf32, #tpu.memory_space<vmem>>) offsets(%dma_start3A_179 : memref<128xi32, #tpu.memory_space<vmem>>) semaphore(%arg12 : memref<!tpu.dma_semaphore, #tpu.memory_space<semaphore_mem>>)
      } else {
      }
      %add3A_105 = arith.constant 1 : i32
      %add3A_106 = arith.addi %mul3A_51, %add3A_105 : i32
      %lt3A_107 = arith.constant 20 : i32
      %lt3A_108 = arith.cmpi slt, %add3A_106, %lt3A_107 : i32
      %convert_element_type3A_109 = arith.extui %lt3A_108 : i1 to i32
      %cond3A_110 = arith.constant 0 : i32
      %cond3A_111 = arith.cmpi ne, %convert_element_type3A_109, %cond3A_110 : i32
      scf.if %cond3A_111 {
        %mul3A_175 = arith.constant 128 : i32
        %mul3A_176 = arith.muli %add3A_106, %mul3A_175 : i32
        %add3A_177 = arith.addi %mul3A_2, %mul3A_176 : i32
        %dma_wait3A = arith.constant 0 : i32
        %dma_wait3A_178 = tpu.memref_slice %arg4[%add3A_177, %dma_wait3A] : memref<81920x128xf32, #tpu.memory_space<hbm>> -> memref<128x128xf32, #tpu.memory_space<hbm>>
        %dma_wait3A_179 = arith.constant 0 : i32
        %dma_wait3A_180 = tpu.memref_slice %arg4[%add3A_177, %dma_wait3A_179] : memref<81920x128xf32, #tpu.memory_space<hbm>> -> memref<128x128xf32, #tpu.memory_space<hbm>>
        tpu.wait_dma2 semaphore(%arg19 : memref<!tpu.dma_semaphore, #tpu.memory_space<semaphore_mem>>) src(%arg7 : memref<128x128xf32, #tpu.memory_space<vmem>>) dst(%dma_wait3A_180 : memref<128x128xf32, #tpu.memory_space<hbm>>)
      } else {
      }
      %add3A_112 = arith.constant 6 : i32
      %add3A_113 = arith.addi %add3A_106, %add3A_112 : i32
      %lt3A_114 = arith.constant 20 : i32
      %lt3A_115 = arith.cmpi slt, %add3A_113, %lt3A_114 : i32
      %convert_element_type3A_116 = arith.extui %lt3A_115 : i1 to i32
      %cond3A_117 = arith.constant 0 : i32
      %cond3A_118 = arith.cmpi ne, %convert_element_type3A_116, %cond3A_117 : i32
      scf.if %cond3A_118 {
        %add3A_175 = arith.constant 6 : i32
        %add3A_176 = arith.addi %add3A_106, %add3A_175 : i32
        %dma_start3A_177 = arith.constant 0 : i32
        %dma_start3A_178 = tpu.memref_slice %arg5[%add3A_176, %dma_start3A_177] : memref<20x128xi32, #tpu.memory_space<vmem>> -> memref<1x128xi32, #tpu.memory_space<vmem>>
        %dma_start3A_179 = tpu.memref_squeeze %dma_start3A_178 : memref<1x128xi32, #tpu.memory_space<vmem>> -> memref<128xi32, #tpu.memory_space<vmem>>
        %dma_start3A_180 = arith.constant 0 : i32
        %dma_start3A_181 = arith.constant 0 : i32
        %dma_start3A_182 = tpu.memref_slice %arg3[%dma_start3A_180, %dma_start3A_181] : memref<160000x128xf32, #tpu.memory_space<hbm>> -> memref<160000x128xf32, #tpu.memory_space<hbm>>
        tpu.enqueue_indirect_dma source(%dma_start3A_182 : memref<160000x128xf32, #tpu.memory_space<hbm>>) target(%arg7 : memref<128x128xf32, #tpu.memory_space<vmem>>) offsets(%dma_start3A_179 : memref<128xi32, #tpu.memory_space<vmem>>) semaphore(%arg13 : memref<!tpu.dma_semaphore, #tpu.memory_space<semaphore_mem>>)
      } else {
      }
      %add3A_119 = arith.constant 2 : i32
      %add3A_120 = arith.addi %mul3A_51, %add3A_119 : i32
      %lt3A_121 = arith.constant 20 : i32
      %lt3A_122 = arith.cmpi slt, %add3A_120, %lt3A_121 : i32
      %convert_element_type3A_123 = arith.extui %lt3A_122 : i1 to i32
      %cond3A_124 = arith.constant 0 : i32
      %cond3A_125 = arith.cmpi ne, %convert_element_type3A_123, %cond3A_124 : i32
      scf.if %cond3A_125 {
        %mul3A_175 = arith.constant 128 : i32
        %mul3A_176 = arith.muli %add3A_120, %mul3A_175 : i32
        %add3A_177 = arith.addi %mul3A_2, %mul3A_176 : i32
        %dma_wait3A = arith.constant 0 : i32
        %dma_wait3A_178 = tpu.memref_slice %arg4[%add3A_177, %dma_wait3A] : memref<81920x128xf32, #tpu.memory_space<hbm>> -> memref<128x128xf32, #tpu.memory_space<hbm>>
        %dma_wait3A_179 = arith.constant 0 : i32
        %dma_wait3A_180 = tpu.memref_slice %arg4[%add3A_177, %dma_wait3A_179] : memref<81920x128xf32, #tpu.memory_space<hbm>> -> memref<128x128xf32, #tpu.memory_space<hbm>>
        tpu.wait_dma2 semaphore(%arg20 : memref<!tpu.dma_semaphore, #tpu.memory_space<semaphore_mem>>) src(%arg8 : memref<128x128xf32, #tpu.memory_space<vmem>>) dst(%dma_wait3A_180 : memref<128x128xf32, #tpu.memory_space<hbm>>)
      } else {
      }
      %add3A_126 = arith.constant 6 : i32
      %add3A_127 = arith.addi %add3A_120, %add3A_126 : i32
      %lt3A_128 = arith.constant 20 : i32
      %lt3A_129 = arith.cmpi slt, %add3A_127, %lt3A_128 : i32
      %convert_element_type3A_130 = arith.extui %lt3A_129 : i1 to i32
      %cond3A_131 = arith.constant 0 : i32
      %cond3A_132 = arith.cmpi ne, %convert_element_type3A_130, %cond3A_131 : i32
      scf.if %cond3A_132 {
        %add3A_175 = arith.constant 6 : i32
        %add3A_176 = arith.addi %add3A_120, %add3A_175 : i32
        %dma_start3A_177 = arith.constant 0 : i32
        %dma_start3A_178 = tpu.memref_slice %arg5[%add3A_176, %dma_start3A_177] : memref<20x128xi32, #tpu.memory_space<vmem>> -> memref<1x128xi32, #tpu.memory_space<vmem>>
        %dma_start3A_179 = tpu.memref_squeeze %dma_start3A_178 : memref<1x128xi32, #tpu.memory_space<vmem>> -> memref<128xi32, #tpu.memory_space<vmem>>
        %dma_start3A_180 = arith.constant 0 : i32
        %dma_start3A_181 = arith.constant 0 : i32
        %dma_start3A_182 = tpu.memref_slice %arg3[%dma_start3A_180, %dma_start3A_181] : memref<160000x128xf32, #tpu.memory_space<hbm>> -> memref<160000x128xf32, #tpu.memory_space<hbm>>
        tpu.enqueue_indirect_dma source(%dma_start3A_182 : memref<160000x128xf32, #tpu.memory_space<hbm>>) target(%arg8 : memref<128x128xf32, #tpu.memory_space<vmem>>) offsets(%dma_start3A_179 : memref<128xi32, #tpu.memory_space<vmem>>) semaphore(%arg14 : memref<!tpu.dma_semaphore, #tpu.memory_space<semaphore_mem>>)
      } else {
      }
      %add3A_133 = arith.constant 3 : i32
      %add3A_134 = arith.addi %mul3A_51, %add3A_133 : i32
      %lt3A_135 = arith.constant 20 : i32
      %lt3A_136 = arith.cmpi slt, %add3A_134, %lt3A_135 : i32
      %convert_element_type3A_137 = arith.extui %lt3A_136 : i1 to i32
      %cond3A_138 = arith.constant 0 : i32
      %cond3A_139 = arith.cmpi ne, %convert_element_type3A_137, %cond3A_138 : i32
      scf.if %cond3A_139 {
        %mul3A_175 = arith.constant 128 : i32
        %mul3A_176 = arith.muli %add3A_134, %mul3A_175 : i32
        %add3A_177 = arith.addi %mul3A_2, %mul3A_176 : i32
        %dma_wait3A = arith.constant 0 : i32
        %dma_wait3A_178 = tpu.memref_slice %arg4[%add3A_177, %dma_wait3A] : memref<81920x128xf32, #tpu.memory_space<hbm>> -> memref<128x128xf32, #tpu.memory_space<hbm>>
        %dma_wait3A_179 = arith.constant 0 : i32
        %dma_wait3A_180 = tpu.memref_slice %arg4[%add3A_177, %dma_wait3A_179] : memref<81920x128xf32, #tpu.memory_space<hbm>> -> memref<128x128xf32, #tpu.memory_space<hbm>>
        tpu.wait_dma2 semaphore(%arg21 : memref<!tpu.dma_semaphore, #tpu.memory_space<semaphore_mem>>) src(%arg9 : memref<128x128xf32, #tpu.memory_space<vmem>>) dst(%dma_wait3A_180 : memref<128x128xf32, #tpu.memory_space<hbm>>)
      } else {
      }
      %add3A_140 = arith.constant 6 : i32
      %add3A_141 = arith.addi %add3A_134, %add3A_140 : i32
      %lt3A_142 = arith.constant 20 : i32
      %lt3A_143 = arith.cmpi slt, %add3A_141, %lt3A_142 : i32
      %convert_element_type3A_144 = arith.extui %lt3A_143 : i1 to i32
      %cond3A_145 = arith.constant 0 : i32
      %cond3A_146 = arith.cmpi ne, %convert_element_type3A_144, %cond3A_145 : i32
      scf.if %cond3A_146 {
        %add3A_175 = arith.constant 6 : i32
        %add3A_176 = arith.addi %add3A_134, %add3A_175 : i32
        %dma_start3A_177 = arith.constant 0 : i32
        %dma_start3A_178 = tpu.memref_slice %arg5[%add3A_176, %dma_start3A_177] : memref<20x128xi32, #tpu.memory_space<vmem>> -> memref<1x128xi32, #tpu.memory_space<vmem>>
        %dma_start3A_179 = tpu.memref_squeeze %dma_start3A_178 : memref<1x128xi32, #tpu.memory_space<vmem>> -> memref<128xi32, #tpu.memory_space<vmem>>
        %dma_start3A_180 = arith.constant 0 : i32
        %dma_start3A_181 = arith.constant 0 : i32
        %dma_start3A_182 = tpu.memref_slice %arg3[%dma_start3A_180, %dma_start3A_181] : memref<160000x128xf32, #tpu.memory_space<hbm>> -> memref<160000x128xf32, #tpu.memory_space<hbm>>
        tpu.enqueue_indirect_dma source(%dma_start3A_182 : memref<160000x128xf32, #tpu.memory_space<hbm>>) target(%arg9 : memref<128x128xf32, #tpu.memory_space<vmem>>) offsets(%dma_start3A_179 : memref<128xi32, #tpu.memory_space<vmem>>) semaphore(%arg15 : memref<!tpu.dma_semaphore, #tpu.memory_space<semaphore_mem>>)
      } else {
      }
      %add3A_147 = arith.constant 4 : i32
      %add3A_148 = arith.addi %mul3A_51, %add3A_147 : i32
      %lt3A_149 = arith.constant 20 : i32
      %lt3A_150 = arith.cmpi slt, %add3A_148, %lt3A_149 : i32
      %convert_element_type3A_151 = arith.extui %lt3A_150 : i1 to i32
      %cond3A_152 = arith.constant 0 : i32
      %cond3A_153 = arith.cmpi ne, %convert_element_type3A_151, %cond3A_152 : i32
      scf.if %cond3A_153 {
        %mul3A_175 = arith.constant 128 : i32
        %mul3A_176 = arith.muli %add3A_148, %mul3A_175 : i32
        %add3A_177 = arith.addi %mul3A_2, %mul3A_176 : i32
        %dma_wait3A = arith.constant 0 : i32
        %dma_wait3A_178 = tpu.memref_slice %arg4[%add3A_177, %dma_wait3A] : memref<81920x128xf32, #tpu.memory_space<hbm>> -> memref<128x128xf32, #tpu.memory_space<hbm>>
        %dma_wait3A_179 = arith.constant 0 : i32
        %dma_wait3A_180 = tpu.memref_slice %arg4[%add3A_177, %dma_wait3A_179] : memref<81920x128xf32, #tpu.memory_space<hbm>> -> memref<128x128xf32, #tpu.memory_space<hbm>>
        tpu.wait_dma2 semaphore(%arg22 : memref<!tpu.dma_semaphore, #tpu.memory_space<semaphore_mem>>) src(%arg10 : memref<128x128xf32, #tpu.memory_space<vmem>>) dst(%dma_wait3A_180 : memref<128x128xf32, #tpu.memory_space<hbm>>)
      } else {
      }
      %add3A_154 = arith.constant 6 : i32
      %add3A_155 = arith.addi %add3A_148, %add3A_154 : i32
      %lt3A_156 = arith.constant 20 : i32
      %lt3A_157 = arith.cmpi slt, %add3A_155, %lt3A_156 : i32
      %convert_element_type3A_158 = arith.extui %lt3A_157 : i1 to i32
      %cond3A_159 = arith.constant 0 : i32
      %cond3A_160 = arith.cmpi ne, %convert_element_type3A_158, %cond3A_159 : i32
      scf.if %cond3A_160 {
        %add3A_175 = arith.constant 6 : i32
        %add3A_176 = arith.addi %add3A_148, %add3A_175 : i32
        %dma_start3A_177 = arith.constant 0 : i32
        %dma_start3A_178 = tpu.memref_slice %arg5[%add3A_176, %dma_start3A_177] : memref<20x128xi32, #tpu.memory_space<vmem>> -> memref<1x128xi32, #tpu.memory_space<vmem>>
        %dma_start3A_179 = tpu.memref_squeeze %dma_start3A_178 : memref<1x128xi32, #tpu.memory_space<vmem>> -> memref<128xi32, #tpu.memory_space<vmem>>
        %dma_start3A_180 = arith.constant 0 : i32
        %dma_start3A_181 = arith.constant 0 : i32
        %dma_start3A_182 = tpu.memref_slice %arg3[%dma_start3A_180, %dma_start3A_181] : memref<160000x128xf32, #tpu.memory_space<hbm>> -> memref<160000x128xf32, #tpu.memory_space<hbm>>
        tpu.enqueue_indirect_dma source(%dma_start3A_182 : memref<160000x128xf32, #tpu.memory_space<hbm>>) target(%arg10 : memref<128x128xf32, #tpu.memory_space<vmem>>) offsets(%dma_start3A_179 : memref<128xi32, #tpu.memory_space<vmem>>) semaphore(%arg16 : memref<!tpu.dma_semaphore, #tpu.memory_space<semaphore_mem>>)
      } else {
      }
      %add3A_161 = arith.constant 5 : i32
      %add3A_162 = arith.addi %mul3A_51, %add3A_161 : i32
      %lt3A_163 = arith.constant 20 : i32
      %lt3A_164 = arith.cmpi slt, %add3A_162, %lt3A_163 : i32
      %convert_element_type3A_165 = arith.extui %lt3A_164 : i1 to i32
      %cond3A_166 = arith.constant 0 : i32
      %cond3A_167 = arith.cmpi ne, %convert_element_type3A_165, %cond3A_166 : i32
      scf.if %cond3A_167 {
        %mul3A_175 = arith.constant 128 : i32
        %mul3A_176 = arith.muli %add3A_162, %mul3A_175 : i32
        %add3A_177 = arith.addi %mul3A_2, %mul3A_176 : i32
        %dma_wait3A = arith.constant 0 : i32
        %dma_wait3A_178 = tpu.memref_slice %arg4[%add3A_177, %dma_wait3A] : memref<81920x128xf32, #tpu.memory_space<hbm>> -> memref<128x128xf32, #tpu.memory_space<hbm>>
        %dma_wait3A_179 = arith.constant 0 : i32
        %dma_wait3A_180 = tpu.memref_slice %arg4[%add3A_177, %dma_wait3A_179] : memref<81920x128xf32, #tpu.memory_space<hbm>> -> memref<128x128xf32, #tpu.memory_space<hbm>>
        tpu.wait_dma2 semaphore(%arg23 : memref<!tpu.dma_semaphore, #tpu.memory_space<semaphore_mem>>) src(%arg11 : memref<128x128xf32, #tpu.memory_space<vmem>>) dst(%dma_wait3A_180 : memref<128x128xf32, #tpu.memory_space<hbm>>)
      } else {
      }
      %add3A_168 = arith.constant 6 : i32
      %add3A_169 = arith.addi %add3A_162, %add3A_168 : i32
      %lt3A_170 = arith.constant 20 : i32
      %lt3A_171 = arith.cmpi slt, %add3A_169, %lt3A_170 : i32
      %convert_element_type3A_172 = arith.extui %lt3A_171 : i1 to i32
      %cond3A_173 = arith.constant 0 : i32
      %cond3A_174 = arith.cmpi ne, %convert_element_type3A_172, %cond3A_173 : i32
      scf.if %cond3A_174 {
        %add3A_175 = arith.constant 6 : i32
        %add3A_176 = arith.addi %add3A_162, %add3A_175 : i32
        %dma_start3A_177 = arith.constant 0 : i32
        %dma_start3A_178 = tpu.memref_slice %arg5[%add3A_176, %dma_start3A_177] : memref<20x128xi32, #tpu.memory_space<vmem>> -> memref<1x128xi32, #tpu.memory_space<vmem>>
        %dma_start3A_179 = tpu.memref_squeeze %dma_start3A_178 : memref<1x128xi32, #tpu.memory_space<vmem>> -> memref<128xi32, #tpu.memory_space<vmem>>
        %dma_start3A_180 = arith.constant 0 : i32
        %dma_start3A_181 = arith.constant 0 : i32
        %dma_start3A_182 = tpu.memref_slice %arg3[%dma_start3A_180, %dma_start3A_181] : memref<160000x128xf32, #tpu.memory_space<hbm>> -> memref<160000x128xf32, #tpu.memory_space<hbm>>
        tpu.enqueue_indirect_dma source(%dma_start3A_182 : memref<160000x128xf32, #tpu.memory_space<hbm>>) target(%arg11 : memref<128x128xf32, #tpu.memory_space<vmem>>) offsets(%dma_start3A_179 : memref<128xi32, #tpu.memory_space<vmem>>) semaphore(%arg17 : memref<!tpu.dma_semaphore, #tpu.memory_space<semaphore_mem>>)
      } else {
      }
    }
    %scan3A_48 = arith.constant 4 : i32
    return
  }
}

module attributes {stable_mosaic.version = 14 : i64} {
  func.func @body(%arg0: i32, %arg1: memref<2560x128xf32, #tpu.memory_space<vmem>>, %arg2: memref<4x2560x128xf32, #tpu.memory_space<vmem>>, %arg3: memref<640x128xbf16, #tpu.memory_space<vmem>>, %arg4: memref<160000x128xbf16, #tpu.memory_space<hbm>>, %arg5: memref<2560x128xbf16, #tpu.memory_space<vmem>>, %arg6: memref<8x128xf32, #tpu.memory_space<vmem>>) attributes {dimension_semantics = [#tpu.dimension_semantics<arbitrary>], iteration_bounds = array<i64: 16>, scalar_prefetch = 0 : i64, scratch_operands = 0 : i64, tpu.core_type = #tpu.core_type<tc>, window_params = [{transform_indices = @transform_0, window_bounds = array<i64: 2560, 128>}, {transform_indices = @transform_1, window_bounds = array<i64: 4, 2560, 128>}, {pipeline_mode = #tpu.pipeline_mode<synchronous>, transform_indices = @transform_2, window_bounds = array<i64: 640, 128>}, {}, {transform_indices = @transform_4, window_bounds = array<i64: 2560, 128>}, {pipeline_mode = #tpu.pipeline_mode<synchronous>, transform_indices = @transform_5, window_bounds = array<i64: 8, 128>}]} {
    %get3A = arith.constant 0 : index
    %get3A_0 = arith.constant 0 : index
    %get3A_1 = arith.constant 0 : index
    %get3A_2 = vector.load %arg2[%get3A, %get3A_0, %get3A_1] : memref<4x2560x128xf32, #tpu.memory_space<vmem>>, vector<1x2560x128xf32>
    %get3A_3 = vector.shape_cast %get3A_2 : vector<1x2560x128xf32> to vector<2560x128xf32>
    %get3A_4 = arith.constant 1 : index
    %get3A_5 = arith.constant 0 : index
    %get3A_6 = arith.constant 0 : index
    %get3A_7 = vector.load %arg2[%get3A_4, %get3A_5, %get3A_6] : memref<4x2560x128xf32, #tpu.memory_space<vmem>>, vector<1x2560x128xf32>
    %get3A_8 = vector.shape_cast %get3A_7 : vector<1x2560x128xf32> to vector<2560x128xf32>
    %get3A_9 = arith.constant 2 : index
    %get3A_10 = arith.constant 0 : index
    %get3A_11 = arith.constant 0 : index
    %get3A_12 = vector.load %arg2[%get3A_9, %get3A_10, %get3A_11] : memref<4x2560x128xf32, #tpu.memory_space<vmem>>, vector<1x2560x128xf32>
    %get3A_13 = vector.shape_cast %get3A_12 : vector<1x2560x128xf32> to vector<2560x128xf32>
    %get3A_14 = arith.constant 3 : index
    %get3A_15 = arith.constant 0 : index
    %get3A_16 = arith.constant 0 : index
    %get3A_17 = vector.load %arg2[%get3A_14, %get3A_15, %get3A_16] : memref<4x2560x128xf32, #tpu.memory_space<vmem>>, vector<1x2560x128xf32>
    %get3A_18 = vector.shape_cast %get3A_17 : vector<1x2560x128xf32> to vector<2560x128xf32>
    %get3A_19 = arith.constant 0 : index
    %get3A_20 = arith.constant 0 : index
    %get3A_21 = vector.load %arg1[%get3A_19, %get3A_20] : memref<2560x128xf32, #tpu.memory_space<vmem>>, vector<2560x128xf32>
    %min3A = arith.minimumf %get3A_3, %get3A_8 : vector<2560x128xf32>
    %max3A = arith.maximumf %get3A_3, %get3A_8 : vector<2560x128xf32>
    %min3A_22 = arith.minimumf %get3A_13, %get3A_18 : vector<2560x128xf32>
    %max3A_23 = arith.maximumf %get3A_13, %get3A_18 : vector<2560x128xf32>
    %concatenate3A = tpu.concatenate %get3A_21, %min3A, %max3A, %min3A_22, %max3A_23 in 1 : vector<2560x128xf32>, vector<2560x128xf32>, vector<2560x128xf32>, vector<2560x128xf32>, vector<2560x128xf32> -> vector<2560x640xf32>
    %convert_element_type3A = arith.truncf %concatenate3A : vector<2560x640xf32> to vector<2560x640xbf16>
    %get3A_24 = arith.constant 0 : index
    %get3A_25 = arith.constant 0 : index
    %get3A_26 = vector.load %arg3[%get3A_24, %get3A_25] : memref<640x128xbf16, #tpu.memory_space<vmem>>, vector<640x128xbf16>
    %dot_general3A = arith.constant dense<0.000000e+00> : vector<2560x128xf32>
    %dot_general3A_27 = tpu.matmul %convert_element_type3A, %get3A_26, %dot_general3A {dimension_numbers = #tpu.dot_dimension_numbers<[1], [0], [0], [1], [0, 0, 1, 1], [], []>, transpose_lhs_hint = false} : vector<2560x640xbf16>, vector<640x128xbf16>, vector<2560x128xf32> -> vector<2560x128xf32>
    %convert_element_type3A_28 = arith.truncf %dot_general3A_27 : vector<2560x128xf32> to vector<2560x128xbf16>
    %swap3A = arith.constant 0 : index
    %swap3A_29 = arith.constant 0 : index
    %swap3A_30 = vector.load %arg5[%swap3A, %swap3A_29] : memref<2560x128xbf16, #tpu.memory_space<vmem>>, vector<2560x128xbf16>
    tpu.vector_store %arg5[%swap3A, %swap3A_29], %convert_element_type3A_28 {strides = array<i32>} : memref<2560x128xbf16, #tpu.memory_space<vmem>>, vector<2560x128xbf16>,
    %reduce_sum3A = arith.constant dense<0.000000e+00> : vector<128xf32>
    %reduce_sum3A_31 = vector.multi_reduction <add>, %dot_general3A_27, %reduce_sum3A [0] : vector<2560x128xf32> to vector<128xf32>
    %broadcast_in_dim3A = vector.shape_cast %reduce_sum3A_31 : vector<128xf32> to vector<1x128xf32>
    %mul3A = arith.mulf %dot_general3A_27, %dot_general3A_27 : vector<2560x128xf32>
    %reduce_sum3A_32 = arith.constant dense<0.000000e+00> : vector<128xf32>
    %reduce_sum3A_33 = vector.multi_reduction <add>, %mul3A, %reduce_sum3A_32 [0] : vector<2560x128xf32> to vector<128xf32>
    %broadcast_in_dim3A_34 = vector.shape_cast %reduce_sum3A_33 : vector<128xf32> to vector<1x128xf32>
    %broadcast_in_dim3A_35 = arith.constant 0.000000e+00 : f32
    %broadcast_in_dim3A_36 = vector.broadcast %broadcast_in_dim3A_35 : f32 to vector<6x128xf32>
    %concatenate3A_37 = tpu.concatenate %broadcast_in_dim3A, %broadcast_in_dim3A_34, %broadcast_in_dim3A_36 in 0 : vector<1x128xf32>, vector<1x128xf32>, vector<6x128xf32> -> vector<8x128xf32>
    %eq3A = arith.constant 0 : i32
    %eq3A_38 = arith.cmpi eq, %arg0, %eq3A : i32
    %convert_element_type3A_39 = arith.extui %eq3A_38 : i1 to i32
    %cond3A = arith.constant 0 : i32
    %cond3A_40 = arith.cmpi ne, %convert_element_type3A_39, %cond3A : i32
    scf.if %cond3A_40 {
      %swap3A_45 = arith.constant 0 : index
      %swap3A_46 = arith.constant 0 : index
      %swap3A_47 = vector.load %arg6[%swap3A_45, %swap3A_46] : memref<8x128xf32, #tpu.memory_space<vmem>>, vector<8x128xf32>
      tpu.vector_store %arg6[%swap3A_45, %swap3A_46], %concatenate3A_37 {strides = array<i32>} : memref<8x128xf32, #tpu.memory_space<vmem>>, vector<8x128xf32>,
    } else {
    }
    %ne3A = arith.constant 0 : i32
    %ne3A_41 = arith.cmpi ne, %arg0, %ne3A : i32
    %convert_element_type3A_42 = arith.extui %ne3A_41 : i1 to i32
    %cond3A_43 = arith.constant 0 : i32
    %cond3A_44 = arith.cmpi ne, %convert_element_type3A_42, %cond3A_43 : i32
    scf.if %cond3A_44 {
      %get3A_45 = arith.constant 0 : index
      %get3A_46 = arith.constant 0 : index
      %get3A_47 = vector.load %arg6[%get3A_45, %get3A_46] : memref<8x128xf32, #tpu.memory_space<vmem>>, vector<8x128xf32>
      %add3A = arith.addf %get3A_47, %concatenate3A_37 : vector<8x128xf32>
      %swap3A_48 = arith.constant 0 : index
      %swap3A_49 = arith.constant 0 : index
      %swap3A_50 = vector.load %arg6[%swap3A_48, %swap3A_49] : memref<8x128xf32, #tpu.memory_space<vmem>>, vector<8x128xf32>
      tpu.vector_store %arg6[%swap3A_48, %swap3A_49], %add3A {strides = array<i32>} : memref<8x128xf32, #tpu.memory_space<vmem>>, vector<8x128xf32>,
    } else {
    }
    return
  }
  func.func @transform_0(%arg0: i32) -> (i32, i32) {
    %add3A = arith.constant 8 : i32
    %add3A_0 = arith.addi %add3A, %arg0 : i32
    %c0_i32 = arith.constant 0 : i32
    %c0_i32_1 = arith.constant 0 : i32
    return %add3A_0, %c0_i32 : i32, i32
  }
  func.func @transform_1(%arg0: i32) -> (i32, i32, i32) {
    %c0_i32 = arith.constant 0 : i32
    %c0_i32_0 = arith.constant 0 : i32
    %c0_i32_1 = arith.constant 0 : i32
    return %c0_i32, %arg0, %c0_i32_0 : i32, i32, i32
  }
  func.func @transform_2(%arg0: i32) -> (i32, i32) {
    %c0_i32 = arith.constant 0 : i32
    %c0_i32_0 = arith.constant 0 : i32
    %c0_i32_1 = arith.constant 0 : i32
    return %c0_i32, %c0_i32_0 : i32, i32
  }
  func.func @transform_4(%arg0: i32) -> (i32, i32) {
    %add3A = arith.constant 8 : i32
    %add3A_0 = arith.addi %add3A, %arg0 : i32
    %c0_i32 = arith.constant 0 : i32
    %c0_i32_1 = arith.constant 0 : i32
    return %add3A_0, %c0_i32 : i32, i32
  }
  func.func @transform_5(%arg0: i32) -> (i32, i32) {
    %c0_i32 = arith.constant 0 : i32
    %c0_i32_0 = arith.constant 0 : i32
    %c0_i32_1 = arith.constant 0 : i32
    return %c0_i32, %c0_i32_0 : i32, i32
  }
}

module attributes {stable_mosaic.version = 14 : i64} {
  func.func @_mm_stats_body(%arg0: i32, %arg1: memref<2560x128xf32, #tpu.memory_space<vmem>>, %arg2: memref<4x2560x128xf32, #tpu.memory_space<vmem>>, %arg3: memref<640x128xbf16, #tpu.memory_space<vmem>>, %arg4: memref<2560x128xbf16, #tpu.memory_space<vmem>>, %arg5: memref<8x128xf32, #tpu.memory_space<vmem>>) attributes {dimension_semantics = [#tpu.dimension_semantics<arbitrary>], iteration_bounds = array<i64: 8>, scalar_prefetch = 0 : i64, scratch_operands = 0 : i64, tpu.core_type = #tpu.core_type<tc>, window_params = [{transform_indices = @transform_0, window_bounds = array<i64: 2560, 128>}, {transform_indices = @transform_1, window_bounds = array<i64: 4, 2560, 128>}, {pipeline_mode = #tpu.pipeline_mode<synchronous>, transform_indices = @transform_2, window_bounds = array<i64: 640, 128>}, {transform_indices = @transform_3, window_bounds = array<i64: 2560, 128>}, {pipeline_mode = #tpu.pipeline_mode<synchronous>, transform_indices = @transform_4, window_bounds = array<i64: 8, 128>}]} {
    %get3A = arith.constant 0 : index
    %get3A_0 = arith.constant 0 : index
    %get3A_1 = arith.constant 0 : index
    %get3A_2 = vector.load %arg2[%get3A, %get3A_0, %get3A_1] : memref<4x2560x128xf32, #tpu.memory_space<vmem>>, vector<1x2560x128xf32>
    %get3A_3 = vector.shape_cast %get3A_2 : vector<1x2560x128xf32> to vector<2560x128xf32>
    %get3A_4 = arith.constant 1 : index
    %get3A_5 = arith.constant 0 : index
    %get3A_6 = arith.constant 0 : index
    %get3A_7 = vector.load %arg2[%get3A_4, %get3A_5, %get3A_6] : memref<4x2560x128xf32, #tpu.memory_space<vmem>>, vector<1x2560x128xf32>
    %get3A_8 = vector.shape_cast %get3A_7 : vector<1x2560x128xf32> to vector<2560x128xf32>
    %get3A_9 = arith.constant 2 : index
    %get3A_10 = arith.constant 0 : index
    %get3A_11 = arith.constant 0 : index
    %get3A_12 = vector.load %arg2[%get3A_9, %get3A_10, %get3A_11] : memref<4x2560x128xf32, #tpu.memory_space<vmem>>, vector<1x2560x128xf32>
    %get3A_13 = vector.shape_cast %get3A_12 : vector<1x2560x128xf32> to vector<2560x128xf32>
    %get3A_14 = arith.constant 3 : index
    %get3A_15 = arith.constant 0 : index
    %get3A_16 = arith.constant 0 : index
    %get3A_17 = vector.load %arg2[%get3A_14, %get3A_15, %get3A_16] : memref<4x2560x128xf32, #tpu.memory_space<vmem>>, vector<1x2560x128xf32>
    %get3A_18 = vector.shape_cast %get3A_17 : vector<1x2560x128xf32> to vector<2560x128xf32>
    %get3A_19 = arith.constant 0 : index
    %get3A_20 = arith.constant 0 : index
    %get3A_21 = vector.load %arg1[%get3A_19, %get3A_20] : memref<2560x128xf32, #tpu.memory_space<vmem>>, vector<2560x128xf32>
    %min3A = arith.minimumf %get3A_3, %get3A_8 : vector<2560x128xf32>
    %max3A = arith.maximumf %get3A_3, %get3A_8 : vector<2560x128xf32>
    %min3A_22 = arith.minimumf %get3A_13, %get3A_18 : vector<2560x128xf32>
    %max3A_23 = arith.maximumf %get3A_13, %get3A_18 : vector<2560x128xf32>
    %concatenate3A = tpu.concatenate %get3A_21, %min3A, %max3A, %min3A_22, %max3A_23 in 1 : vector<2560x128xf32>, vector<2560x128xf32>, vector<2560x128xf32>, vector<2560x128xf32>, vector<2560x128xf32> -> vector<2560x640xf32>
    %convert_element_type3A = arith.truncf %concatenate3A : vector<2560x640xf32> to vector<2560x640xbf16>
    %get3A_24 = arith.constant 0 : index
    %get3A_25 = arith.constant 0 : index
    %get3A_26 = vector.load %arg3[%get3A_24, %get3A_25] : memref<640x128xbf16, #tpu.memory_space<vmem>>, vector<640x128xbf16>
    %dot_general3A = arith.constant dense<0.000000e+00> : vector<2560x128xf32>
    %dot_general3A_27 = tpu.matmul %convert_element_type3A, %get3A_26, %dot_general3A {dimension_numbers = #tpu.dot_dimension_numbers<[1], [0], [0], [1], [0, 0, 1, 1], [], []>, transpose_lhs_hint = false} : vector<2560x640xbf16>, vector<640x128xbf16>, vector<2560x128xf32> -> vector<2560x128xf32>
    %convert_element_type3A_28 = arith.truncf %dot_general3A_27 : vector<2560x128xf32> to vector<2560x128xbf16>
    %swap3A = arith.constant 0 : index
    %swap3A_29 = arith.constant 0 : index
    %swap3A_30 = vector.load %arg4[%swap3A, %swap3A_29] : memref<2560x128xbf16, #tpu.memory_space<vmem>>, vector<2560x128xbf16>
    tpu.vector_store %arg4[%swap3A, %swap3A_29], %convert_element_type3A_28 {strides = array<i32>} : memref<2560x128xbf16, #tpu.memory_space<vmem>>, vector<2560x128xbf16>,
    %reduce_sum3A = arith.constant dense<0.000000e+00> : vector<128xf32>
    %reduce_sum3A_31 = vector.multi_reduction <add>, %dot_general3A_27, %reduce_sum3A [0] : vector<2560x128xf32> to vector<128xf32>
    %broadcast_in_dim3A = vector.shape_cast %reduce_sum3A_31 : vector<128xf32> to vector<1x128xf32>
    %mul3A = arith.mulf %dot_general3A_27, %dot_general3A_27 : vector<2560x128xf32>
    %reduce_sum3A_32 = arith.constant dense<0.000000e+00> : vector<128xf32>
    %reduce_sum3A_33 = vector.multi_reduction <add>, %mul3A, %reduce_sum3A_32 [0] : vector<2560x128xf32> to vector<128xf32>
    %broadcast_in_dim3A_34 = vector.shape_cast %reduce_sum3A_33 : vector<128xf32> to vector<1x128xf32>
    %broadcast_in_dim3A_35 = arith.constant 0.000000e+00 : f32
    %broadcast_in_dim3A_36 = vector.broadcast %broadcast_in_dim3A_35 : f32 to vector<6x128xf32>
    %concatenate3A_37 = tpu.concatenate %broadcast_in_dim3A, %broadcast_in_dim3A_34, %broadcast_in_dim3A_36 in 0 : vector<1x128xf32>, vector<1x128xf32>, vector<6x128xf32> -> vector<8x128xf32>
    %eq3A = arith.constant 0 : i32
    %eq3A_38 = arith.cmpi eq, %arg0, %eq3A : i32
    %convert_element_type3A_39 = arith.extui %eq3A_38 : i1 to i32
    %cond3A = arith.constant 0 : i32
    %cond3A_40 = arith.cmpi ne, %convert_element_type3A_39, %cond3A : i32
    scf.if %cond3A_40 {
      %swap3A_45 = arith.constant 0 : index
      %swap3A_46 = arith.constant 0 : index
      %swap3A_47 = vector.load %arg5[%swap3A_45, %swap3A_46] : memref<8x128xf32, #tpu.memory_space<vmem>>, vector<8x128xf32>
      tpu.vector_store %arg5[%swap3A_45, %swap3A_46], %concatenate3A_37 {strides = array<i32>} : memref<8x128xf32, #tpu.memory_space<vmem>>, vector<8x128xf32>,
    } else {
    }
    %ne3A = arith.constant 0 : i32
    %ne3A_41 = arith.cmpi ne, %arg0, %ne3A : i32
    %convert_element_type3A_42 = arith.extui %ne3A_41 : i1 to i32
    %cond3A_43 = arith.constant 0 : i32
    %cond3A_44 = arith.cmpi ne, %convert_element_type3A_42, %cond3A_43 : i32
    scf.if %cond3A_44 {
      %get3A_45 = arith.constant 0 : index
      %get3A_46 = arith.constant 0 : index
      %get3A_47 = vector.load %arg5[%get3A_45, %get3A_46] : memref<8x128xf32, #tpu.memory_space<vmem>>, vector<8x128xf32>
      %add3A = arith.addf %get3A_47, %concatenate3A_37 : vector<8x128xf32>
      %swap3A_48 = arith.constant 0 : index
      %swap3A_49 = arith.constant 0 : index
      %swap3A_50 = vector.load %arg5[%swap3A_48, %swap3A_49] : memref<8x128xf32, #tpu.memory_space<vmem>>, vector<8x128xf32>
      tpu.vector_store %arg5[%swap3A_48, %swap3A_49], %add3A {strides = array<i32>} : memref<8x128xf32, #tpu.memory_space<vmem>>, vector<8x128xf32>,
    } else {
    }
    return
  }
  func.func @transform_0(%arg0: i32) -> (i32, i32) {
    %add3A = arith.constant 0 : i32
    %add3A_0 = arith.addi %add3A, %arg0 : i32
    %c0_i32 = arith.constant 0 : i32
    %c0_i32_1 = arith.constant 0 : i32
    return %add3A_0, %c0_i32 : i32, i32
  }
  func.func @transform_1(%arg0: i32) -> (i32, i32, i32) {
    %c0_i32 = arith.constant 0 : i32
    %c0_i32_0 = arith.constant 0 : i32
    %c0_i32_1 = arith.constant 0 : i32
    return %c0_i32, %arg0, %c0_i32_0 : i32, i32, i32
  }
  func.func @transform_2(%arg0: i32) -> (i32, i32) {
    %c0_i32 = arith.constant 0 : i32
    %c0_i32_0 = arith.constant 0 : i32
    %c0_i32_1 = arith.constant 0 : i32
    return %c0_i32, %c0_i32_0 : i32, i32
  }
  func.func @transform_3(%arg0: i32) -> (i32, i32) {
    %add3A = arith.constant 0 : i32
    %add3A_0 = arith.addi %add3A, %arg0 : i32
    %c0_i32 = arith.constant 0 : i32
    %c0_i32_1 = arith.constant 0 : i32
    return %add3A_0, %c0_i32 : i32, i32
  }
  func.func @transform_4(%arg0: i32) -> (i32, i32) {
    %c0_i32 = arith.constant 0 : i32
    %c0_i32_0 = arith.constant 0 : i32
    %c0_i32_1 = arith.constant 0 : i32
    return %c0_i32, %c0_i32_0 : i32, i32
  }
}

module attributes {stable_mosaic.version = 14 : i64} {
  func.func @body(%arg0: i32, %arg1: memref<2560x128xf32, #tpu.memory_space<vmem>>, %arg2: memref<4x2560x128xf32, #tpu.memory_space<vmem>>, %arg3: memref<640x128xbf16, #tpu.memory_space<vmem>>, %arg4: memref<160000x128xbf16, #tpu.memory_space<hbm>>, %arg5: memref<2560x128xbf16, #tpu.memory_space<vmem>>, %arg6: memref<8x128xf32, #tpu.memory_space<vmem>>) attributes {dimension_semantics = [#tpu.dimension_semantics<arbitrary>], iteration_bounds = array<i64: 20>, scalar_prefetch = 0 : i64, scratch_operands = 0 : i64, tpu.core_type = #tpu.core_type<tc>, window_params = [{transform_indices = @transform_0, window_bounds = array<i64: 2560, 128>}, {transform_indices = @transform_1, window_bounds = array<i64: 4, 2560, 128>}, {pipeline_mode = #tpu.pipeline_mode<synchronous>, transform_indices = @transform_2, window_bounds = array<i64: 640, 128>}, {}, {transform_indices = @transform_4, window_bounds = array<i64: 2560, 128>}, {pipeline_mode = #tpu.pipeline_mode<synchronous>, transform_indices = @transform_5, window_bounds = array<i64: 8, 128>}]} {
    %get3A = arith.constant 0 : index
    %get3A_0 = arith.constant 0 : index
    %get3A_1 = arith.constant 0 : index
    %get3A_2 = vector.load %arg2[%get3A, %get3A_0, %get3A_1] : memref<4x2560x128xf32, #tpu.memory_space<vmem>>, vector<1x2560x128xf32>
    %get3A_3 = vector.shape_cast %get3A_2 : vector<1x2560x128xf32> to vector<2560x128xf32>
    %get3A_4 = arith.constant 1 : index
    %get3A_5 = arith.constant 0 : index
    %get3A_6 = arith.constant 0 : index
    %get3A_7 = vector.load %arg2[%get3A_4, %get3A_5, %get3A_6] : memref<4x2560x128xf32, #tpu.memory_space<vmem>>, vector<1x2560x128xf32>
    %get3A_8 = vector.shape_cast %get3A_7 : vector<1x2560x128xf32> to vector<2560x128xf32>
    %get3A_9 = arith.constant 2 : index
    %get3A_10 = arith.constant 0 : index
    %get3A_11 = arith.constant 0 : index
    %get3A_12 = vector.load %arg2[%get3A_9, %get3A_10, %get3A_11] : memref<4x2560x128xf32, #tpu.memory_space<vmem>>, vector<1x2560x128xf32>
    %get3A_13 = vector.shape_cast %get3A_12 : vector<1x2560x128xf32> to vector<2560x128xf32>
    %get3A_14 = arith.constant 3 : index
    %get3A_15 = arith.constant 0 : index
    %get3A_16 = arith.constant 0 : index
    %get3A_17 = vector.load %arg2[%get3A_14, %get3A_15, %get3A_16] : memref<4x2560x128xf32, #tpu.memory_space<vmem>>, vector<1x2560x128xf32>
    %get3A_18 = vector.shape_cast %get3A_17 : vector<1x2560x128xf32> to vector<2560x128xf32>
    %get3A_19 = arith.constant 0 : index
    %get3A_20 = arith.constant 0 : index
    %get3A_21 = vector.load %arg1[%get3A_19, %get3A_20] : memref<2560x128xf32, #tpu.memory_space<vmem>>, vector<2560x128xf32>
    %min3A = arith.minimumf %get3A_3, %get3A_8 : vector<2560x128xf32>
    %max3A = arith.maximumf %get3A_3, %get3A_8 : vector<2560x128xf32>
    %min3A_22 = arith.minimumf %get3A_13, %get3A_18 : vector<2560x128xf32>
    %max3A_23 = arith.maximumf %get3A_13, %get3A_18 : vector<2560x128xf32>
    %concatenate3A = tpu.concatenate %get3A_21, %min3A, %max3A, %min3A_22, %max3A_23 in 1 : vector<2560x128xf32>, vector<2560x128xf32>, vector<2560x128xf32>, vector<2560x128xf32>, vector<2560x128xf32> -> vector<2560x640xf32>
    %convert_element_type3A = arith.truncf %concatenate3A : vector<2560x640xf32> to vector<2560x640xbf16>
    %get3A_24 = arith.constant 0 : index
    %get3A_25 = arith.constant 0 : index
    %get3A_26 = vector.load %arg3[%get3A_24, %get3A_25] : memref<640x128xbf16, #tpu.memory_space<vmem>>, vector<640x128xbf16>
    %dot_general3A = arith.constant dense<0.000000e+00> : vector<2560x128xf32>
    %dot_general3A_27 = tpu.matmul %convert_element_type3A, %get3A_26, %dot_general3A {dimension_numbers = #tpu.dot_dimension_numbers<[1], [0], [0], [1], [0, 0, 1, 1], [], []>, transpose_lhs_hint = false} : vector<2560x640xbf16>, vector<640x128xbf16>, vector<2560x128xf32> -> vector<2560x128xf32>
    %convert_element_type3A_28 = arith.truncf %dot_general3A_27 : vector<2560x128xf32> to vector<2560x128xbf16>
    %swap3A = arith.constant 0 : index
    %swap3A_29 = arith.constant 0 : index
    %swap3A_30 = vector.load %arg5[%swap3A, %swap3A_29] : memref<2560x128xbf16, #tpu.memory_space<vmem>>, vector<2560x128xbf16>
    tpu.vector_store %arg5[%swap3A, %swap3A_29], %convert_element_type3A_28 {strides = array<i32>} : memref<2560x128xbf16, #tpu.memory_space<vmem>>, vector<2560x128xbf16>,
    %reduce_sum3A = arith.constant dense<0.000000e+00> : vector<128xf32>
    %reduce_sum3A_31 = vector.multi_reduction <add>, %dot_general3A_27, %reduce_sum3A [0] : vector<2560x128xf32> to vector<128xf32>
    %broadcast_in_dim3A = vector.shape_cast %reduce_sum3A_31 : vector<128xf32> to vector<1x128xf32>
    %mul3A = arith.mulf %dot_general3A_27, %dot_general3A_27 : vector<2560x128xf32>
    %reduce_sum3A_32 = arith.constant dense<0.000000e+00> : vector<128xf32>
    %reduce_sum3A_33 = vector.multi_reduction <add>, %mul3A, %reduce_sum3A_32 [0] : vector<2560x128xf32> to vector<128xf32>
    %broadcast_in_dim3A_34 = vector.shape_cast %reduce_sum3A_33 : vector<128xf32> to vector<1x128xf32>
    %broadcast_in_dim3A_35 = arith.constant 0.000000e+00 : f32
    %broadcast_in_dim3A_36 = vector.broadcast %broadcast_in_dim3A_35 : f32 to vector<6x128xf32>
    %concatenate3A_37 = tpu.concatenate %broadcast_in_dim3A, %broadcast_in_dim3A_34, %broadcast_in_dim3A_36 in 0 : vector<1x128xf32>, vector<1x128xf32>, vector<6x128xf32> -> vector<8x128xf32>
    %eq3A = arith.constant 0 : i32
    %eq3A_38 = arith.cmpi eq, %arg0, %eq3A : i32
    %convert_element_type3A_39 = arith.extui %eq3A_38 : i1 to i32
    %cond3A = arith.constant 0 : i32
    %cond3A_40 = arith.cmpi ne, %convert_element_type3A_39, %cond3A : i32
    scf.if %cond3A_40 {
      %swap3A_45 = arith.constant 0 : index
      %swap3A_46 = arith.constant 0 : index
      %swap3A_47 = vector.load %arg6[%swap3A_45, %swap3A_46] : memref<8x128xf32, #tpu.memory_space<vmem>>, vector<8x128xf32>
      tpu.vector_store %arg6[%swap3A_45, %swap3A_46], %concatenate3A_37 {strides = array<i32>} : memref<8x128xf32, #tpu.memory_space<vmem>>, vector<8x128xf32>,
    } else {
    }
    %ne3A = arith.constant 0 : i32
    %ne3A_41 = arith.cmpi ne, %arg0, %ne3A : i32
    %convert_element_type3A_42 = arith.extui %ne3A_41 : i1 to i32
    %cond3A_43 = arith.constant 0 : i32
    %cond3A_44 = arith.cmpi ne, %convert_element_type3A_42, %cond3A_43 : i32
    scf.if %cond3A_44 {
      %get3A_45 = arith.constant 0 : index
      %get3A_46 = arith.constant 0 : index
      %get3A_47 = vector.load %arg6[%get3A_45, %get3A_46] : memref<8x128xf32, #tpu.memory_space<vmem>>, vector<8x128xf32>
      %add3A = arith.addf %get3A_47, %concatenate3A_37 : vector<8x128xf32>
      %swap3A_48 = arith.constant 0 : index
      %swap3A_49 = arith.constant 0 : index
      %swap3A_50 = vector.load %arg6[%swap3A_48, %swap3A_49] : memref<8x128xf32, #tpu.memory_space<vmem>>, vector<8x128xf32>
      tpu.vector_store %arg6[%swap3A_48, %swap3A_49], %add3A {strides = array<i32>} : memref<8x128xf32, #tpu.memory_space<vmem>>, vector<8x128xf32>,
    } else {
    }
    return
  }
  func.func @transform_0(%arg0: i32) -> (i32, i32) {
    %add3A = arith.constant 24 : i32
    %add3A_0 = arith.addi %add3A, %arg0 : i32
    %c0_i32 = arith.constant 0 : i32
    %c0_i32_1 = arith.constant 0 : i32
    return %add3A_0, %c0_i32 : i32, i32
  }
  func.func @transform_1(%arg0: i32) -> (i32, i32, i32) {
    %c0_i32 = arith.constant 0 : i32
    %c0_i32_0 = arith.constant 0 : i32
    %c0_i32_1 = arith.constant 0 : i32
    return %c0_i32, %arg0, %c0_i32_0 : i32, i32, i32
  }
  func.func @transform_2(%arg0: i32) -> (i32, i32) {
    %c0_i32 = arith.constant 0 : i32
    %c0_i32_0 = arith.constant 0 : i32
    %c0_i32_1 = arith.constant 0 : i32
    return %c0_i32, %c0_i32_0 : i32, i32
  }
  func.func @transform_4(%arg0: i32) -> (i32, i32) {
    %add3A = arith.constant 24 : i32
    %add3A_0 = arith.addi %add3A, %arg0 : i32
    %c0_i32 = arith.constant 0 : i32
    %c0_i32_1 = arith.constant 0 : i32
    return %add3A_0, %c0_i32 : i32, i32
  }
  func.func @transform_5(%arg0: i32) -> (i32, i32) {
    %c0_i32 = arith.constant 0 : i32
    %c0_i32_0 = arith.constant 0 : i32
    %c0_i32_1 = arith.constant 0 : i32
    return %c0_i32, %c0_i32_0 : i32, i32
  }
}

module attributes {stable_mosaic.version = 14 : i64} {
  func.func @body(%arg0: i32, %arg1: memref<1280x128xf32, #tpu.memory_space<vmem>>, %arg2: memref<4x1280x128xf32, #tpu.memory_space<vmem>>, %arg3: memref<640x128xbf16, #tpu.memory_space<vmem>>, %arg4: memref<160000x128xbf16, #tpu.memory_space<hbm>>, %arg5: memref<1280x128xbf16, #tpu.memory_space<vmem>>, %arg6: memref<8x128xf32, #tpu.memory_space<vmem>>) attributes {dimension_semantics = [#tpu.dimension_semantics<arbitrary>], iteration_bounds = array<i64: 37>, scalar_prefetch = 0 : i64, scratch_operands = 0 : i64, tpu.core_type = #tpu.core_type<tc>, window_params = [{transform_indices = @transform_0, window_bounds = array<i64: 1280, 128>}, {transform_indices = @transform_1, window_bounds = array<i64: 4, 1280, 128>}, {pipeline_mode = #tpu.pipeline_mode<synchronous>, transform_indices = @transform_2, window_bounds = array<i64: 640, 128>}, {}, {transform_indices = @transform_4, window_bounds = array<i64: 1280, 128>}, {pipeline_mode = #tpu.pipeline_mode<synchronous>, transform_indices = @transform_5, window_bounds = array<i64: 8, 128>}]} {
    %get3A = arith.constant 0 : index
    %get3A_0 = arith.constant 0 : index
    %get3A_1 = arith.constant 0 : index
    %get3A_2 = vector.load %arg2[%get3A, %get3A_0, %get3A_1] : memref<4x1280x128xf32, #tpu.memory_space<vmem>>, vector<1x1280x128xf32>
    %get3A_3 = vector.shape_cast %get3A_2 : vector<1x1280x128xf32> to vector<1280x128xf32>
    %get3A_4 = arith.constant 1 : index
    %get3A_5 = arith.constant 0 : index
    %get3A_6 = arith.constant 0 : index
    %get3A_7 = vector.load %arg2[%get3A_4, %get3A_5, %get3A_6] : memref<4x1280x128xf32, #tpu.memory_space<vmem>>, vector<1x1280x128xf32>
    %get3A_8 = vector.shape_cast %get3A_7 : vector<1x1280x128xf32> to vector<1280x128xf32>
    %get3A_9 = arith.constant 2 : index
    %get3A_10 = arith.constant 0 : index
    %get3A_11 = arith.constant 0 : index
    %get3A_12 = vector.load %arg2[%get3A_9, %get3A_10, %get3A_11] : memref<4x1280x128xf32, #tpu.memory_space<vmem>>, vector<1x1280x128xf32>
    %get3A_13 = vector.shape_cast %get3A_12 : vector<1x1280x128xf32> to vector<1280x128xf32>
    %get3A_14 = arith.constant 3 : index
    %get3A_15 = arith.constant 0 : index
    %get3A_16 = arith.constant 0 : index
    %get3A_17 = vector.load %arg2[%get3A_14, %get3A_15, %get3A_16] : memref<4x1280x128xf32, #tpu.memory_space<vmem>>, vector<1x1280x128xf32>
    %get3A_18 = vector.shape_cast %get3A_17 : vector<1x1280x128xf32> to vector<1280x128xf32>
    %get3A_19 = arith.constant 0 : index
    %get3A_20 = arith.constant 0 : index
    %get3A_21 = vector.load %arg1[%get3A_19, %get3A_20] : memref<1280x128xf32, #tpu.memory_space<vmem>>, vector<1280x128xf32>
    %min3A = arith.minimumf %get3A_3, %get3A_8 : vector<1280x128xf32>
    %max3A = arith.maximumf %get3A_3, %get3A_8 : vector<1280x128xf32>
    %min3A_22 = arith.minimumf %get3A_13, %get3A_18 : vector<1280x128xf32>
    %max3A_23 = arith.maximumf %get3A_13, %get3A_18 : vector<1280x128xf32>
    %concatenate3A = tpu.concatenate %get3A_21, %min3A, %max3A, %min3A_22, %max3A_23 in 1 : vector<1280x128xf32>, vector<1280x128xf32>, vector<1280x128xf32>, vector<1280x128xf32>, vector<1280x128xf32> -> vector<1280x640xf32>
    %convert_element_type3A = arith.truncf %concatenate3A : vector<1280x640xf32> to vector<1280x640xbf16>
    %get3A_24 = arith.constant 0 : index
    %get3A_25 = arith.constant 0 : index
    %get3A_26 = vector.load %arg3[%get3A_24, %get3A_25] : memref<640x128xbf16, #tpu.memory_space<vmem>>, vector<640x128xbf16>
    %dot_general3A = arith.constant dense<0.000000e+00> : vector<1280x128xf32>
    %dot_general3A_27 = tpu.matmul %convert_element_type3A, %get3A_26, %dot_general3A {dimension_numbers = #tpu.dot_dimension_numbers<[1], [0], [0], [1], [0, 0, 1, 1], [], []>, transpose_lhs_hint = false} : vector<1280x640xbf16>, vector<640x128xbf16>, vector<1280x128xf32> -> vector<1280x128xf32>
    %convert_element_type3A_28 = arith.truncf %dot_general3A_27 : vector<1280x128xf32> to vector<1280x128xbf16>
    %swap3A = arith.constant 0 : index
    %swap3A_29 = arith.constant 0 : index
    %swap3A_30 = vector.load %arg5[%swap3A, %swap3A_29] : memref<1280x128xbf16, #tpu.memory_space<vmem>>, vector<1280x128xbf16>
    tpu.vector_store %arg5[%swap3A, %swap3A_29], %convert_element_type3A_28 {strides = array<i32>} : memref<1280x128xbf16, #tpu.memory_space<vmem>>, vector<1280x128xbf16>,
    %reduce_sum3A = arith.constant dense<0.000000e+00> : vector<128xf32>
    %reduce_sum3A_31 = vector.multi_reduction <add>, %dot_general3A_27, %reduce_sum3A [0] : vector<1280x128xf32> to vector<128xf32>
    %broadcast_in_dim3A = vector.shape_cast %reduce_sum3A_31 : vector<128xf32> to vector<1x128xf32>
    %mul3A = arith.mulf %dot_general3A_27, %dot_general3A_27 : vector<1280x128xf32>
    %reduce_sum3A_32 = arith.constant dense<0.000000e+00> : vector<128xf32>
    %reduce_sum3A_33 = vector.multi_reduction <add>, %mul3A, %reduce_sum3A_32 [0] : vector<1280x128xf32> to vector<128xf32>
    %broadcast_in_dim3A_34 = vector.shape_cast %reduce_sum3A_33 : vector<128xf32> to vector<1x128xf32>
    %broadcast_in_dim3A_35 = arith.constant 0.000000e+00 : f32
    %broadcast_in_dim3A_36 = vector.broadcast %broadcast_in_dim3A_35 : f32 to vector<6x128xf32>
    %concatenate3A_37 = tpu.concatenate %broadcast_in_dim3A, %broadcast_in_dim3A_34, %broadcast_in_dim3A_36 in 0 : vector<1x128xf32>, vector<1x128xf32>, vector<6x128xf32> -> vector<8x128xf32>
    %eq3A = arith.constant 0 : i32
    %eq3A_38 = arith.cmpi eq, %arg0, %eq3A : i32
    %convert_element_type3A_39 = arith.extui %eq3A_38 : i1 to i32
    %cond3A = arith.constant 0 : i32
    %cond3A_40 = arith.cmpi ne, %convert_element_type3A_39, %cond3A : i32
    scf.if %cond3A_40 {
      %swap3A_45 = arith.constant 0 : index
      %swap3A_46 = arith.constant 0 : index
      %swap3A_47 = vector.load %arg6[%swap3A_45, %swap3A_46] : memref<8x128xf32, #tpu.memory_space<vmem>>, vector<8x128xf32>
      tpu.vector_store %arg6[%swap3A_45, %swap3A_46], %concatenate3A_37 {strides = array<i32>} : memref<8x128xf32, #tpu.memory_space<vmem>>, vector<8x128xf32>,
    } else {
    }
    %ne3A = arith.constant 0 : i32
    %ne3A_41 = arith.cmpi ne, %arg0, %ne3A : i32
    %convert_element_type3A_42 = arith.extui %ne3A_41 : i1 to i32
    %cond3A_43 = arith.constant 0 : i32
    %cond3A_44 = arith.cmpi ne, %convert_element_type3A_42, %cond3A_43 : i32
    scf.if %cond3A_44 {
      %get3A_45 = arith.constant 0 : index
      %get3A_46 = arith.constant 0 : index
      %get3A_47 = vector.load %arg6[%get3A_45, %get3A_46] : memref<8x128xf32, #tpu.memory_space<vmem>>, vector<8x128xf32>
      %add3A = arith.addf %get3A_47, %concatenate3A_37 : vector<8x128xf32>
      %swap3A_48 = arith.constant 0 : index
      %swap3A_49 = arith.constant 0 : index
      %swap3A_50 = vector.load %arg6[%swap3A_48, %swap3A_49] : memref<8x128xf32, #tpu.memory_space<vmem>>, vector<8x128xf32>
      tpu.vector_store %arg6[%swap3A_48, %swap3A_49], %add3A {strides = array<i32>} : memref<8x128xf32, #tpu.memory_space<vmem>>, vector<8x128xf32>,
    } else {
    }
    return
  }
  func.func @transform_0(%arg0: i32) -> (i32, i32) {
    %add3A = arith.constant 88 : i32
    %add3A_0 = arith.addi %add3A, %arg0 : i32
    %c0_i32 = arith.constant 0 : i32
    %c0_i32_1 = arith.constant 0 : i32
    return %add3A_0, %c0_i32 : i32, i32
  }
  func.func @transform_1(%arg0: i32) -> (i32, i32, i32) {
    %c0_i32 = arith.constant 0 : i32
    %c0_i32_0 = arith.constant 0 : i32
    %c0_i32_1 = arith.constant 0 : i32
    return %c0_i32, %arg0, %c0_i32_0 : i32, i32, i32
  }
  func.func @transform_2(%arg0: i32) -> (i32, i32) {
    %c0_i32 = arith.constant 0 : i32
    %c0_i32_0 = arith.constant 0 : i32
    %c0_i32_1 = arith.constant 0 : i32
    return %c0_i32, %c0_i32_0 : i32, i32
  }
  func.func @transform_4(%arg0: i32) -> (i32, i32) {
    %add3A = arith.constant 88 : i32
    %add3A_0 = arith.addi %add3A, %arg0 : i32
    %c0_i32 = arith.constant 0 : i32
    %c0_i32_1 = arith.constant 0 : i32
    return %add3A_0, %c0_i32 : i32, i32
  }
  func.func @transform_5(%arg0: i32) -> (i32, i32) {
    %c0_i32 = arith.constant 0 : i32
    %c0_i32_0 = arith.constant 0 : i32
    %c0_i32_1 = arith.constant 0 : i32
    return %c0_i32, %c0_i32_0 : i32, i32
  }
}

module attributes {stable_mosaic.version = 14 : i64} {
  func.func @_norm2_body(%arg0: i32, %arg1: memref<8000x128xbf16, #tpu.memory_space<vmem>>, %arg2: memref<32x128xf32, #tpu.memory_space<vmem>>, %arg3: memref<8x128xf32, #tpu.memory_space<vmem>>, %arg4: memref<8000x128xf32, #tpu.memory_space<vmem>>) attributes {dimension_semantics = [#tpu.dimension_semantics<arbitrary>], iteration_bounds = array<i64: 20>, scalar_prefetch = 0 : i64, scratch_operands = 0 : i64, tpu.core_type = #tpu.core_type<tc>, window_params = [{transform_indices = @transform_0, window_bounds = array<i64: 8000, 128>}, {pipeline_mode = #tpu.pipeline_mode<synchronous>, transform_indices = @transform_1, window_bounds = array<i64: 32, 128>}, {pipeline_mode = #tpu.pipeline_mode<synchronous>, transform_indices = @transform_2, window_bounds = array<i64: 8, 128>}, {transform_indices = @transform_3, window_bounds = array<i64: 8000, 128>}]} {
    %get3A = arith.constant 0 : index
    %get3A_0 = arith.constant 0 : index
    %get3A_1 = vector.load %arg2[%get3A, %get3A_0] : memref<32x128xf32, #tpu.memory_space<vmem>>, vector<1x128xf32>
    %get3A_2 = vector.shape_cast %get3A_1 : vector<1x128xf32> to vector<128xf32>
    %get3A_3 = arith.constant 1 : index
    %get3A_4 = arith.constant 0 : index
    %get3A_5 = vector.load %arg2[%get3A_3, %get3A_4] : memref<32x128xf32, #tpu.memory_space<vmem>>, vector<1x128xf32>
    %get3A_6 = vector.shape_cast %get3A_5 : vector<1x128xf32> to vector<128xf32>
    %get3A_7 = arith.constant 8 : index
    %get3A_8 = arith.constant 0 : index
    %get3A_9 = vector.load %arg2[%get3A_7, %get3A_8] : memref<32x128xf32, #tpu.memory_space<vmem>>, vector<1x128xf32>
    %get3A_10 = vector.shape_cast %get3A_9 : vector<1x128xf32> to vector<128xf32>
    %add3A = arith.addf %get3A_2, %get3A_10 : vector<128xf32>
    %get3A_11 = arith.constant 9 : index
    %get3A_12 = arith.constant 0 : index
    %get3A_13 = vector.load %arg2[%get3A_11, %get3A_12] : memref<32x128xf32, #tpu.memory_space<vmem>>, vector<1x128xf32>
    %get3A_14 = vector.shape_cast %get3A_13 : vector<1x128xf32> to vector<128xf32>
    %add3A_15 = arith.addf %get3A_6, %get3A_14 : vector<128xf32>
    %get3A_16 = arith.constant 16 : index
    %get3A_17 = arith.constant 0 : index
    %get3A_18 = vector.load %arg2[%get3A_16, %get3A_17] : memref<32x128xf32, #tpu.memory_space<vmem>>, vector<1x128xf32>
    %get3A_19 = vector.shape_cast %get3A_18 : vector<1x128xf32> to vector<128xf32>
    %add3A_20 = arith.addf %add3A, %get3A_19 : vector<128xf32>
    %get3A_21 = arith.constant 17 : index
    %get3A_22 = arith.constant 0 : index
    %get3A_23 = vector.load %arg2[%get3A_21, %get3A_22] : memref<32x128xf32, #tpu.memory_space<vmem>>, vector<1x128xf32>
    %get3A_24 = vector.shape_cast %get3A_23 : vector<1x128xf32> to vector<128xf32>
    %add3A_25 = arith.addf %add3A_15, %get3A_24 : vector<128xf32>
    %get3A_26 = arith.constant 24 : index
    %get3A_27 = arith.constant 0 : index
    %get3A_28 = vector.load %arg2[%get3A_26, %get3A_27] : memref<32x128xf32, #tpu.memory_space<vmem>>, vector<1x128xf32>
    %get3A_29 = vector.shape_cast %get3A_28 : vector<1x128xf32> to vector<128xf32>
    %add3A_30 = arith.addf %add3A_20, %get3A_29 : vector<128xf32>
    %get3A_31 = arith.constant 25 : index
    %get3A_32 = arith.constant 0 : index
    %get3A_33 = vector.load %arg2[%get3A_31, %get3A_32] : memref<32x128xf32, #tpu.memory_space<vmem>>, vector<1x128xf32>
    %get3A_34 = vector.shape_cast %get3A_33 : vector<1x128xf32> to vector<128xf32>
    %add3A_35 = arith.addf %add3A_25, %get3A_34 : vector<128xf32>
    %mul3A = arith.constant 6.250000e-06 : f32
    %mul3A_36 = vector.broadcast %mul3A : f32 to vector<128xf32>
    %mul3A_37 = arith.mulf %add3A_30, %mul3A_36 : vector<128xf32>
    %mul3A_38 = arith.constant 6.250000e-06 : f32
    %mul3A_39 = vector.broadcast %mul3A_38 : f32 to vector<128xf32>
    %mul3A_40 = arith.mulf %add3A_35, %mul3A_39 : vector<128xf32>
    %mul3A_41 = arith.mulf %mul3A_37, %mul3A_37 : vector<128xf32>
    %sub3A = arith.subf %mul3A_40, %mul3A_41 : vector<128xf32>
    %add3A_42 = arith.constant 9.99999974E-6 : f32
    %add3A_43 = vector.broadcast %add3A_42 : f32 to vector<128xf32>
    %add3A_44 = arith.addf %sub3A, %add3A_43 : vector<128xf32>
    %rsqrt3A = math.rsqrt %add3A_44 : vector<128xf32>
    %get3A_45 = arith.constant 0 : index
    %get3A_46 = arith.constant 0 : index
    %get3A_47 = vector.load %arg3[%get3A_45, %get3A_46] : memref<8x128xf32, #tpu.memory_space<vmem>>, vector<1x128xf32>
    %get3A_48 = vector.shape_cast %get3A_47 : vector<1x128xf32> to vector<128xf32>
    %mul3A_49 = arith.mulf %get3A_48, %rsqrt3A : vector<128xf32>
    %get3A_50 = arith.constant 1 : index
    %get3A_51 = arith.constant 0 : index
    %get3A_52 = vector.load %arg3[%get3A_50, %get3A_51] : memref<8x128xf32, #tpu.memory_space<vmem>>, vector<1x128xf32>
    %get3A_53 = vector.shape_cast %get3A_52 : vector<1x128xf32> to vector<128xf32>
    %mul3A_54 = arith.mulf %mul3A_37, %mul3A_49 : vector<128xf32>
    %sub3A_55 = arith.subf %get3A_53, %mul3A_54 : vector<128xf32>
    %get3A_56 = arith.constant 0 : index
    %get3A_57 = arith.constant 0 : index
    %get3A_58 = vector.load %arg1[%get3A_56, %get3A_57] : memref<8000x128xbf16, #tpu.memory_space<vmem>>, vector<8000x128xbf16>
    %convert_element_type3A = arith.extf %get3A_58 : vector<8000x128xbf16> to vector<8000x128xf32>
    %broadcast_in_dim3A = vector.shape_cast %mul3A_49 : vector<128xf32> to vector<1x128xf32>
    %mul3A_59 = vector.broadcast %broadcast_in_dim3A : vector<1x128xf32> to vector<8000x128xf32>
    %mul3A_60 = arith.mulf %convert_element_type3A, %mul3A_59 : vector<8000x128xf32>
    %broadcast_in_dim3A_61 = vector.shape_cast %sub3A_55 : vector<128xf32> to vector<1x128xf32>
    %add3A_62 = vector.broadcast %broadcast_in_dim3A_61 : vector<1x128xf32> to vector<8000x128xf32>
    %add3A_63 = arith.addf %mul3A_60, %add3A_62 : vector<8000x128xf32>
    %max3A = arith.constant 0.000000e+00 : f32
    %max3A_64 = vector.broadcast %max3A : f32 to vector<8000x128xf32>
    %max3A_65 = arith.maximumf %add3A_63, %max3A_64 : vector<8000x128xf32>
    %swap3A = arith.constant 0 : index
    %swap3A_66 = arith.constant 0 : index
    %swap3A_67 = vector.load %arg4[%swap3A, %swap3A_66] : memref<8000x128xf32, #tpu.memory_space<vmem>>, vector<8000x128xf32>
    tpu.vector_store %arg4[%swap3A, %swap3A_66], %max3A_65 {strides = array<i32>} : memref<8000x128xf32, #tpu.memory_space<vmem>>, vector<8000x128xf32>,
    return
  }
  func.func @transform_0(%arg0: i32) -> (i32, i32) {
    %c0_i32 = arith.constant 0 : i32
    %c0_i32_0 = arith.constant 0 : i32
    return %arg0, %c0_i32 : i32, i32
  }
  func.func @transform_1(%arg0: i32) -> (i32, i32) {
    %c0_i32 = arith.constant 0 : i32
    %c0_i32_0 = arith.constant 0 : i32
    %c0_i32_1 = arith.constant 0 : i32
    return %c0_i32, %c0_i32_0 : i32, i32
  }
  func.func @transform_2(%arg0: i32) -> (i32, i32) {
    %c0_i32 = arith.constant 0 : i32
    %c0_i32_0 = arith.constant 0 : i32
    %c0_i32_1 = arith.constant 0 : i32
    return %c0_i32, %c0_i32_0 : i32, i32
  }
  func.func @transform_3(%arg0: i32) -> (i32, i32) {
    %c0_i32 = arith.constant 0 : i32
    %c0_i32_0 = arith.constant 0 : i32
    return %arg0, %c0_i32 : i32, i32
  }
}

</mosaic_0001>

<sc_bundles>
// kernel: kernel.11.cloned.1.call-start
scs
__scs_entry_jumppad:
0x0: {  	(pc) =	sbr.rel $0x88, $3  }
0x1: {  	(tag) =	ssettag $0x0;
	lr =	simm.s32 $0x1  }
0x2: {  	[smem:$0x3F9C] =	sst lr;
	_ =	strace $0xD0000000  }
0x3: {  	_ = 	snop  }
0x4: {  	_ = 	snop  }
0x5: {  	_ = 	snop  }
0x6: {  	_ = 	snop  }
0x7: {  	_ = 	snop  }
__scs_overlays_trampoline_lowered:
0x8: {  	[smem:$0x3FAB] =	sst s0  }
0x9: {  	[smem:$0x3FAC] =	sst s1  }
0xa: {  	[smem:$0x3FAD] =	sst s2  }
0xb: {  	[smem:$0x3FAE] =	sst s3  }
0xc: {  	[smem:$0x3FAF] =	sst s4  }
0xd: {  	[smem:$0x3FB0] =	sst s5  }
0xe: {  	[smem:$0x3FB1] =	sst s6  }
0xf: {  	[smem:$0x3FB2] =	sst s7  }
0x10: {  	[smem:$0x3FB3] =	sst s8  }
0x11: {  	[smem:$0x3FB4] =	sst s9;
	s0 =	simm.s32 @!p0 $0x0  }
0x12: {  	s1 =	sld [smem:$0x3F9A];
	s0 =	simm.s32 @p0 $0x1  }
0x13: {  	[smem:$0x3FB5] =	sst s0;
	s0 =	simm.s32 @!p1 $0x0  }
0x14: {  	s2 =	sld [smem:$0x3F99];
	s0 =	simm.s32 @p1 $0x1  }
0x15: {  	[smem:$0x3FB6] =	sst s0;
	s0 =	simm.s32 @!p2 $0x0  }
0x16: {  	s3 =	sld [smem:$0x3FDB];
	s0 =	simm.s32 @p2 $0x1  }
0x17: {  	s4 =	simm.s32 $0x1BF5;
	[smem:$0x3FB8] =	sst s0  }
0x18: {  	s0 =	sld [smem:$0x3F9B];
	_ =	swait.ge [sflag:s4], $0x0  }
0x19: {  	s7 =	sld [smem:$0x3F9C]  }
0x1a: {  	s8 =	sadd.s32 $0xFFFFE003, lr  }
0x1b: {  	s9 =	sadd.s32 $0xFFFFFEF7, lr;
	s5 =	simm.s32 $0xFFFFFFFF;
	p2 =	slt.u32 s8, $0xFFFFF086  }
0x1c: {  	p1 =	slt.u32 s9, $0xF7A;
	s5 =	simm.s32 @!p2 $0x0  }
0x1d: {  	s5 =	simm.s32 @p1 $0x1;
	p0 =	seq.s32 s7, s2  }
0x1e: {  	s7 =	smul.u32 @!p0 $0xF7A, s2;
	p2 =	seq.s32 @!p0 s5, $0x0  }
0x1f: {  	s9 =	smul.u32 $0xF7A, s1;
	s8 =	simm.s32 @!p0 $0x1BF5;
	p2 =	por !p2, p0  }
0x20: {  	[sflag:s8] =	ssyncset.s32 @!p0 $0xFFFFF086;
	s6 =	sadd.s32 @!p0 s3, s7;
	s7 =	simm.s32 @!p0 $0x108  }
0x21: {  	s3 =	sadd.s32 s3, s9;
	s6 =	sadd.s32 @!p0 $0x88, s6;
	s7 =	simm.s32 @p2 $0x1082  }
0x22: {  	[simem:s7], [sflag:s8] =	dma.local @!p0 [hbm:s6], $0xF7A  }
0x23: {  	s9 =	sor.u32 $0xD0000000, s2;
	s6 =	simm.s32 $0x108;
	_ =	swait.ge @!p0 [sflag:s8], $0x0  }
0x24: {  	s3 =	sadd.s32 $0x88, s3;
	s6 =	simm.s32 @!p1 $0x1082;
	[sflag:s4] =	ssyncset.s32 $0xFFFFF086  }
0x25: {  	[simem:s6], [sflag:s4] =	dma.local [hbm:s3], $0xF7A  }
0x26: {  	[smem:$0x3F9C] =	sst s1;
	(tag) =	ssettag s2;
	_ =	strace s9  }
0x27: {  	s1 =	sld [smem:$0x3FAC]  }
0x28: {  	s2 =	sld [smem:$0x3FAD]  }
0x29: {  	s4 =	sld [smem:$0x3FAF]  }
0x2a: {  	p0 =	seq.s32 s5, $0x0;
	s5 =	sld [smem:$0x3FB0]  }
0x2b: {  	s6 =	sld [smem:$0x3FB1]  }
0x2c: {  	s7 =	sld [smem:$0x3FB2]  }
0x2d: {  	s3 =	simm.s32 $0x108;
	s8 =	sld [smem:$0x3FB3]  }
0x2e: {  	s3 =	simm.s32 @!p0 $0x1082;
	s9 =	sld [smem:$0x3FB4]  }
0x2f: {  	lr =	sadd.s32 s0, s3;
	s0 =	sld [smem:$0x3FAB]  }
0x30: {  	s3 =	sld [smem:$0x3FAE]  }
0x31: {  	[smem:$0x3FB7] =	sst s10  }
0x32: {  	s10 =	sld [smem:$0x3FB5];
	_ =	sdelay $0x3  }
0x33: {  	p0 =	seq.s32 s10, $0x1;
	s10 =	sld [smem:$0x3FB7];
	_ =	sdelay $0x3  }
0x34: {  	[smem:$0x3FB7] =	sst s10  }
0x35: {  	s10 =	sld [smem:$0x3FB6];
	_ =	sdelay $0x3  }
0x36: {  	p1 =	seq.s32 s10, $0x1;
	s10 =	sld [smem:$0x3FB7];
	_ =	sdelay $0x3  }
0x37: {  	[smem:$0x3FB7] =	sst s10  }
0x38: {  	s10 =	sld [smem:$0x3FB8]  }
0x39: {  	_ = 	snop;
	(pc) =	sbr.ind lr, $3  }
0x3a: {  	_ = 	snop  }
0x3b: {  	_ = 	snop  }
0x3c: {  	p2 =	seq.s32 s10, $0x1;
	s10 =	sld [smem:$0x3FB7]  }
0x3d: {  	_ =	shalt  }
0x3e: {  	_ =	shalt  }
0x3f: {  	_ =	shalt  }
0x40: {  	_ =	shalt  }
0x41: {  	_ =	shalt  }
0x42: {  	_ =	shalt  }
0x43: {  	_ =	shalt  }
0x44: {  	_ =	shalt  }
0x45: {  	_ =	shalt  }
0x46: {  	_ =	shalt  }
0x47: {  	_ =	shalt  }
0x48: {  	_ =	shalt  }
0x49: {  	_ =	shalt  }
0x4a: {  	_ =	shalt  }
0x4b: {  	_ =	shalt  }
0x4c: {  	_ =	shalt  }
0x4d: {  	_ =	shalt  }
0x4e: {  	_ =	shalt  }
0x4f: {  	_ =	shalt  }
0x50: {  	_ =	shalt  }
0x51: {  	_ =	shalt  }
0x52: {  	_ =	shalt  }
0x53: {  	_ =	shalt  }
0x54: {  	_ =	shalt  }
0x55: {  	_ =	shalt  }
0x56: {  	_ =	shalt  }
0x57: {  	_ =	shalt  }
0x58: {  	_ =	shalt  }
0x59: {  	_ =	shalt  }
0x5a: {  	_ =	shalt  }
0x5b: {  	_ =	shalt  }
0x5c: {  	_ =	shalt  }
0x5d: {  	_ =	shalt  }
0x5e: {  	_ =	shalt  }
0x5f: {  	_ =	shalt  }
0x60: {  	_ =	shalt  }
0x61: {  	_ =	shalt  }
0x62: {  	_ =	shalt  }
0x63: {  	_ =	shalt  }
0x64: {  	_ =	shalt  }
0x65: {  	_ =	shalt  }
0x66: {  	_ =	shalt  }
0x67: {  	_ =	shalt  }
0x68: {  	_ =	shalt  }
0x69: {  	_ =	shalt  }
0x6a: {  	_ =	shalt  }
0x6b: {  	_ =	shalt  }
0x6c: {  	_ =	shalt  }
0x6d: {  	_ =	shalt  }
0x6e: {  	_ =	shalt  }
0x6f: {  	_ =	shalt  }
0x70: {  	_ =	shalt  }
0x71: {  	_ =	shalt  }
0x72: {  	_ =	shalt  }
0x73: {  	_ =	shalt  }
0x74: {  	_ =	shalt  }
0x75: {  	_ =	shalt  }
0x76: {  	_ =	shalt  }
0x77: {  	_ =	shalt  }
0x78: {  	_ =	shalt  }
0x79: {  	_ =	shalt  }
0x7a: {  	_ =	shalt  }
0x7b: {  	_ =	shalt  }
0x7c: {  	_ =	shalt  }
0x7d: {  	_ =	shalt  }
0x7e: {  	_ =	shalt  }
0x7f: {  	_ =	shalt  }
0x80: {  	_ =	shalt  }
0x81: {  	_ =	shalt  }
0x82: {  	_ =	shalt  }
0x83: {  	_ =	shalt  }
0x84: {  	_ =	shalt  }
0x85: {  	_ =	shalt  }
0x86: {  	_ =	shalt  }
0x87: {  	_ =	shalt  }
.Lfunc_end0:
.L_simem_size_0:
called_computation_lowered:
.L_overlay_start_0:
0x88: {  	s2 =	sld [smem:$0x3FD9]  }
0x89: {  	s3 =	sld [smem:$0x3FFE];
	_ =	sdelay $0x1  }
0x8a: {  	s1 =	srdreg.scid  }
0x8b: {  	s0 =	sand.u32 $0x1, s1  }
0x8c: {  	s17 =	sshll.u32 s0, $0xA;
	s2 =	sadd.s32 s3, s2  }
0x8d: {  	s2 =	sadd.s32 s2, s17  }
0x8e: {  	[smem:$0x3FC3] =	sst s2  }
0x8f: {  	_ = 	snop  }
0x90: {  	s2 =	sld [smem:$0x3FC9]  }
0x91: {  	s18 =	sld [smem:$0x3FD0];
	(tm) =	ssettm $0x1  }
0x92: {  	s4 =	sld [smem:$0x3FFB];
	_ =	sdelay $0x3  }
0x93: {  	_ =	strace s4  }
0x94: {  	s4 =	sld [smem:$0x3FFC];
	_ =	sdelay $0x3  }
0x95: {  	_ =	strace s4  }
0x96: {  	s4 =	sld [smem:$0x3FFD];
	_ =	sdelay $0x3  }
0x97: {  	_ =	strace s4  }
0x98: {  	_ =	strace $0x8FFFFFFF  }
0x99: {  	s19 =	sld [smem:$0x3FDB];
	_ =	sdelay $0x1  }
0x9a: {  	s5 =	simm.s32 $_scs_section_size  }
0x9b: {  	s6 =	simm.s32 $_size__tile_overlayer_lowered;
	s7 =	simm.s32 $_tile_overlayer_lowered  }
0x9c: {  	s22 =	simm.s32 $0x1BFF;
	s21 =	sshll.u32 s7, $0x1;
	s4 =	sadd.s32 s5, s19  }
0x9d: {  	s8 =	simm.s32 $0x0;
	s20 =	sshll.u32 s6, $0x1;
	s6 =	sadd.s32 s21, s4  }
0x9e: {  	[timem:s8], [sflag:s22] =	dma.local [hbm:s6], s20  }
0x9f: {  	_ =	swait.ge [sflag:s22], s20  }
0xa0: {  	s5 =	ssub.s32 $0x0, s20;
	[sflag:s22] =	ssyncset.done $0x0  }
0xa1: {  	[sflag:s22] =	ssyncadd.s32 s5;
	_ =	sdelay $0x1  }
0xa2: {  	s23 =	simm.s32 $0x1B8B  }
0xa3: {  	_ =	swait.ge [sflag:s23], $0x1  }
0xa4: {  	[sflag:s23] =	ssyncset.done $0x0  }
0xa5: {  	s25 =	simm.s32 $0x1B8E;
	s24 =	sld [smem:$0x3FFE];
	[sflag:s23] =	ssyncadd.s32 $0xFFFFFFFF  }
0xa6: {  	s26 =	simm.s32 $execute0_lowered;
	[smem:$0x3FD2] =	sst s25  }
0xa7: {  	s6 =	sshll.u32 s26, $0x1;
	_ =	strace $0x80000046;
	[dreg:$0x1] =	wrdreg $0xFFFFFFFF  }
0xa8: {  	s28 =	simm.s32 $_size_execute0_lowered;
	s4 =	sadd.s32 s4, s6;
	[dreg:$0x0] =	wrdreg $0x0  }
0xa9: {  	s6 =	sshll.u32 s28, $0x1;
	[dreg:$0x2] =	wrdreg s4  }
0xaa: {  	[dreg:$0x3] =	wrdreg s6  }
0xab: {  	[dreg:$0x4] =	wrdreg $0xC0  }
0xac: {  	_ =	task [dreg:s8], $0x5FFFF  }
0xad: {  	[dreg:$0x1] =	wrdreg $0xFFFFFFFF  }
0xae: {  	[dreg:$0x0] =	wrdreg $0x60  }
0xaf: {  	[dreg:$0x2] =	wrdreg s24  }
0xb0: {  	[dreg:$0x3] =	wrdreg s2  }
0xb1: {  	[dreg:$0x4] =	wrdreg s18  }
0xb2: {  	[dreg:$0x5] =	wrdreg $0x9  }
0xb3: {  	_ =	task.clear_ibuf [dreg:s8], $0x6FFFF;
	_ =	strace $0x90000046  }
0xb4: {  	s29 =	simm.s32 $0x9;
	_ =	strace $0x80000048  }
0xb5: {  	_ =	swait.ge [sflag:s29], $0x1  }
0xb6: {  	[sflag:s29] =	ssyncadd.s32 $0xFFFFFFFF  }
0xb7: {  	_ =	strace $0x90000048  }
0xb8: {  	_ =	sfence  }
0xb9: {  	s30 =	sld [smem:$0x0];
	_ =	sdelay $0x2  }
0xba: {  	s31 =	sshll.u32 s1, $0xD;
	s1 =	sshrl.u32 s1, $0x2  }
0xbb: {  	s3 =	sand.u32 $0x4000, s31;
	s1 =	sadd.s32 s1, s30  }
0xbc: {  	s0 =	sor.u32 s3, s0;
	s1 =	sshll.u32 s1, $0x11  }
0xbd: {  	s0 =	sor.u32 s1, s0  }
0xbe: {  	s0 =	sadd.s32 $0x8F2B, s0  }
0xbf: {  	[sflag:s0] =	ssyncadd.remote.s32 $0x1  }
0xc0: {  	_ =	sfence.sel $0xFFFF  }
0xc1: {  	[dreg:$0x0] =	wrdreg $0xFFFFFFFF;
	(pc) =	sbr.abs _section_cstart, $3  }
0xc2: {  	[dreg:$0x1] =	wrdreg $0xFFFFFFFF  }
0xc3: {  	_ =	task.clear_ibuf [dreg:s8], $0x2FFFF;
	_ =	strace $0x9FFFFFFF  }
0xc4: {  	(tm) =	ssettm $0x7FFFFFFF  }
0xc5: {  	_ =	shalt  }
tec
execute0_lowered:
.L_overlay_start_1:
0x0: {  	(tag) =	ssettag $0x1  }
0x1: {  	s0 =	rddreg [dreg:$0x0]  }
0x2: {  	s2 =	rddreg [dreg:$0x1];
	s1 =	srdreg.scid  }
0x3: {  	s9 =	stileid.u32;
	s4 =	rddreg [dreg:$0x2];
	s3 =	simm.s32 $0x0  }
0x4: {  	s13 =	simm.s32 $0x80;
	s14 =	simm.s32 $0xC00;
	s28 =	simm.s32 $0x8  }
0x5: {  	s29 =	simm.s32 $0x3;
	s30 =	simm.s32 $0x4;
	s7 =	smul.u32 $0xA0000, s9  }
0x6: {  	s1 =	sand.u32 $0x1, s1;
	s5 =	sshll.u32 s9, $0x1;
	s16 =	smul.u32 $0x14000, s9  }
0x7: {  	s31 =	simm.s32 $0x5;
	s5 =	sor.u32 s1, s5;
	s8 =	smul.u32 $0x50000, s1  }
0x8: {  	[smem:$0x7FF] =	sst s3;
	s6 =	ssub.s32 $0x2, s1;
	s5 =	smul.u32 $0x180, s5  }
0x9: {  	_ =	strace $0x80000047;
	s1 =	smul.u32 $0xA000, s1;
	s15 =	sshrl.u32 s6, $0x1  }
0xa: {  	s17 =	sadd.s32 s8, s7;
	s0 =	sadd.s32 s5, s0;
	s5 =	ssub.s32 s6, s15  }
0xb: {  	s18 =	sadd.s32 $0x14000, s17;
	s7 =	sadd.s32 $0x10000, s17;
	s22 =	sor.u32 $0xC000, s17  }
0xc: {  	s23 =	sor.u32 $0x8000, s17;
	s15 =	simm.s32 $0x4C00;
	s0 =	sadd.s32 $0x16000, s0  }
0xd: {  	s5 =	smax.u32 s5, $0x1;
	s19 =	sshrl.u32 s18, $0x3;
	s20 =	sshrl.u32 s7, $0x3  }
0xe: {  	s24 =	sshrl.u32 s23, $0x3;
	s23 =	simm.s32 $0x14C00;
	[dreg:$0x4] =	wrdreg s0  }
0xf: {  	[dreg:$0x5] =	wrdreg s5;
	s0 =	sadd.s32 s16, s4;
	s21 =	sadd.s32 s20, s4  }
0x10: {  	s5 =	sor.u32 $0x4000, s17;
	s17 =	simm.s32 $0x8C00;
	s16 =	simm.s32 $0x0  }
0x11: {  	s0 =	sadd.s32 s1, s0;
	[dreg:$0x8] =	wrdreg s21;
	s25 =	sshrl.u32 s5, $0x3  }
0x12: {  	s21 =	simm.s32 $0x10C00;
	s1 =	simm.s32 $0x6;
	[dreg:$0x6] =	wrdreg s0  }
.Ltmp0:
0x13: {  	s0 =	sadd.s32 s19, s4;
	s26 =	sadd.s32 s25, s4;
	(pc) =	sbr.rel .LBB2_1-.Ltmp0, $4  }
0x14: {  	s19 =	simm.s32 $0xCC00;
	[dreg:$0x7] =	wrdreg s0;
	s0 =	sshrl.u32 s22, $0x3  }
0x15: {  	s25 =	simm.s32 $0x2;
	[dreg:$0xb] =	wrdreg s26;
	s0 =	sadd.s32 s0, s4  }
0x16: {  	s26 =	simm.s32 $0x7;
	[dreg:$0x9] =	wrdreg s0;
	s0 =	sadd.s32 s24, s4  }
0x17: {  	s24 =	simm.s32 $0x1;
	[dreg:$0xa] =	wrdreg s0;
	s0 =	simm.s32 $0x9  }
.LBB2_4:
0x18: {  	_ =	swait.ge [sflag:s26], $0x4000  }
0x19: {  	[sflag:s26] =	ssyncset.done $0x0  }
0x1a: {  	[sflag:s26] =	ssyncadd.s32 $0xFFFFC000  }
0x1b: {  	_ =	swait.ge [sflag:s28], $0x4000  }
0x1c: {  	s16 =	sadd.s32 $0x1, s16;
	s4 =	rddreg [dreg:$0x5]  }
0x1d: {  	p0 =	sne.s32 s16, s4  }
.Ltmp1:
0x1e: {  	_ = 	snop;
	(pc) =	sbr.rel @!p0 .LBB2_5-.Ltmp1, $3  }
0x1f: {  	_ =	sdelay $0x1  }
0x20: {  	[sflag:s28] =	ssyncset.done $0x0  }
0x21: {  	[sflag:s28] =	ssyncadd.s32 $0xFFFFC000  }
.LBB2_1:
0x22: {  	s4 =	rddreg [dreg:$0x4];
	s11 =	simm.s32 $0xD  }
0x23: {  	[tilespmem:s3], [sflag:$0xD] =	stream.linear.gather [hbm4b:s4+s3], $0xA00, $0x38;
	[tilespmem:$0x18C00] =	vst v63  }
0x24: {  	_ =	swait.ge [sflag:s11], $0xA00  }
0x25: {  	[sflag:s11] =	ssyncset.done $0x0  }
0x26: {  	s10 =	rddreg [dreg:$0xa];
	[sflag:s11] =	ssyncadd.s32 $0xFFFFF600  }
0x27: {  	[tilespmem:s14], [sflag:$0x1] =	stream.indirect.gather [hbm4b:s2+s13], $0x80, s3, s13, $0xb8;
	[tilespmem:$0x18C00] =	vst v63  }
0x28: {  	s9 =	rddreg [dreg:$0x9]  }
0x29: {  	[tilespmem:s15], [sflag:$0x2] =	stream.indirect.gather [hbm4b:s2+s13], $0x80, s13, s13, $0xb8;
	[tilespmem:$0x18C00] =	vst v63  }
0x2a: {  	s12 =	simm.s32 $0x100;
	s8 =	rddreg [dreg:$0x8]  }
0x2b: {  	[tilespmem:s17], [sflag:$0x3] =	stream.indirect.gather [hbm4b:s2+s13], $0x80, s12, s13, $0xb8;
	[tilespmem:$0x18C00] =	vst v63  }
0x2c: {  	s18 =	simm.s32 $0x180;
	s7 =	rddreg [dreg:$0x7]  }
0x2d: {  	[tilespmem:s19], [sflag:$0x4] =	stream.indirect.gather [hbm4b:s2+s13], $0x80, s18, s13, $0xb8;
	[tilespmem:$0x18C00] =	vst v63  }
0x2e: {  	s20 =	simm.s32 $0x200;
	s22 =	simm.s32 $0x280;
	s6 =	rddreg [dreg:$0x6]  }
0x2f: {  	[tilespmem:s21], [sflag:$0x5] =	stream.indirect.gather [hbm4b:s2+s13], $0x80, s20, s13, $0xb8;
	[tilespmem:$0x18C00] =	vst v63  }
0x30: {  	s5 =	simm.s32 $0x0;
	s4 =	simm.s32 $0x0;
	s11 =	rddreg [dreg:$0xb]  }
0x31: {  	[tilespmem:s23], [sflag:$0x6] =	stream.indirect.gather [hbm4b:s2+s13], $0x80, s22, s13, $0xb8;
	[tilespmem:$0x18C00] =	vst v63  }
.LBB2_2:
0x32: {  	_ =	swait.ge [sflag:s24], $0x4000  }
0x33: {  	[sflag:s24] =	ssyncset.done $0x0  }
0x34: {  	p0 =	seq.s32 s5, $0x2400;
	[sflag:s24] =	ssyncadd.s32 $0xFFFFC000  }
0x35: {  	[hbm4b:s6+s3] =	stream.linear.scatter [tilespmem:s14], [sflag:$0x7], $0x4000, $0x38;
	[tilespmem:$0x18C00] =	vst v63  }
.Ltmp2:
0x36: {  	_ = 	snop;
	(pc) =	sbr.rel @p0 .LBB2_4-.Ltmp2, $4  }
0x37: {  	_ =	swait.ge [sflag:s25], $0x4000  }
0x38: {  	[sflag:s25] =	ssyncset.done $0x0  }
0x39: {  	[sflag:s25] =	ssyncadd.s32 $0xFFFFC000  }
0x3a: {  	[hbm4b:s11+s3] =	stream.linear.scatter [tilespmem:s15], [sflag:$0x8], $0x4000, $0x38;
	[tilespmem:$0x18C00] =	vst v63  }
0x3b: {  	_ =	swait.ge [sflag:s29], $0x4000  }
0x3c: {  	[sflag:s29] =	ssyncset.done $0x0  }
0x3d: {  	[sflag:s29] =	ssyncadd.s32 $0xFFFFC000  }
0x3e: {  	[hbm4b:s10+s3] =	stream.linear.scatter [tilespmem:s17], [sflag:$0x9], $0x4000, $0x38;
	[tilespmem:$0x18C00] =	vst v63  }
0x3f: {  	_ =	swait.ge [sflag:s30], $0x4000  }
0x40: {  	[sflag:s30] =	ssyncset.done $0x0  }
0x41: {  	[sflag:s30] =	ssyncadd.s32 $0xFFFFC000  }
0x42: {  	[hbm4b:s9+s3] =	stream.linear.scatter [tilespmem:s19], [sflag:$0xA], $0x4000, $0x38;
	[tilespmem:$0x18C00] =	vst v63  }
0x43: {  	_ =	swait.ge [sflag:s31], $0x4000  }
0x44: {  	[sflag:s31] =	ssyncset.done $0x0  }
0x45: {  	[sflag:s31] =	ssyncadd.s32 $0xFFFFC000  }
0x46: {  	[hbm4b:s8+s3] =	stream.linear.scatter [tilespmem:s21], [sflag:$0xB], $0x4000, $0x38;
	[tilespmem:$0x18C00] =	vst v63  }
0x47: {  	_ =	swait.ge [sflag:s1], $0x4000  }
0x48: {  	[sflag:s1] =	ssyncset.done $0x0  }
0x49: {  	[sflag:s1] =	ssyncadd.s32 $0xFFFFC000  }
0x4a: {  	[hbm4b:s7+s3] =	stream.linear.scatter [tilespmem:s23], [sflag:$0xC], $0x4000, $0x38;
	[tilespmem:$0x18C00] =	vst v63  }
0x4b: {  	_ =	swait.ge [sflag:s26], $0x4000  }
0x4c: {  	s22 =	sshra.s32 s5, $0x2;
	[sflag:s26] =	ssyncset.done $0x0  }
0x4d: {  	s20 =	sadd.s32 $0x300, s22;
	[sflag:s26] =	ssyncadd.s32 $0xFFFFC000  }
0x4e: {  	[tilespmem:s14], [sflag:$0x1] =	stream.indirect.gather [hbm4b:s2+s13], $0x80, s20, s13, $0xb8;
	[tilespmem:$0x18C00] =	vst v63  }
0x4f: {  	_ =	swait.ge [sflag:s28], $0x4000  }
0x50: {  	[sflag:s28] =	ssyncset.done $0x0  }
0x51: {  	s22 =	sadd.s32 $0x380, s22;
	[sflag:s28] =	ssyncadd.s32 $0xFFFFC000  }
0x52: {  	[tilespmem:s15], [sflag:$0x2] =	stream.indirect.gather [hbm4b:s2+s13], $0x80, s22, s13, $0xb8;
	[tilespmem:$0x18C00] =	vst v63  }
0x53: {  	p0 =	slt.u32 s4, $0x2;
	_ =	swait.ge [sflag:s0], $0x4000  }
0x54: {  	s18 =	simm.s32 @p0 $0x80;
	s20 =	sshra.s32 @p0 s5, $0x2;
	[sflag:s0] =	ssyncset.done $0x0  }
0x55: {  	s12 =	simm.s32 @p0 $0x8C00;
	s22 =	sadd.s32 @p0 $0x400, s20;
	[sflag:s0] =	ssyncadd.s32 $0xFFFFC000  }
0x56: {  	[tilespmem:s12], [sflag:$0x3] =	stream.indirect.gather @p0 [hbm4b:s2+s18], $0x80, s22, s18, $0xb8;
	[tilespmem:$0x18C00] =	vst v63  }
0x57: {  	s12 =	simm.s32 @p0 $0xA  }
0x58: {  	_ =	swait.ge @p0 [sflag:s12], $0x4000  }
0x59: {  	[sflag:s12] =	ssyncset.done @p0 $0x0  }
0x5a: {  	s22 =	simm.s32 @p0 $0xCC00;
	[sflag:s12] =	ssyncadd.s32 @p0 $0xFFFFC000;
	s12 =	sadd.s32 @p0 $0x480, s20  }
0x5b: {  	[tilespmem:s22], [sflag:$0x4] =	stream.indirect.gather @p0 [hbm4b:s2+s18], $0x80, s12, s18, $0xb8;
	[tilespmem:$0x18C00] =	vst v63  }
0x5c: {  	s12 =	simm.s32 @p0 $0xB  }
0x5d: {  	_ =	swait.ge @p0 [sflag:s12], $0x4000  }
0x5e: {  	[sflag:s12] =	ssyncset.done @p0 $0x0  }
0x5f: {  	s22 =	simm.s32 @p0 $0x10C00;
	[sflag:s12] =	ssyncadd.s32 @p0 $0xFFFFC000;
	s12 =	sadd.s32 @p0 $0x500, s20  }
0x60: {  	[tilespmem:s22], [sflag:$0x5] =	stream.indirect.gather @p0 [hbm4b:s2+s18], $0x80, s12, s18, $0xb8;
	[tilespmem:$0x18C00] =	vst v63  }
0x61: {  	s12 =	simm.s32 @p0 $0xC  }
0x62: {  	_ =	swait.ge @p0 [sflag:s12], $0x4000  }
0x63: {  	[sflag:s12] =	ssyncset.done @p0 $0x0  }
0x64: {  	[sflag:s12] =	ssyncadd.s32 @p0 $0xFFFFC000;
	s12 =	sadd.s32 @p0 $0x580, s20;
	s20 =	simm.s32 @p0 $0x14C00  }
0x65: {  	[tilespmem:s20], [sflag:$0x6] =	stream.indirect.gather @p0 [hbm4b:s2+s18], $0x80, s12, s18, $0xb8;
	[tilespmem:$0x18C00] =	vst v63  }
0x66: {  	s12 =	simm.s32 @!p0 $0xA  }
0x67: {  	_ =	swait.ge @!p0 [sflag:s12], $0x4000  }
0x68: {  	[sflag:s12] =	ssyncset.done @!p0 $0x0  }
0x69: {  	[sflag:s12] =	ssyncadd.s32 @!p0 $0xFFFFC000;
	s12 =	simm.s32 @!p0 $0xB  }
0x6a: {  	_ =	swait.ge @!p0 [sflag:s12], $0x4000  }
.Ltmp3:
0x6b: {  	s4 =	sadd.s32 $0x1, s4;
	[sflag:s12] =	ssyncset.done @!p0 $0x0;
	(pc) =	sbr.rel .LBB2_2-.Ltmp3, $4  }
0x6c: {  	s6 =	sadd.s32 $0x3000, s6;
	[sflag:s12] =	ssyncadd.s32 @!p0 $0xFFFFC000;
	s12 =	simm.s32 @!p0 $0xC  }
0x6d: {  	s11 =	sadd.s32 $0x3000, s11;
	s10 =	sadd.s32 $0x3000, s10;
	_ =	swait.ge @!p0 [sflag:s12], $0x4000  }
0x6e: {  	s9 =	sadd.s32 $0x3000, s9;
	s8 =	sadd.s32 $0x3000, s8;
	[sflag:s12] =	ssyncset.done @!p0 $0x0  }
0x6f: {  	s7 =	sadd.s32 $0x3000, s7;
	s5 =	sadd.s32 $0xC00, s5;
	[sflag:s12] =	ssyncadd.s32 @!p0 $0xFFFFC000  }
.LBB2_5:
0x70: {  	_ =	sfence.sel $0x180000  }
0x71: {  	[bflag:$0x0] =	sbarrier.arrive $0xFFFF  }
0x72: {  	_ =	strace $0x90000047  }
0x73: {  	s0 =	stileid.u32;
	[bflag:$0x2] =	sbarrier.arrive $0xFFFF  }
0x74: {  	p0 =	sne.s32 s0, $0x0;
	s0 =	rddreg [dreg:$0x3]  }
0x75: {  	s0 =	sadd.s32 @!p0 $0x100000, s0  }
0x76: {  	[sflag:s0] =	ssyncadd.tile.s32 @!p0 $0x1;
	_ =	shalt  }
.Lfunc_end2:
_tile_overlayer_lowered:
.L_overlay_start_2:
0x77: {  	(tag) =	ssettag $0x2  }
0x78: {  	s0 =	rddreg [dreg:$0x0];
	s2 =	stileid.u32  }
0x79: {  	s1 =	rddreg [dreg:$0x1];
	p0 =	sne.s32 s2, $0x0  }
0x7a: {  	s3 =	rddreg [dreg:$0x2];
	[bflag:$0x3] =	sbarrier.arrive $0xFFFF;
	s2 =	simm.s32 @!p0 $0x1C0D  }
0x7b: {  	[timem:s3], [sflag:s2] =	dma.local @!p0 [hbm:s0], s1  }
0x7c: {  	s0 =	simm.s32 @!p0 $0xD  }
0x7d: {  	_ =	swait.ge @!p0 [sflag:s0], s1  }
0x7e: {  	s1 =	ssub.s32 @!p0 $0x0, s1;
	[sflag:s0] =	ssyncset.done @!p0 $0x0  }
0x7f: {  	[sflag:s0] =	ssyncadd.s32 @!p0 s1  }
0x80: {  	[bflag:$0x3] =	sbarrier.arrive $0xFFFF  }
0x81: {  	_ =	shalt  }

// kernel: kernel.14.cloned.1.call-start
scs
__scs_entry_jumppad:
0x0: {  	(pc) =	sbr.rel $0x88, $3  }
0x1: {  	(tag) =	ssettag $0x0;
	lr =	simm.s32 $0x1  }
0x2: {  	[smem:$0x3F9C] =	sst lr;
	_ =	strace $0xD0000000  }
0x3: {  	_ = 	snop  }
0x4: {  	_ = 	snop  }
0x5: {  	_ = 	snop  }
0x6: {  	_ = 	snop  }
0x7: {  	_ = 	snop  }
__scs_overlays_trampoline_lowered:
0x8: {  	[smem:$0x3FAB] =	sst s0  }
0x9: {  	[smem:$0x3FAC] =	sst s1  }
0xa: {  	[smem:$0x3FAD] =	sst s2  }
0xb: {  	[smem:$0x3FAE] =	sst s3  }
0xc: {  	[smem:$0x3FAF] =	sst s4  }
0xd: {  	[smem:$0x3FB0] =	sst s5  }
0xe: {  	[smem:$0x3FB1] =	sst s6  }
0xf: {  	[smem:$0x3FB2] =	sst s7  }
0x10: {  	[smem:$0x3FB3] =	sst s8  }
0x11: {  	[smem:$0x3FB4] =	sst s9;
	s0 =	simm.s32 @!p0 $0x0  }
0x12: {  	s1 =	sld [smem:$0x3F9A];
	s0 =	simm.s32 @p0 $0x1  }
0x13: {  	[smem:$0x3FB5] =	sst s0;
	s0 =	simm.s32 @!p1 $0x0  }
0x14: {  	s2 =	sld [smem:$0x3F99];
	s0 =	simm.s32 @p1 $0x1  }
0x15: {  	[smem:$0x3FB6] =	sst s0;
	s0 =	simm.s32 @!p2 $0x0  }
0x16: {  	s3 =	sld [smem:$0x3FDB];
	s0 =	simm.s32 @p2 $0x1  }
0x17: {  	s4 =	simm.s32 $0x1BF5;
	[smem:$0x3FB8] =	sst s0  }
0x18: {  	s0 =	sld [smem:$0x3F9B];
	_ =	swait.ge [sflag:s4], $0x0  }
0x19: {  	s7 =	sld [smem:$0x3F9C]  }
0x1a: {  	s8 =	sadd.s32 $0xFFFFE003, lr  }
0x1b: {  	s9 =	sadd.s32 $0xFFFFFEF7, lr;
	s5 =	simm.s32 $0xFFFFFFFF;
	p2 =	slt.u32 s8, $0xFFFFF086  }
0x1c: {  	p1 =	slt.u32 s9, $0xF7A;
	s5 =	simm.s32 @!p2 $0x0  }
0x1d: {  	s5 =	simm.s32 @p1 $0x1;
	p0 =	seq.s32 s7, s2  }
0x1e: {  	s7 =	smul.u32 @!p0 $0xF7A, s2;
	p2 =	seq.s32 @!p0 s5, $0x0  }
0x1f: {  	s9 =	smul.u32 $0xF7A, s1;
	s8 =	simm.s32 @!p0 $0x1BF5;
	p2 =	por !p2, p0  }
0x20: {  	[sflag:s8] =	ssyncset.s32 @!p0 $0xFFFFF086;
	s6 =	sadd.s32 @!p0 s3, s7;
	s7 =	simm.s32 @!p0 $0x108  }
0x21: {  	s3 =	sadd.s32 s3, s9;
	s6 =	sadd.s32 @!p0 $0x88, s6;
	s7 =	simm.s32 @p2 $0x1082  }
0x22: {  	[simem:s7], [sflag:s8] =	dma.local @!p0 [hbm:s6], $0xF7A  }
0x23: {  	s9 =	sor.u32 $0xD0000000, s2;
	s6 =	simm.s32 $0x108;
	_ =	swait.ge @!p0 [sflag:s8], $0x0  }
0x24: {  	s3 =	sadd.s32 $0x88, s3;
	s6 =	simm.s32 @!p1 $0x1082;
	[sflag:s4] =	ssyncset.s32 $0xFFFFF086  }
0x25: {  	[simem:s6], [sflag:s4] =	dma.local [hbm:s3], $0xF7A  }
0x26: {  	[smem:$0x3F9C] =	sst s1;
	(tag) =	ssettag s2;
	_ =	strace s9  }
0x27: {  	s1 =	sld [smem:$0x3FAC]  }
0x28: {  	s2 =	sld [smem:$0x3FAD]  }
0x29: {  	s4 =	sld [smem:$0x3FAF]  }
0x2a: {  	p0 =	seq.s32 s5, $0x0;
	s5 =	sld [smem:$0x3FB0]  }
0x2b: {  	s6 =	sld [smem:$0x3FB1]  }
0x2c: {  	s7 =	sld [smem:$0x3FB2]  }
0x2d: {  	s3 =	simm.s32 $0x108;
	s8 =	sld [smem:$0x3FB3]  }
0x2e: {  	s3 =	simm.s32 @!p0 $0x1082;
	s9 =	sld [smem:$0x3FB4]  }
0x2f: {  	lr =	sadd.s32 s0, s3;
	s0 =	sld [smem:$0x3FAB]  }
0x30: {  	s3 =	sld [smem:$0x3FAE]  }
0x31: {  	[smem:$0x3FB7] =	sst s10  }
0x32: {  	s10 =	sld [smem:$0x3FB5];
	_ =	sdelay $0x3  }
0x33: {  	p0 =	seq.s32 s10, $0x1;
	s10 =	sld [smem:$0x3FB7];
	_ =	sdelay $0x3  }
0x34: {  	[smem:$0x3FB7] =	sst s10  }
0x35: {  	s10 =	sld [smem:$0x3FB6];
	_ =	sdelay $0x3  }
0x36: {  	p1 =	seq.s32 s10, $0x1;
	s10 =	sld [smem:$0x3FB7];
	_ =	sdelay $0x3  }
0x37: {  	[smem:$0x3FB7] =	sst s10  }
0x38: {  	s10 =	sld [smem:$0x3FB8]  }
0x39: {  	_ = 	snop;
	(pc) =	sbr.ind lr, $3  }
0x3a: {  	_ = 	snop  }
0x3b: {  	_ = 	snop  }
0x3c: {  	p2 =	seq.s32 s10, $0x1;
	s10 =	sld [smem:$0x3FB7]  }
0x3d: {  	_ =	shalt  }
0x3e: {  	_ =	shalt  }
0x3f: {  	_ =	shalt  }
0x40: {  	_ =	shalt  }
0x41: {  	_ =	shalt  }
0x42: {  	_ =	shalt  }
0x43: {  	_ =	shalt  }
0x44: {  	_ =	shalt  }
0x45: {  	_ =	shalt  }
0x46: {  	_ =	shalt  }
0x47: {  	_ =	shalt  }
0x48: {  	_ =	shalt  }
0x49: {  	_ =	shalt  }
0x4a: {  	_ =	shalt  }
0x4b: {  	_ =	shalt  }
0x4c: {  	_ =	shalt  }
0x4d: {  	_ =	shalt  }
0x4e: {  	_ =	shalt  }
0x4f: {  	_ =	shalt  }
0x50: {  	_ =	shalt  }
0x51: {  	_ =	shalt  }
0x52: {  	_ =	shalt  }
0x53: {  	_ =	shalt  }
0x54: {  	_ =	shalt  }
0x55: {  	_ =	shalt  }
0x56: {  	_ =	shalt  }
0x57: {  	_ =	shalt  }
0x58: {  	_ =	shalt  }
0x59: {  	_ =	shalt  }
0x5a: {  	_ =	shalt  }
0x5b: {  	_ =	shalt  }
0x5c: {  	_ =	shalt  }
0x5d: {  	_ =	shalt  }
0x5e: {  	_ =	shalt  }
0x5f: {  	_ =	shalt  }
0x60: {  	_ =	shalt  }
0x61: {  	_ =	shalt  }
0x62: {  	_ =	shalt  }
0x63: {  	_ =	shalt  }
0x64: {  	_ =	shalt  }
0x65: {  	_ =	shalt  }
0x66: {  	_ =	shalt  }
0x67: {  	_ =	shalt  }
0x68: {  	_ =	shalt  }
0x69: {  	_ =	shalt  }
0x6a: {  	_ =	shalt  }
0x6b: {  	_ =	shalt  }
0x6c: {  	_ =	shalt  }
0x6d: {  	_ =	shalt  }
0x6e: {  	_ =	shalt  }
0x6f: {  	_ =	shalt  }
0x70: {  	_ =	shalt  }
0x71: {  	_ =	shalt  }
0x72: {  	_ =	shalt  }
0x73: {  	_ =	shalt  }
0x74: {  	_ =	shalt  }
0x75: {  	_ =	shalt  }
0x76: {  	_ =	shalt  }
0x77: {  	_ =	shalt  }
0x78: {  	_ =	shalt  }
0x79: {  	_ =	shalt  }
0x7a: {  	_ =	shalt  }
0x7b: {  	_ =	shalt  }
0x7c: {  	_ =	shalt  }
0x7d: {  	_ =	shalt  }
0x7e: {  	_ =	shalt  }
0x7f: {  	_ =	shalt  }
0x80: {  	_ =	shalt  }
0x81: {  	_ =	shalt  }
0x82: {  	_ =	shalt  }
0x83: {  	_ =	shalt  }
0x84: {  	_ =	shalt  }
0x85: {  	_ =	shalt  }
0x86: {  	_ =	shalt  }
0x87: {  	_ =	shalt  }
.Lfunc_end0:
.L_simem_size_0:
called_computation.1_lowered:
.L_overlay_start_0:
0x88: {  	s2 =	sld [smem:$0x3FD9]  }
0x89: {  	s3 =	sld [smem:$0x3FFE];
	_ =	sdelay $0x1  }
0x8a: {  	s1 =	srdreg.scid  }
0x8b: {  	s0 =	sand.u32 $0x1, s1  }
0x8c: {  	s17 =	sshll.u32 s0, $0xA;
	s2 =	sadd.s32 s3, s2  }
0x8d: {  	s2 =	sadd.s32 s2, s17  }
0x8e: {  	[smem:$0x3FC3] =	sst s2  }
0x8f: {  	_ = 	snop  }
0x90: {  	s18 =	sld [smem:$0x3FC9];
	(tm) =	ssettm $0x1  }
0x91: {  	s19 =	sld [smem:$0x3FFB];
	_ =	sdelay $0x3  }
0x92: {  	_ =	strace s19  }
0x93: {  	s2 =	sld [smem:$0x3FFC];
	_ =	sdelay $0x3  }
0x94: {  	_ =	strace s2  }
0x95: {  	s2 =	sld [smem:$0x3FFD];
	_ =	sdelay $0x3  }
0x96: {  	_ =	strace s2  }
0x97: {  	_ =	strace $0x8FFFFFFF  }
0x98: {  	s20 =	sld [smem:$0x3FDB];
	_ =	sdelay $0x1  }
0x99: {  	s4 =	simm.s32 $_scs_section_size  }
0x9a: {  	s5 =	simm.s32 $_size__tile_overlayer_lowered;
	s6 =	simm.s32 $_tile_overlayer_lowered  }
0x9b: {  	s7 =	simm.s32 $0x1BFF;
	s21 =	sshll.u32 s6, $0x1;
	s4 =	sadd.s32 s4, s20  }
0x9c: {  	s22 =	simm.s32 $0x0;
	s5 =	sshll.u32 s5, $0x1;
	s6 =	sadd.s32 s21, s4  }
0x9d: {  	[timem:s22], [sflag:s7] =	dma.local [hbm:s6], s5  }
0x9e: {  	_ =	swait.ge [sflag:s7], s5  }
0x9f: {  	s5 =	ssub.s32 $0x0, s5;
	[sflag:s7] =	ssyncset.done $0x0  }
0xa0: {  	[sflag:s7] =	ssyncadd.s32 s5;
	_ =	sdelay $0x1  }
0xa1: {  	s23 =	simm.s32 $0x1B8B  }
0xa2: {  	_ =	swait.ge [sflag:s23], $0x1  }
0xa3: {  	[sflag:s23] =	ssyncset.done $0x0  }
0xa4: {  	[sflag:s23] =	ssyncadd.s32 $0xFFFFFFFF  }
0xa5: {  	s5 =	sld [smem:$0x0]  }
0xa6: {  	s6 =	sand.u32 $0xFFFFFFFE, s1  }
0xa7: {  	p0 =	sne.s32 s1, s6  }
0xa8: {  	s6 =	sshll.u32 @p0 s6, $0xE  }
0xa9: {  	s6 =	sadd.s32 @p0 $0x11B8D, s6;
	s7 =	sshll.u32 @p0 s5, $0x11  }
0xaa: {  	s6 =	sor.u32 @p0 s7, s6  }
0xab: {  	[sflag:s6] =	ssyncadd.remote.s32 @p0 $0x1;
	_ =	sdelay $0x1  }
0xac: {  	s6 =	simm.s32 @p0 $0x1B8D  }
0xad: {  	_ =	swait.eq @p0 [sflag:s6], $0x1  }
0xae: {  	[sflag:s6] =	ssyncadd.s32 @p0 $0xFFFFFFFF  }
0xaf: {  	s7 =	sshll.u32 @!p0 s1, $0xE  }
0xb0: {  	s7 =	sor.u32 @!p0 $0x4000, s7;
	s6 =	simm.s32 @!p0 $0x1B8D  }
0xb1: {  	s5 =	sshll.u32 @!p0 s5, $0x11;
	s7 =	sadd.s32 @!p0 $0x11B8D, s7;
	_ =	swait.eq @!p0 [sflag:s6], $0x1  }
0xb2: {  	s5 =	sor.u32 @!p0 s5, s7;
	[sflag:s6] =	ssyncadd.s32 @!p0 $0xFFFFFFFF  }
0xb3: {  	s25 =	simm.s32 $0x1B8E;
	s24 =	sld [smem:$0x3FFE];
	[sflag:s5] =	ssyncadd.remote.s32 @!p0 $0x1  }
0xb4: {  	s26 =	simm.s32 $execute0_lowered;
	[smem:$0x3FD2] =	sst s25  }
0xb5: {  	s6 =	sshll.u32 s26, $0x1;
	_ =	strace $0x80000049;
	[dreg:$0x1] =	wrdreg $0xFFFFFFFF  }
0xb6: {  	s28 =	simm.s32 $_size_execute0_lowered;
	s4 =	sadd.s32 s4, s6;
	[dreg:$0x0] =	wrdreg $0x0  }
0xb7: {  	s6 =	sshll.u32 s28, $0x1;
	[dreg:$0x2] =	wrdreg s4  }
0xb8: {  	[dreg:$0x3] =	wrdreg s6  }
0xb9: {  	[dreg:$0x4] =	wrdreg $0xC0  }
0xba: {  	_ =	task [dreg:s22], $0x5FFFF  }
0xbb: {  	[dreg:$0x1] =	wrdreg $0xFFFFFFFF  }
0xbc: {  	[dreg:$0x0] =	wrdreg $0x60  }
0xbd: {  	[dreg:$0x2] =	wrdreg s24  }
0xbe: {  	[dreg:$0x3] =	wrdreg s18  }
0xbf: {  	[dreg:$0x4] =	wrdreg $0xA  }
0xc0: {  	_ =	task.clear_ibuf [dreg:s22], $0x5FFFF;
	_ =	strace $0x90000049  }
0xc1: {  	s29 =	simm.s32 $0xA;
	_ =	strace $0x8000004B  }
0xc2: {  	_ =	swait.ge [sflag:s29], $0x1  }
0xc3: {  	[sflag:s29] =	ssyncadd.s32 $0xFFFFFFFF  }
0xc4: {  	_ =	strace $0x9000004B  }
0xc5: {  	_ =	sfence  }
0xc6: {  	s30 =	sld [smem:$0x0];
	_ =	sdelay $0x2  }
0xc7: {  	s31 =	sshll.u32 s1, $0xD;
	s1 =	sshrl.u32 s1, $0x2  }
0xc8: {  	s4 =	sand.u32 $0x4000, s31;
	s1 =	sadd.s32 s1, s30  }
0xc9: {  	s0 =	sor.u32 s4, s0;
	s1 =	sshll.u32 s1, $0x11  }
0xca: {  	s0 =	sor.u32 s1, s0  }
0xcb: {  	s0 =	sadd.s32 $0x8F2B, s0  }
0xcc: {  	[sflag:s0] =	ssyncadd.remote.s32 $0x1  }
0xcd: {  	_ =	sfence.sel $0xFFFF  }
0xce: {  	[dreg:$0x0] =	wrdreg $0xFFFFFFFF;
	(pc) =	sbr.abs _section_cstart, $3  }
0xcf: {  	[dreg:$0x1] =	wrdreg $0xFFFFFFFF  }
0xd0: {  	_ =	task.clear_ibuf [dreg:s22], $0x2FFFF;
	_ =	strace $0x9FFFFFFF  }
0xd1: {  	(tm) =	ssettm $0x7FFFFFFF  }
tec
execute0_lowered:
.L_overlay_start_1:
0x0: {  	(tag) =	ssettag $0x1  }
0x1: {  	s0 =	rddreg [dreg:$0x0];
	s1 =	srdreg.scid  }
0x2: {  	s9 =	stileid.u32;
	s2 =	rddreg [dreg:$0x1];
	s3 =	simm.s32 $0x0  }
0x3: {  	s13 =	simm.s32 $0x80;
	s14 =	simm.s32 $0x1400;
	s15 =	simm.s32 $0x5400  }
0x4: {  	s17 =	simm.s32 $0x9400;
	s28 =	simm.s32 $0x4;
	s29 =	simm.s32 $0x7  }
0x5: {  	s30 =	simm.s32 $0x8;
	s31 =	simm.s32 $0x9;
	s6 =	smul.u32 $0x140000, s9  }
0x6: {  	s1 =	sand.u32 $0x1, s1;
	s4 =	sshll.u32 s9, $0x1;
	s19 =	smul.u32 $0x28000, s9  }
0x7: {  	s16 =	simm.s32 $0x6;
	s4 =	sor.u32 s1, s4;
	s8 =	smul.u32 $0xA0000, s1  }
0x8: {  	[smem:$0x7FF] =	sst s3;
	s5 =	ssub.s32 $0x2, s1;
	s4 =	smul.u32 $0x1400, s4  }
0x9: {  	_ =	strace $0x8000004A;
	s1 =	smul.u32 $0x14000, s1;
	s7 =	sshrl.u32 s5, $0x1  }
0xa: {  	s5 =	ssub.s32 s5, s7;
	s20 =	sadd.s32 s8, s6;
	s4 =	sshrl.u32 s4, $0x3  }
0xb: {  	s18 =	smax.u32 s5, $0x1;
	s6 =	sor.u32 $0x14000, s20;
	s21 =	sor.u32 $0x10000, s20  }
0xc: {  	s24 =	sor.u32 $0xC000, s20;
	s25 =	sor.u32 $0x8000, s20;
	s5 =	sor.u32 $0x4000, s20  }
0xd: {  	s4 =	sadd.s32 s4, s0;
	s0 =	sadd.s32 $0x1E000, s0;
	[dreg:$0x4] =	wrdreg s18  }
0xe: {  	s6 =	sshrl.u32 s6, $0x3;
	s7 =	sshrl.u32 s21, $0x3;
	s4 =	sadd.s32 $0x19000, s4  }
0xf: {  	s5 =	sshrl.u32 s5, $0x3;
	s22 =	sadd.s32 s6, s0;
	[dreg:$0x3] =	wrdreg s4  }
0x10: {  	s18 =	simm.s32 $0xB;
	s23 =	sadd.s32 s7, s0;
	[dreg:$0x6] =	wrdreg s22  }
0x11: {  	s4 =	sadd.s32 s19, s0;
	[dreg:$0x7] =	wrdreg s23;
	s19 =	simm.s32 $0xD400  }
0x12: {  	s23 =	simm.s32 $0x15400;
	s1 =	sadd.s32 s1, s4;
	s4 =	sshrl.u32 s25, $0x3  }
.Ltmp0:
0x13: {  	s25 =	simm.s32 $0x2;
	[dreg:$0x5] =	wrdreg s1;
	(pc) =	sbr.rel .LBB2_1-.Ltmp0, $4  }
0x14: {  	s1 =	sshrl.u32 s24, $0x3;
	s26 =	sadd.s32 s4, s0;
	s24 =	simm.s32 $0x1  }
0x15: {  	s1 =	sadd.s32 s1, s0;
	[dreg:$0x9] =	wrdreg s26;
	s0 =	sadd.s32 s5, s0  }
0x16: {  	s26 =	simm.s32 $0x3;
	s5 =	simm.s32 $0x0;
	[dreg:$0x8] =	wrdreg s1  }
0x17: {  	[dreg:$0xa] =	wrdreg s0;
	s1 =	simm.s32 $0xA;
	s0 =	simm.s32 $0x5  }
.LBB2_6:
0x18: {  	_ =	swait.ge [sflag:s29], $0x4000  }
0x19: {  	[sflag:s29] =	ssyncset.done $0x0  }
0x1a: {  	[sflag:s29] =	ssyncadd.s32 $0xFFFFC000  }
0x1b: {  	_ =	swait.ge [sflag:s30], $0x4000  }
0x1c: {  	[sflag:s30] =	ssyncset.done $0x0  }
0x1d: {  	[sflag:s30] =	ssyncadd.s32 $0xFFFFC000  }
0x1e: {  	_ =	swait.ge [sflag:s31], $0x4000  }
0x1f: {  	[sflag:s31] =	ssyncset.done $0x0  }
0x20: {  	[sflag:s31] =	ssyncadd.s32 $0xFFFFC000  }
0x21: {  	_ =	swait.ge [sflag:s1], $0x4000  }
0x22: {  	[sflag:s1] =	ssyncset.done $0x0  }
0x23: {  	[sflag:s1] =	ssyncadd.s32 $0xFFFFC000  }
.LBB2_4:
0x24: {  	s5 =	rddreg [dreg:$0xb]  }
0x25: {  	s4 =	rddreg [dreg:$0x4];
	s5 =	sadd.s32 $0x1, s5  }
0x26: {  	p0 =	sne.s32 s5, s4  }
.Ltmp1:
0x27: {  	_ = 	snop;
	(pc) =	sbr.rel @!p0 .LBB2_5-.Ltmp1, $1  }
0x28: {  	_ =	sdelay $0x3  }
.LBB2_1:
0x29: {  	[dreg:$0xb] =	wrdreg s5  }
0x2a: {  	s4 =	rddreg [dreg:$0x3];
	s10 =	simm.s32 $0xD  }
0x2b: {  	[tilespmem:s3], [sflag:$0xD] =	stream.linear.gather [hbm4b:s4+s3], $0x1400, $0x38;
	[tilespmem:$0x19400] =	vst v63  }
0x2c: {  	_ =	swait.ge [sflag:s10], $0x1400  }
0x2d: {  	[sflag:s10] =	ssyncset.done $0x0  }
0x2e: {  	s9 =	rddreg [dreg:$0x8];
	[sflag:s10] =	ssyncadd.s32 $0xFFFFEC00  }
0x2f: {  	[tilespmem:s14], [sflag:$0x1] =	stream.indirect.gather [hbm4b:s2+s13], $0x80, s3, s13, $0xb8;
	[tilespmem:$0x19400] =	vst v63  }
0x30: {  	s8 =	rddreg [dreg:$0x7]  }
0x31: {  	[tilespmem:s15], [sflag:$0x2] =	stream.indirect.gather [hbm4b:s2+s13], $0x80, s13, s13, $0xb8;
	[tilespmem:$0x19400] =	vst v63  }
0x32: {  	s11 =	simm.s32 $0x100;
	s7 =	rddreg [dreg:$0x6]  }
0x33: {  	[tilespmem:s17], [sflag:$0x3] =	stream.indirect.gather [hbm4b:s2+s13], $0x80, s11, s13, $0xb8;
	[tilespmem:$0x19400] =	vst v63  }
0x34: {  	s12 =	simm.s32 $0x180;
	s20 =	simm.s32 $0x200;
	s6 =	rddreg [dreg:$0x5]  }
0x35: {  	[tilespmem:s19], [sflag:$0x4] =	stream.indirect.gather [hbm4b:s2+s13], $0x80, s12, s13, $0xb8;
	[tilespmem:$0x19400] =	vst v63  }
0x36: {  	s21 =	simm.s32 $0x11400;
	s22 =	simm.s32 $0x280;
	s10 =	rddreg [dreg:$0x9]  }
0x37: {  	[tilespmem:s21], [sflag:$0x5] =	stream.indirect.gather [hbm4b:s2+s13], $0x80, s20, s13, $0xb8;
	[tilespmem:$0x19400] =	vst v63  }
0x38: {  	s5 =	simm.s32 $0x0;
	s4 =	simm.s32 $0x0;
	s11 =	rddreg [dreg:$0xa]  }
0x39: {  	[tilespmem:s23], [sflag:$0x6] =	stream.indirect.gather [hbm4b:s2+s13], $0x80, s22, s13, $0xb8;
	[tilespmem:$0x19400] =	vst v63  }
.LBB2_2:
0x3a: {  	_ =	swait.ge [sflag:s24], $0x4000  }
0x3b: {  	[sflag:s24] =	ssyncset.done $0x0  }
0x3c: {  	[sflag:s24] =	ssyncadd.s32 $0xFFFFC000  }
0x3d: {  	[hbm4b:s6+s3] =	stream.linear.scatter [tilespmem:s14], [sflag:$0x7], $0x4000, $0x38;
	[tilespmem:$0x19400] =	vst v63  }
0x3e: {  	_ =	swait.ge [sflag:s25], $0x4000  }
0x3f: {  	[sflag:s25] =	ssyncset.done $0x0  }
0x40: {  	[sflag:s25] =	ssyncadd.s32 $0xFFFFC000  }
0x41: {  	[hbm4b:s11+s3] =	stream.linear.scatter [tilespmem:s15], [sflag:$0x8], $0x4000, $0x38;
	[tilespmem:$0x19400] =	vst v63  }
0x42: {  	_ =	swait.ge [sflag:s26], $0x4000  }
0x43: {  	[sflag:s26] =	ssyncset.done $0x0  }
0x44: {  	p0 =	seq.s32 s5, $0x4800;
	[sflag:s26] =	ssyncadd.s32 $0xFFFFC000  }
0x45: {  	[hbm4b:s10+s3] =	stream.linear.scatter [tilespmem:s17], [sflag:$0x9], $0x4000, $0x38;
	[tilespmem:$0x19400] =	vst v63  }
.Ltmp2:
0x46: {  	_ = 	snop;
	(pc) =	sbr.rel @p0 .LBB2_6-.Ltmp2, $4  }
0x47: {  	_ =	swait.ge [sflag:s28], $0x4000  }
0x48: {  	[sflag:s28] =	ssyncset.done $0x0  }
0x49: {  	[sflag:s28] =	ssyncadd.s32 $0xFFFFC000  }
0x4a: {  	[hbm4b:s9+s3] =	stream.linear.scatter [tilespmem:s19], [sflag:$0xA], $0x4000, $0x38;
	[tilespmem:$0x19400] =	vst v63  }
0x4b: {  	_ =	swait.ge [sflag:s0], $0x4000  }
0x4c: {  	[sflag:s0] =	ssyncset.done $0x0  }
0x4d: {  	s12 =	simm.s32 $0x11400;
	[sflag:s0] =	ssyncadd.s32 $0xFFFFC000  }
0x4e: {  	[hbm4b:s8+s3] =	stream.linear.scatter [tilespmem:s12], [sflag:$0xB], $0x4000, $0x38;
	[tilespmem:$0x19400] =	vst v63  }
0x4f: {  	_ =	swait.ge [sflag:s16], $0x4000  }
0x50: {  	[sflag:s16] =	ssyncset.done $0x0  }
0x51: {  	[sflag:s16] =	ssyncadd.s32 $0xFFFFC000  }
0x52: {  	[hbm4b:s7+s3] =	stream.linear.scatter [tilespmem:s23], [sflag:$0xC], $0x4000, $0x38;
	[tilespmem:$0x19400] =	vst v63  }
0x53: {  	_ =	swait.ge [sflag:s29], $0x4000  }
0x54: {  	s22 =	sshra.s32 s5, $0x2;
	[sflag:s29] =	ssyncset.done $0x0  }
0x55: {  	s21 =	sadd.s32 $0x300, s22;
	[sflag:s29] =	ssyncadd.s32 $0xFFFFC000  }
0x56: {  	[tilespmem:s14], [sflag:$0x1] =	stream.indirect.gather [hbm4b:s2+s13], $0x80, s21, s13, $0xb8;
	[tilespmem:$0x19400] =	vst v63  }
0x57: {  	_ =	swait.ge [sflag:s30], $0x4000  }
0x58: {  	[sflag:s30] =	ssyncset.done $0x0  }
0x59: {  	s20 =	sadd.s32 $0x380, s22;
	[sflag:s30] =	ssyncadd.s32 $0xFFFFC000  }
0x5a: {  	[tilespmem:s15], [sflag:$0x2] =	stream.indirect.gather [hbm4b:s2+s13], $0x80, s20, s13, $0xb8;
	[tilespmem:$0x19400] =	vst v63  }
0x5b: {  	_ =	swait.ge [sflag:s31], $0x4000  }
0x5c: {  	[sflag:s31] =	ssyncset.done $0x0  }
0x5d: {  	s21 =	sadd.s32 $0x400, s22;
	[sflag:s31] =	ssyncadd.s32 $0xFFFFC000  }
0x5e: {  	[tilespmem:s17], [sflag:$0x3] =	stream.indirect.gather [hbm4b:s2+s13], $0x80, s21, s13, $0xb8;
	[tilespmem:$0x19400] =	vst v63  }
0x5f: {  	_ =	swait.ge [sflag:s1], $0x4000  }
0x60: {  	[sflag:s1] =	ssyncset.done $0x0  }
0x61: {  	s22 =	sadd.s32 $0x480, s22;
	[sflag:s1] =	ssyncadd.s32 $0xFFFFC000  }
0x62: {  	[tilespmem:s19], [sflag:$0x4] =	stream.indirect.gather [hbm4b:s2+s13], $0x80, s22, s13, $0xb8;
	[tilespmem:$0x19400] =	vst v63  }
0x63: {  	p0 =	slt.u32 s4, $0x5;
	_ =	swait.ge [sflag:s18], $0x4000  }
0x64: {  	s12 =	sshra.s32 @p0 s5, $0x2;
	s20 =	simm.s32 @p0 $0x80;
	[sflag:s18] =	ssyncset.done $0x0  }
0x65: {  	s21 =	simm.s32 @p0 $0x11400;
	s22 =	sadd.s32 @p0 $0x500, s12;
	[sflag:s18] =	ssyncadd.s32 $0xFFFFC000  }
0x66: {  	[tilespmem:s21], [sflag:$0x5] =	stream.indirect.gather @p0 [hbm4b:s2+s20], $0x80, s22, s20, $0xb8;
	[tilespmem:$0x19400] =	vst v63  }
0x67: {  	s21 =	simm.s32 @p0 $0xC  }
0x68: {  	_ =	swait.ge @p0 [sflag:s21], $0x4000  }
0x69: {  	[sflag:s21] =	ssyncset.done @p0 $0x0  }
0x6a: {  	s12 =	sadd.s32 @p0 $0x580, s12;
	[sflag:s21] =	ssyncadd.s32 @p0 $0xFFFFC000;
	s21 =	simm.s32 @p0 $0x15400  }
0x6b: {  	[tilespmem:s21], [sflag:$0x6] =	stream.indirect.gather @p0 [hbm4b:s2+s20], $0x80, s12, s20, $0xb8;
	[tilespmem:$0x19400] =	vst v63  }
0x6c: {  	s12 =	simm.s32 @!p0 $0xC  }
0x6d: {  	_ =	swait.ge @!p0 [sflag:s12], $0x4000  }
0x6e: {  	s5 =	sadd.s32 $0xC00, s5;
	[sflag:s12] =	ssyncset.done @!p0 $0x0  }
0x6f: {  	[sflag:s12] =	ssyncadd.s32 @!p0 $0xFFFFC000;
	p0 =	sne.s32 s5, $0x5400  }
.Ltmp3:
0x70: {  	_ = 	snop;
	(pc) =	sbr.rel @p0 .LBB2_2-.Ltmp3, $4  }
.Ltmp4:
0x71: {  	_ = 	snop;
	(pc) =	sbr.rel @!p0 .LBB2_4-.Ltmp4, $4  }
0x72: {  	s4 =	sadd.s32 $0x1, s4  }
0x73: {  	s6 =	sadd.s32 $0x3000, s6;
	s9 =	sadd.s32 $0x3000, s9;
	s10 =	sadd.s32 $0x3000, s10  }
0x74: {  	s11 =	sadd.s32 $0x3000, s11;
	s8 =	sadd.s32 $0x3000, s8;
	s7 =	sadd.s32 $0x3000, s7  }
0x75: {  	_ = 	snop  }
.LBB2_5:
0x76: {  	_ =	sfence.sel $0x180000  }
0x77: {  	[bflag:$0x0] =	sbarrier.arrive $0xFFFF  }
0x78: {  	_ =	strace $0x9000004A  }
0x79: {  	s0 =	stileid.u32;
	[bflag:$0x2] =	sbarrier.arrive $0xFFFF  }
0x7a: {  	p0 =	sne.s32 s0, $0x0;
	s0 =	rddreg [dreg:$0x2]  }
0x7b: {  	s0 =	sadd.s32 @!p0 $0x100000, s0  }
0x7c: {  	[sflag:s0] =	ssyncadd.tile.s32 @!p0 $0x1;
	_ =	shalt  }
.Lfunc_end2:
_tile_overlayer_lowered:
.L_overlay_start_2:
0x7d: {  	(tag) =	ssettag $0x2  }
0x7e: {  	s0 =	rddreg [dreg:$0x0];
	s2 =	stileid.u32  }
0x7f: {  	s1 =	rddreg [dreg:$0x1];
	p0 =	sne.s32 s2, $0x0  }
0x80: {  	s3 =	rddreg [dreg:$0x2];
	[bflag:$0x3] =	sbarrier.arrive $0xFFFF;
	s2 =	simm.s32 @!p0 $0x1C0D  }
0x81: {  	[timem:s3], [sflag:s2] =	dma.local @!p0 [hbm:s0], s1  }
0x82: {  	s0 =	simm.s32 @!p0 $0xD  }
0x83: {  	_ =	swait.ge @!p0 [sflag:s0], s1  }
0x84: {  	s1 =	ssub.s32 @!p0 $0x0, s1;
	[sflag:s0] =	ssyncset.done @!p0 $0x0  }
0x85: {  	[sflag:s0] =	ssyncadd.s32 @!p0 s1  }
0x86: {  	[bflag:$0x3] =	sbarrier.arrive $0xFFFF  }
0x87: {  	_ =	shalt  }

// kernel: kernel.17.cloned.1.call-start
scs
__scs_entry_jumppad:
0x0: {  	(pc) =	sbr.rel $0x88, $3  }
0x1: {  	(tag) =	ssettag $0x0;
	lr =	simm.s32 $0x1  }
0x2: {  	[smem:$0x3F9C] =	sst lr;
	_ =	strace $0xD0000000  }
0x3: {  	_ = 	snop  }
0x4: {  	_ = 	snop  }
0x5: {  	_ = 	snop  }
0x6: {  	_ = 	snop  }
0x7: {  	_ = 	snop  }
__scs_overlays_trampoline_lowered:
0x8: {  	[smem:$0x3FAB] =	sst s0  }
0x9: {  	[smem:$0x3FAC] =	sst s1  }
0xa: {  	[smem:$0x3FAD] =	sst s2  }
0xb: {  	[smem:$0x3FAE] =	sst s3  }
0xc: {  	[smem:$0x3FAF] =	sst s4  }
0xd: {  	[smem:$0x3FB0] =	sst s5  }
0xe: {  	[smem:$0x3FB1] =	sst s6  }
0xf: {  	[smem:$0x3FB2] =	sst s7  }
0x10: {  	[smem:$0x3FB3] =	sst s8  }
0x11: {  	[smem:$0x3FB4] =	sst s9;
	s0 =	simm.s32 @!p0 $0x0  }
0x12: {  	s1 =	sld [smem:$0x3F9A];
	s0 =	simm.s32 @p0 $0x1  }
0x13: {  	[smem:$0x3FB5] =	sst s0;
	s0 =	simm.s32 @!p1 $0x0  }
0x14: {  	s2 =	sld [smem:$0x3F99];
	s0 =	simm.s32 @p1 $0x1  }
0x15: {  	[smem:$0x3FB6] =	sst s0;
	s0 =	simm.s32 @!p2 $0x0  }
0x16: {  	s3 =	sld [smem:$0x3FDB];
	s0 =	simm.s32 @p2 $0x1  }
0x17: {  	s4 =	simm.s32 $0x1BF5;
	[smem:$0x3FB8] =	sst s0  }
0x18: {  	s0 =	sld [smem:$0x3F9B];
	_ =	swait.ge [sflag:s4], $0x0  }
0x19: {  	s7 =	sld [smem:$0x3F9C]  }
0x1a: {  	s8 =	sadd.s32 $0xFFFFE003, lr  }
0x1b: {  	s9 =	sadd.s32 $0xFFFFFEF7, lr;
	s5 =	simm.s32 $0xFFFFFFFF;
	p2 =	slt.u32 s8, $0xFFFFF086  }
0x1c: {  	p1 =	slt.u32 s9, $0xF7A;
	s5 =	simm.s32 @!p2 $0x0  }
0x1d: {  	s5 =	simm.s32 @p1 $0x1;
	p0 =	seq.s32 s7, s2  }
0x1e: {  	s7 =	smul.u32 @!p0 $0xF7A, s2;
	p2 =	seq.s32 @!p0 s5, $0x0  }
0x1f: {  	s9 =	smul.u32 $0xF7A, s1;
	s8 =	simm.s32 @!p0 $0x1BF5;
	p2 =	por !p2, p0  }
0x20: {  	[sflag:s8] =	ssyncset.s32 @!p0 $0xFFFFF086;
	s6 =	sadd.s32 @!p0 s3, s7;
	s7 =	simm.s32 @!p0 $0x108  }
0x21: {  	s3 =	sadd.s32 s3, s9;
	s6 =	sadd.s32 @!p0 $0x88, s6;
	s7 =	simm.s32 @p2 $0x1082  }
0x22: {  	[simem:s7], [sflag:s8] =	dma.local @!p0 [hbm:s6], $0xF7A  }
0x23: {  	s9 =	sor.u32 $0xD0000000, s2;
	s6 =	simm.s32 $0x108;
	_ =	swait.ge @!p0 [sflag:s8], $0x0  }
0x24: {  	s3 =	sadd.s32 $0x88, s3;
	s6 =	simm.s32 @!p1 $0x1082;
	[sflag:s4] =	ssyncset.s32 $0xFFFFF086  }
0x25: {  	[simem:s6], [sflag:s4] =	dma.local [hbm:s3], $0xF7A  }
0x26: {  	[smem:$0x3F9C] =	sst s1;
	(tag) =	ssettag s2;
	_ =	strace s9  }
0x27: {  	s1 =	sld [smem:$0x3FAC]  }
0x28: {  	s2 =	sld [smem:$0x3FAD]  }
0x29: {  	s4 =	sld [smem:$0x3FAF]  }
0x2a: {  	p0 =	seq.s32 s5, $0x0;
	s5 =	sld [smem:$0x3FB0]  }
0x2b: {  	s6 =	sld [smem:$0x3FB1]  }
0x2c: {  	s7 =	sld [smem:$0x3FB2]  }
0x2d: {  	s3 =	simm.s32 $0x108;
	s8 =	sld [smem:$0x3FB3]  }
0x2e: {  	s3 =	simm.s32 @!p0 $0x1082;
	s9 =	sld [smem:$0x3FB4]  }
0x2f: {  	lr =	sadd.s32 s0, s3;
	s0 =	sld [smem:$0x3FAB]  }
0x30: {  	s3 =	sld [smem:$0x3FAE]  }
0x31: {  	[smem:$0x3FB7] =	sst s10  }
0x32: {  	s10 =	sld [smem:$0x3FB5];
	_ =	sdelay $0x3  }
0x33: {  	p0 =	seq.s32 s10, $0x1;
	s10 =	sld [smem:$0x3FB7];
	_ =	sdelay $0x3  }
0x34: {  	[smem:$0x3FB7] =	sst s10  }
0x35: {  	s10 =	sld [smem:$0x3FB6];
	_ =	sdelay $0x3  }
0x36: {  	p1 =	seq.s32 s10, $0x1;
	s10 =	sld [smem:$0x3FB7];
	_ =	sdelay $0x3  }
0x37: {  	[smem:$0x3FB7] =	sst s10  }
0x38: {  	s10 =	sld [smem:$0x3FB8]  }
0x39: {  	_ = 	snop;
	(pc) =	sbr.ind lr, $3  }
0x3a: {  	_ = 	snop  }
0x3b: {  	_ = 	snop  }
0x3c: {  	p2 =	seq.s32 s10, $0x1;
	s10 =	sld [smem:$0x3FB7]  }
0x3d: {  	_ =	shalt  }
0x3e: {  	_ =	shalt  }
0x3f: {  	_ =	shalt  }
0x40: {  	_ =	shalt  }
0x41: {  	_ =	shalt  }
0x42: {  	_ =	shalt  }
0x43: {  	_ =	shalt  }
0x44: {  	_ =	shalt  }
0x45: {  	_ =	shalt  }
0x46: {  	_ =	shalt  }
0x47: {  	_ =	shalt  }
0x48: {  	_ =	shalt  }
0x49: {  	_ =	shalt  }
0x4a: {  	_ =	shalt  }
0x4b: {  	_ =	shalt  }
0x4c: {  	_ =	shalt  }
0x4d: {  	_ =	shalt  }
0x4e: {  	_ =	shalt  }
0x4f: {  	_ =	shalt  }
0x50: {  	_ =	shalt  }
0x51: {  	_ =	shalt  }
0x52: {  	_ =	shalt  }
0x53: {  	_ =	shalt  }
0x54: {  	_ =	shalt  }
0x55: {  	_ =	shalt  }
0x56: {  	_ =	shalt  }
0x57: {  	_ =	shalt  }
0x58: {  	_ =	shalt  }
0x59: {  	_ =	shalt  }
0x5a: {  	_ =	shalt  }
0x5b: {  	_ =	shalt  }
0x5c: {  	_ =	shalt  }
0x5d: {  	_ =	shalt  }
0x5e: {  	_ =	shalt  }
0x5f: {  	_ =	shalt  }
0x60: {  	_ =	shalt  }
0x61: {  	_ =	shalt  }
0x62: {  	_ =	shalt  }
0x63: {  	_ =	shalt  }
0x64: {  	_ =	shalt  }
0x65: {  	_ =	shalt  }
0x66: {  	_ =	shalt  }
0x67: {  	_ =	shalt  }
0x68: {  	_ =	shalt  }
0x69: {  	_ =	shalt  }
0x6a: {  	_ =	shalt  }
0x6b: {  	_ =	shalt  }
0x6c: {  	_ =	shalt  }
0x6d: {  	_ =	shalt  }
0x6e: {  	_ =	shalt  }
0x6f: {  	_ =	shalt  }
0x70: {  	_ =	shalt  }
0x71: {  	_ =	shalt  }
0x72: {  	_ =	shalt  }
0x73: {  	_ =	shalt  }
0x74: {  	_ =	shalt  }
0x75: {  	_ =	shalt  }
0x76: {  	_ =	shalt  }
0x77: {  	_ =	shalt  }
0x78: {  	_ =	shalt  }
0x79: {  	_ =	shalt  }
0x7a: {  	_ =	shalt  }
0x7b: {  	_ =	shalt  }
0x7c: {  	_ =	shalt  }
0x7d: {  	_ =	shalt  }
0x7e: {  	_ =	shalt  }
0x7f: {  	_ =	shalt  }
0x80: {  	_ =	shalt  }
0x81: {  	_ =	shalt  }
0x82: {  	_ =	shalt  }
0x83: {  	_ =	shalt  }
0x84: {  	_ =	shalt  }
0x85: {  	_ =	shalt  }
0x86: {  	_ =	shalt  }
0x87: {  	_ =	shalt  }
.Lfunc_end0:
.L_simem_size_0:
called_computation.2_lowered:
.L_overlay_start_0:
0x88: {  	s2 =	sld [smem:$0x3FD9]  }
0x89: {  	s3 =	sld [smem:$0x3FFE];
	_ =	sdelay $0x1  }
0x8a: {  	s1 =	srdreg.scid  }
0x8b: {  	s0 =	sand.u32 $0x1, s1  }
0x8c: {  	s17 =	sshll.u32 s0, $0xA;
	s2 =	sadd.s32 s3, s2  }
0x8d: {  	s2 =	sadd.s32 s2, s17  }
0x8e: {  	[smem:$0x3FC3] =	sst s2  }
0x8f: {  	_ = 	snop  }
0x90: {  	s18 =	sld [smem:$0x3FC9];
	(tm) =	ssettm $0x1  }
0x91: {  	s19 =	sld [smem:$0x3FFB];
	_ =	sdelay $0x3  }
0x92: {  	_ =	strace s19  }
0x93: {  	s2 =	sld [smem:$0x3FFC];
	_ =	sdelay $0x3  }
0x94: {  	_ =	strace s2  }
0x95: {  	s2 =	sld [smem:$0x3FFD];
	_ =	sdelay $0x3  }
0x96: {  	_ =	strace s2  }
0x97: {  	_ =	strace $0x8FFFFFFF  }
0x98: {  	s20 =	sld [smem:$0x3FDB];
	_ =	sdelay $0x1  }
0x99: {  	s4 =	simm.s32 $_scs_section_size  }
0x9a: {  	s5 =	simm.s32 $_size__tile_overlayer_lowered;
	s6 =	simm.s32 $_tile_overlayer_lowered  }
0x9b: {  	s7 =	simm.s32 $0x1BFF;
	s21 =	sshll.u32 s6, $0x1;
	s4 =	sadd.s32 s4, s20  }
0x9c: {  	s22 =	simm.s32 $0x0;
	s5 =	sshll.u32 s5, $0x1;
	s6 =	sadd.s32 s21, s4  }
0x9d: {  	[timem:s22], [sflag:s7] =	dma.local [hbm:s6], s5  }
0x9e: {  	_ =	swait.ge [sflag:s7], s5  }
0x9f: {  	s5 =	ssub.s32 $0x0, s5;
	[sflag:s7] =	ssyncset.done $0x0  }
0xa0: {  	[sflag:s7] =	ssyncadd.s32 s5;
	_ =	sdelay $0x1  }
0xa1: {  	s23 =	simm.s32 $0x1B8B  }
0xa2: {  	_ =	swait.ge [sflag:s23], $0x1  }
0xa3: {  	[sflag:s23] =	ssyncset.done $0x0  }
0xa4: {  	[sflag:s23] =	ssyncadd.s32 $0xFFFFFFFF  }
0xa5: {  	s5 =	sld [smem:$0x0]  }
0xa6: {  	s6 =	sand.u32 $0xFFFFFFFE, s1  }
0xa7: {  	p0 =	sne.s32 s1, s6  }
0xa8: {  	s6 =	sshll.u32 @p0 s6, $0xE  }
0xa9: {  	s6 =	sadd.s32 @p0 $0x11B8D, s6;
	s7 =	sshll.u32 @p0 s5, $0x11  }
0xaa: {  	s6 =	sor.u32 @p0 s7, s6  }
0xab: {  	[sflag:s6] =	ssyncadd.remote.s32 @p0 $0x1;
	_ =	sdelay $0x1  }
0xac: {  	s6 =	simm.s32 @p0 $0x1B8D  }
0xad: {  	_ =	swait.eq @p0 [sflag:s6], $0x1  }
0xae: {  	[sflag:s6] =	ssyncadd.s32 @p0 $0xFFFFFFFF  }
0xaf: {  	s7 =	sshll.u32 @!p0 s1, $0xE  }
0xb0: {  	s7 =	sor.u32 @!p0 $0x4000, s7;
	s6 =	simm.s32 @!p0 $0x1B8D  }
0xb1: {  	s5 =	sshll.u32 @!p0 s5, $0x11;
	s7 =	sadd.s32 @!p0 $0x11B8D, s7;
	_ =	swait.eq @!p0 [sflag:s6], $0x1  }
0xb2: {  	s5 =	sor.u32 @!p0 s5, s7;
	[sflag:s6] =	ssyncadd.s32 @!p0 $0xFFFFFFFF  }
0xb3: {  	s25 =	simm.s32 $0x1B8E;
	s24 =	sld [smem:$0x3FFE];
	[sflag:s5] =	ssyncadd.remote.s32 @!p0 $0x1  }
0xb4: {  	s26 =	simm.s32 $execute0_lowered;
	[smem:$0x3FD2] =	sst s25  }
0xb5: {  	s6 =	sshll.u32 s26, $0x1;
	_ =	strace $0x8000004C;
	[dreg:$0x1] =	wrdreg $0xFFFFFFFF  }
0xb6: {  	s28 =	simm.s32 $_size_execute0_lowered;
	s4 =	sadd.s32 s4, s6;
	[dreg:$0x0] =	wrdreg $0x0  }
0xb7: {  	s6 =	sshll.u32 s28, $0x1;
	[dreg:$0x2] =	wrdreg s4  }
0xb8: {  	[dreg:$0x3] =	wrdreg s6  }
0xb9: {  	[dreg:$0x4] =	wrdreg $0xC0  }
0xba: {  	_ =	task [dreg:s22], $0x5FFFF  }
0xbb: {  	[dreg:$0x1] =	wrdreg $0xFFFFFFFF  }
0xbc: {  	[dreg:$0x0] =	wrdreg $0x60  }
0xbd: {  	[dreg:$0x2] =	wrdreg s24  }
0xbe: {  	[dreg:$0x3] =	wrdreg s18  }
0xbf: {  	[dreg:$0x4] =	wrdreg $0xB  }
0xc0: {  	_ =	task.clear_ibuf [dreg:s22], $0x5FFFF;
	_ =	strace $0x9000004C  }
0xc1: {  	s29 =	simm.s32 $0xB;
	_ =	strace $0x8000004E  }
0xc2: {  	_ =	swait.ge [sflag:s29], $0x1  }
0xc3: {  	[sflag:s29] =	ssyncadd.s32 $0xFFFFFFFF  }
0xc4: {  	_ =	strace $0x9000004E  }
0xc5: {  	_ =	sfence  }
0xc6: {  	s30 =	sld [smem:$0x0];
	_ =	sdelay $0x2  }
0xc7: {  	s31 =	sshll.u32 s1, $0xD;
	s1 =	sshrl.u32 s1, $0x2  }
0xc8: {  	s4 =	sand.u32 $0x4000, s31;
	s1 =	sadd.s32 s1, s30  }
0xc9: {  	s0 =	sor.u32 s4, s0;
	s1 =	sshll.u32 s1, $0x11  }
0xca: {  	s0 =	sor.u32 s1, s0  }
0xcb: {  	s0 =	sadd.s32 $0x8F2B, s0  }
0xcc: {  	[sflag:s0] =	ssyncadd.remote.s32 $0x1  }
0xcd: {  	_ =	sfence.sel $0xFFFF  }
0xce: {  	[dreg:$0x0] =	wrdreg $0xFFFFFFFF;
	(pc) =	sbr.abs _section_cstart, $3  }
0xcf: {  	[dreg:$0x1] =	wrdreg $0xFFFFFFFF  }
0xd0: {  	_ =	task.clear_ibuf [dreg:s22], $0x2FFFF;
	_ =	strace $0x9FFFFFFF  }
0xd1: {  	(tm) =	ssettm $0x7FFFFFFF  }
tec
execute0_lowered:
.L_overlay_start_1:
0x0: {  	(tag) =	ssettag $0x1  }
0x1: {  	s0 =	rddreg [dreg:$0x0]  }
0x2: {  	s1 =	srdreg.scid;
	s9 =	stileid.u32  }
0x3: {  	s2 =	rddreg [dreg:$0x1];
	s3 =	simm.s32 $0x0;
	s13 =	simm.s32 $0x80  }
0x4: {  	s14 =	simm.s32 $0x1C00;
	s15 =	simm.s32 $0x5C00;
	s28 =	simm.s32 $0x8  }
0x5: {  	s29 =	simm.s32 $0x3;
	s30 =	simm.s32 $0x4;
	s31 =	simm.s32 $0x5  }
0x6: {  	s16 =	simm.s32 $0x0;
	s1 =	sand.u32 $0x1, s1;
	s6 =	smul.u32 $0x190000, s9  }
0x7: {  	s4 =	sshll.u32 s9, $0x1;
	[smem:$0x7FF] =	sst s3;
	s17 =	smul.u32 $0x32000, s9  }
0x8: {  	s4 =	sor.u32 s1, s4;
	s5 =	ssub.s32 $0x2, s1;
	s8 =	smul.u32 $0xC8000, s1  }
0x9: {  	_ =	strace $0x8000004D;
	s4 =	smul.u32 $0x380, s4;
	s7 =	sshrl.u32 s5, $0x1  }
0xa: {  	s1 =	smul.u32 $0x19000, s1;
	s5 =	ssub.s32 s5, s7;
	s18 =	sadd.s32 s8, s6  }
0xb: {  	s4 =	sadd.s32 s4, s0;
	s0 =	sadd.s32 $0x2A5000, s0;
	s5 =	smax.u32 s5, $0x1  }
0xc: {  	s6 =	sadd.s32 $0x14000, s18;
	s19 =	sadd.s32 $0x10000, s18;
	s23 =	sadd.s32 $0xC000, s18  }
0xd: {  	s24 =	sadd.s32 $0x8000, s18;
	s4 =	sadd.s32 $0x29E000, s4;
	[dreg:$0x4] =	wrdreg s5  }
0xe: {  	s20 =	sshrl.u32 s6, $0x3;
	s21 =	sshrl.u32 s19, $0x3;
	s5 =	sor.u32 $0x4000, s18  }
0xf: {  	s25 =	sshrl.u32 s24, $0x3;
	s19 =	simm.s32 $0xDC00;
	s24 =	simm.s32 $0x1  }
0x10: {  	[dreg:$0x3] =	wrdreg s4;
	s4 =	sadd.s32 s17, s0;
	s22 =	sadd.s32 s21, s0  }
0x11: {  	s26 =	sshrl.u32 s5, $0x3;
	s17 =	simm.s32 $0x9C00;
	s1 =	sadd.s32 s1, s4  }
0x12: {  	s21 =	simm.s32 $0x11C00;
	[dreg:$0x5] =	wrdreg s1;
	s1 =	sadd.s32 s20, s0  }
.Ltmp0:
0x13: {  	[dreg:$0x6] =	wrdreg s1;
	s1 =	sshrl.u32 s23, $0x3;
	(pc) =	sbr.rel .LBB2_1-.Ltmp0, $4  }
0x14: {  	[dreg:$0x7] =	wrdreg s22;
	s23 =	simm.s32 $0x15C00;
	s1 =	sadd.s32 s1, s0  }
0x15: {  	[dreg:$0x8] =	wrdreg s1;
	s1 =	sadd.s32 s25, s0;
	s0 =	sadd.s32 s26, s0  }
0x16: {  	s25 =	simm.s32 $0x2;
	s26 =	simm.s32 $0x7;
	[dreg:$0x9] =	wrdreg s1  }
0x17: {  	[dreg:$0xa] =	wrdreg s0;
	s1 =	simm.s32 $0x6;
	s0 =	simm.s32 $0x9  }
.LBB2_6:
0x18: {  	_ =	swait.ge [sflag:s26], $0x4000  }
0x19: {  	[sflag:s26] =	ssyncset.done $0x0  }
0x1a: {  	[sflag:s26] =	ssyncadd.s32 $0xFFFFC000  }
0x1b: {  	_ =	swait.ge [sflag:s28], $0x4000  }
0x1c: {  	[sflag:s28] =	ssyncset.done $0x0  }
0x1d: {  	[sflag:s28] =	ssyncadd.s32 $0xFFFFC000  }
.LBB2_4:
0x1e: {  	s16 =	sadd.s32 $0x1, s16;
	s4 =	rddreg [dreg:$0x4]  }
0x1f: {  	p0 =	sne.s32 s16, s4  }
.Ltmp1:
0x20: {  	_ = 	snop;
	(pc) =	sbr.rel @!p0 .LBB2_5-.Ltmp1, $1  }
0x21: {  	_ =	sdelay $0x3  }
.LBB2_1:
0x22: {  	s4 =	rddreg [dreg:$0x3];
	s11 =	simm.s32 $0xD  }
0x23: {  	[tilespmem:s3], [sflag:$0xD] =	stream.linear.gather [hbm4b:s4+s3], $0x1900, $0x38;
	[tilespmem:$0x19C00] =	vst v63  }
0x24: {  	_ =	swait.ge [sflag:s11], $0x1900  }
0x25: {  	[sflag:s11] =	ssyncset.done $0x0  }
0x26: {  	s10 =	rddreg [dreg:$0x9];
	[sflag:s11] =	ssyncadd.s32 $0xFFFFE700  }
0x27: {  	[tilespmem:s14], [sflag:$0x1] =	stream.indirect.gather [hbm4b:s2+s13], $0x80, s3, s13, $0xb8;
	[tilespmem:$0x19C00] =	vst v63  }
0x28: {  	s9 =	rddreg [dreg:$0x8]  }
0x29: {  	[tilespmem:s15], [sflag:$0x2] =	stream.indirect.gather [hbm4b:s2+s13], $0x80, s13, s13, $0xb8;
	[tilespmem:$0x19C00] =	vst v63  }
0x2a: {  	s12 =	simm.s32 $0x100;
	s8 =	rddreg [dreg:$0x7]  }
0x2b: {  	[tilespmem:s17], [sflag:$0x3] =	stream.indirect.gather [hbm4b:s2+s13], $0x80, s12, s13, $0xb8;
	[tilespmem:$0x19C00] =	vst v63  }
0x2c: {  	s18 =	simm.s32 $0x180;
	s7 =	rddreg [dreg:$0x6]  }
0x2d: {  	[tilespmem:s19], [sflag:$0x4] =	stream.indirect.gather [hbm4b:s2+s13], $0x80, s18, s13, $0xb8;
	[tilespmem:$0x19C00] =	vst v63  }
0x2e: {  	s20 =	simm.s32 $0x200;
	s22 =	simm.s32 $0x280;
	s6 =	rddreg [dreg:$0x5]  }
0x2f: {  	[tilespmem:s21], [sflag:$0x5] =	stream.indirect.gather [hbm4b:s2+s13], $0x80, s20, s13, $0xb8;
	[tilespmem:$0x19C00] =	vst v63  }
0x30: {  	s5 =	simm.s32 $0x0;
	s4 =	simm.s32 $0x0;
	s11 =	rddreg [dreg:$0xa]  }
0x31: {  	[tilespmem:s23], [sflag:$0x6] =	stream.indirect.gather [hbm4b:s2+s13], $0x80, s22, s13, $0xb8;
	[tilespmem:$0x19C00] =	vst v63  }
.LBB2_2:
0x32: {  	_ =	swait.ge [sflag:s24], $0x4000  }
0x33: {  	[sflag:s24] =	ssyncset.done $0x0  }
0x34: {  	p0 =	seq.s32 s5, $0x6000;
	[sflag:s24] =	ssyncadd.s32 $0xFFFFC000  }
0x35: {  	[hbm4b:s6+s3] =	stream.linear.scatter [tilespmem:s14], [sflag:$0x7], $0x4000, $0x38;
	[tilespmem:$0x19C00] =	vst v63  }
.Ltmp2:
0x36: {  	_ = 	snop;
	(pc) =	sbr.rel @p0 .LBB2_6-.Ltmp2, $4  }
0x37: {  	_ =	swait.ge [sflag:s25], $0x4000  }
0x38: {  	[sflag:s25] =	ssyncset.done $0x0  }
0x39: {  	[sflag:s25] =	ssyncadd.s32 $0xFFFFC000  }
0x3a: {  	[hbm4b:s11+s3] =	stream.linear.scatter [tilespmem:s15], [sflag:$0x8], $0x4000, $0x38;
	[tilespmem:$0x19C00] =	vst v63  }
0x3b: {  	_ =	swait.ge [sflag:s29], $0x4000  }
0x3c: {  	[sflag:s29] =	ssyncset.done $0x0  }
0x3d: {  	[sflag:s29] =	ssyncadd.s32 $0xFFFFC000  }
0x3e: {  	[hbm4b:s10+s3] =	stream.linear.scatter [tilespmem:s17], [sflag:$0x9], $0x4000, $0x38;
	[tilespmem:$0x19C00] =	vst v63  }
0x3f: {  	_ =	swait.ge [sflag:s30], $0x4000  }
0x40: {  	[sflag:s30] =	ssyncset.done $0x0  }
0x41: {  	[sflag:s30] =	ssyncadd.s32 $0xFFFFC000  }
0x42: {  	[hbm4b:s9+s3] =	stream.linear.scatter [tilespmem:s19], [sflag:$0xA], $0x4000, $0x38;
	[tilespmem:$0x19C00] =	vst v63  }
0x43: {  	_ =	swait.ge [sflag:s31], $0x4000  }
0x44: {  	[sflag:s31] =	ssyncset.done $0x0  }
0x45: {  	[sflag:s31] =	ssyncadd.s32 $0xFFFFC000  }
0x46: {  	[hbm4b:s8+s3] =	stream.linear.scatter [tilespmem:s21], [sflag:$0xB], $0x4000, $0x38;
	[tilespmem:$0x19C00] =	vst v63  }
0x47: {  	_ =	swait.ge [sflag:s1], $0x4000  }
0x48: {  	[sflag:s1] =	ssyncset.done $0x0  }
0x49: {  	[sflag:s1] =	ssyncadd.s32 $0xFFFFC000  }
0x4a: {  	[hbm4b:s7+s3] =	stream.linear.scatter [tilespmem:s23], [sflag:$0xC], $0x4000, $0x38;
	[tilespmem:$0x19C00] =	vst v63  }
0x4b: {  	_ =	swait.ge [sflag:s26], $0x4000  }
0x4c: {  	s22 =	sshra.s32 s5, $0x2;
	[sflag:s26] =	ssyncset.done $0x0  }
0x4d: {  	s20 =	sadd.s32 $0x300, s22;
	[sflag:s26] =	ssyncadd.s32 $0xFFFFC000  }
0x4e: {  	[tilespmem:s14], [sflag:$0x1] =	stream.indirect.gather [hbm4b:s2+s13], $0x80, s20, s13, $0xb8;
	[tilespmem:$0x19C00] =	vst v63  }
0x4f: {  	_ =	swait.ge [sflag:s28], $0x4000  }
0x50: {  	[sflag:s28] =	ssyncset.done $0x0  }
0x51: {  	s22 =	sadd.s32 $0x380, s22;
	[sflag:s28] =	ssyncadd.s32 $0xFFFFC000  }
0x52: {  	[tilespmem:s15], [sflag:$0x2] =	stream.indirect.gather [hbm4b:s2+s13], $0x80, s22, s13, $0xb8;
	[tilespmem:$0x19C00] =	vst v63  }
0x53: {  	p0 =	slt.u32 s4, $0x7;
	_ =	swait.ge [sflag:s0], $0x4000  }
0x54: {  	s18 =	simm.s32 @p0 $0x80;
	s20 =	sshra.s32 @p0 s5, $0x2;
	[sflag:s0] =	ssyncset.done $0x0  }
0x55: {  	s12 =	simm.s32 @p0 $0x9C00;
	s22 =	sadd.s32 @p0 $0x400, s20;
	[sflag:s0] =	ssyncadd.s32 $0xFFFFC000  }
0x56: {  	[tilespmem:s12], [sflag:$0x3] =	stream.indirect.gather @p0 [hbm4b:s2+s18], $0x80, s22, s18, $0xb8;
	[tilespmem:$0x19C00] =	vst v63  }
0x57: {  	s12 =	simm.s32 @p0 $0xA  }
0x58: {  	_ =	swait.ge @p0 [sflag:s12], $0x4000  }
0x59: {  	[sflag:s12] =	ssyncset.done @p0 $0x0  }
0x5a: {  	s22 =	simm.s32 @p0 $0xDC00;
	[sflag:s12] =	ssyncadd.s32 @p0 $0xFFFFC000;
	s12 =	sadd.s32 @p0 $0x480, s20  }
0x5b: {  	[tilespmem:s22], [sflag:$0x4] =	stream.indirect.gather @p0 [hbm4b:s2+s18], $0x80, s12, s18, $0xb8;
	[tilespmem:$0x19C00] =	vst v63  }
0x5c: {  	s12 =	simm.s32 @p0 $0xB  }
0x5d: {  	_ =	swait.ge @p0 [sflag:s12], $0x4000  }
0x5e: {  	[sflag:s12] =	ssyncset.done @p0 $0x0  }
0x5f: {  	s22 =	simm.s32 @p0 $0x11C00;
	[sflag:s12] =	ssyncadd.s32 @p0 $0xFFFFC000;
	s12 =	sadd.s32 @p0 $0x500, s20  }
0x60: {  	[tilespmem:s22], [sflag:$0x5] =	stream.indirect.gather @p0 [hbm4b:s2+s18], $0x80, s12, s18, $0xb8;
	[tilespmem:$0x19C00] =	vst v63  }
0x61: {  	s12 =	simm.s32 @p0 $0xC  }
0x62: {  	_ =	swait.ge @p0 [sflag:s12], $0x4000  }
0x63: {  	[sflag:s12] =	ssyncset.done @p0 $0x0  }
0x64: {  	[sflag:s12] =	ssyncadd.s32 @p0 $0xFFFFC000;
	s12 =	sadd.s32 @p0 $0x580, s20;
	s20 =	simm.s32 @p0 $0x15C00  }
0x65: {  	[tilespmem:s20], [sflag:$0x6] =	stream.indirect.gather @p0 [hbm4b:s2+s18], $0x80, s12, s18, $0xb8;
	[tilespmem:$0x19C00] =	vst v63  }
0x66: {  	s12 =	simm.s32 @!p0 $0xA  }
0x67: {  	_ =	swait.ge @!p0 [sflag:s12], $0x4000  }
0x68: {  	[sflag:s12] =	ssyncset.done @!p0 $0x0  }
0x69: {  	[sflag:s12] =	ssyncadd.s32 @!p0 $0xFFFFC000;
	s12 =	simm.s32 @!p0 $0xB  }
0x6a: {  	_ =	swait.ge @!p0 [sflag:s12], $0x4000  }
0x6b: {  	[sflag:s12] =	ssyncset.done @!p0 $0x0  }
0x6c: {  	[sflag:s12] =	ssyncadd.s32 @!p0 $0xFFFFC000;
	s12 =	simm.s32 @!p0 $0xC  }
0x6d: {  	_ =	swait.ge @!p0 [sflag:s12], $0x4000  }
0x6e: {  	s5 =	sadd.s32 $0xC00, s5;
	[sflag:s12] =	ssyncset.done @!p0 $0x0  }
0x6f: {  	[sflag:s12] =	ssyncadd.s32 @!p0 $0xFFFFC000;
	p0 =	sne.s32 s5, $0x6C00  }
.Ltmp3:
0x70: {  	_ = 	snop;
	(pc) =	sbr.rel @p0 .LBB2_2-.Ltmp3, $4  }
.Ltmp4:
0x71: {  	_ = 	snop;
	(pc) =	sbr.rel @!p0 .LBB2_4-.Ltmp4, $4  }
0x72: {  	s4 =	sadd.s32 $0x1, s4  }
0x73: {  	s6 =	sadd.s32 $0x3000, s6;
	s11 =	sadd.s32 $0x3000, s11;
	s10 =	sadd.s32 $0x3000, s10  }
0x74: {  	s9 =	sadd.s32 $0x3000, s9;
	s8 =	sadd.s32 $0x3000, s8;
	s7 =	sadd.s32 $0x3000, s7  }
0x75: {  	_ = 	snop  }
.LBB2_5:
0x76: {  	_ =	sfence.sel $0x180000  }
0x77: {  	[bflag:$0x0] =	sbarrier.arrive $0xFFFF  }
0x78: {  	_ =	strace $0x9000004D  }
0x79: {  	s0 =	stileid.u32;
	[bflag:$0x2] =	sbarrier.arrive $0xFFFF  }
0x7a: {  	p0 =	sne.s32 s0, $0x0;
	s0 =	rddreg [dreg:$0x2]  }
0x7b: {  	s0 =	sadd.s32 @!p0 $0x100000, s0  }
0x7c: {  	[sflag:s0] =	ssyncadd.tile.s32 @!p0 $0x1;
	_ =	shalt  }
.Lfunc_end2:
_tile_overlayer_lowered:
.L_overlay_start_2:
0x7d: {  	(tag) =	ssettag $0x2  }
0x7e: {  	s0 =	rddreg [dreg:$0x0];
	s2 =	stileid.u32  }
0x7f: {  	s1 =	rddreg [dreg:$0x1];
	p0 =	sne.s32 s2, $0x0  }
0x80: {  	s3 =	rddreg [dreg:$0x2];
	[bflag:$0x3] =	sbarrier.arrive $0xFFFF;
	s2 =	simm.s32 @!p0 $0x1C0D  }
0x81: {  	[timem:s3], [sflag:s2] =	dma.local @!p0 [hbm:s0], s1  }
0x82: {  	s0 =	simm.s32 @!p0 $0xD  }
0x83: {  	_ =	swait.ge @!p0 [sflag:s0], s1  }
0x84: {  	s1 =	ssub.s32 @!p0 $0x0, s1;
	[sflag:s0] =	ssyncset.done @!p0 $0x0  }
0x85: {  	[sflag:s0] =	ssyncadd.s32 @!p0 s1  }
0x86: {  	[bflag:$0x3] =	sbarrier.arrive $0xFFFF  }
0x87: {  	_ =	shalt  }

// kernel: kernel.20.cloned.1.call-start
scs
__scs_entry_jumppad:
0x0: {  	(pc) =	sbr.rel $0x88, $3  }
0x1: {  	(tag) =	ssettag $0x0;
	lr =	simm.s32 $0x1  }
0x2: {  	[smem:$0x3F9C] =	sst lr;
	_ =	strace $0xD0000000  }
0x3: {  	_ = 	snop  }
0x4: {  	_ = 	snop  }
0x5: {  	_ = 	snop  }
0x6: {  	_ = 	snop  }
0x7: {  	_ = 	snop  }
__scs_overlays_trampoline_lowered:
0x8: {  	[smem:$0x3FAB] =	sst s0  }
0x9: {  	[smem:$0x3FAC] =	sst s1  }
0xa: {  	[smem:$0x3FAD] =	sst s2  }
0xb: {  	[smem:$0x3FAE] =	sst s3  }
0xc: {  	[smem:$0x3FAF] =	sst s4  }
0xd: {  	[smem:$0x3FB0] =	sst s5  }
0xe: {  	[smem:$0x3FB1] =	sst s6  }
0xf: {  	[smem:$0x3FB2] =	sst s7  }
0x10: {  	[smem:$0x3FB3] =	sst s8  }
0x11: {  	[smem:$0x3FB4] =	sst s9;
	s0 =	simm.s32 @!p0 $0x0  }
0x12: {  	s1 =	sld [smem:$0x3F9A];
	s0 =	simm.s32 @p0 $0x1  }
0x13: {  	[smem:$0x3FB5] =	sst s0;
	s0 =	simm.s32 @!p1 $0x0  }
0x14: {  	s2 =	sld [smem:$0x3F99];
	s0 =	simm.s32 @p1 $0x1  }
0x15: {  	[smem:$0x3FB6] =	sst s0;
	s0 =	simm.s32 @!p2 $0x0  }
0x16: {  	s3 =	sld [smem:$0x3FDB];
	s0 =	simm.s32 @p2 $0x1  }
0x17: {  	s4 =	simm.s32 $0x1BF5;
	[smem:$0x3FB8] =	sst s0  }
0x18: {  	s0 =	sld [smem:$0x3F9B];
	_ =	swait.ge [sflag:s4], $0x0  }
0x19: {  	s7 =	sld [smem:$0x3F9C]  }
0x1a: {  	s8 =	sadd.s32 $0xFFFFE003, lr  }
0x1b: {  	s9 =	sadd.s32 $0xFFFFFEF7, lr;
	s5 =	simm.s32 $0xFFFFFFFF;
	p2 =	slt.u32 s8, $0xFFFFF086  }
0x1c: {  	p1 =	slt.u32 s9, $0xF7A;
	s5 =	simm.s32 @!p2 $0x0  }
0x1d: {  	s5 =	simm.s32 @p1 $0x1;
	p0 =	seq.s32 s7, s2  }
0x1e: {  	s7 =	smul.u32 @!p0 $0xF7A, s2;
	p2 =	seq.s32 @!p0 s5, $0x0  }
0x1f: {  	s9 =	smul.u32 $0xF7A, s1;
	s8 =	simm.s32 @!p0 $0x1BF5;
	p2 =	por !p2, p0  }
0x20: {  	[sflag:s8] =	ssyncset.s32 @!p0 $0xFFFFF086;
	s6 =	sadd.s32 @!p0 s3, s7;
	s7 =	simm.s32 @!p0 $0x108  }
0x21: {  	s3 =	sadd.s32 s3, s9;
	s6 =	sadd.s32 @!p0 $0x88, s6;
	s7 =	simm.s32 @p2 $0x1082  }
0x22: {  	[simem:s7], [sflag:s8] =	dma.local @!p0 [hbm:s6], $0xF7A  }
0x23: {  	s9 =	sor.u32 $0xD0000000, s2;
	s6 =	simm.s32 $0x108;
	_ =	swait.ge @!p0 [sflag:s8], $0x0  }
0x24: {  	s3 =	sadd.s32 $0x88, s3;
	s6 =	simm.s32 @!p1 $0x1082;
	[sflag:s4] =	ssyncset.s32 $0xFFFFF086  }
0x25: {  	[simem:s6], [sflag:s4] =	dma.local [hbm:s3], $0xF7A  }
0x26: {  	[smem:$0x3F9C] =	sst s1;
	(tag) =	ssettag s2;
	_ =	strace s9  }
0x27: {  	s1 =	sld [smem:$0x3FAC]  }
0x28: {  	s2 =	sld [smem:$0x3FAD]  }
0x29: {  	s4 =	sld [smem:$0x3FAF]  }
0x2a: {  	p0 =	seq.s32 s5, $0x0;
	s5 =	sld [smem:$0x3FB0]  }
0x2b: {  	s6 =	sld [smem:$0x3FB1]  }
0x2c: {  	s7 =	sld [smem:$0x3FB2]  }
0x2d: {  	s3 =	simm.s32 $0x108;
	s8 =	sld [smem:$0x3FB3]  }
0x2e: {  	s3 =	simm.s32 @!p0 $0x1082;
	s9 =	sld [smem:$0x3FB4]  }
0x2f: {  	lr =	sadd.s32 s0, s3;
	s0 =	sld [smem:$0x3FAB]  }
0x30: {  	s3 =	sld [smem:$0x3FAE]  }
0x31: {  	[smem:$0x3FB7] =	sst s10  }
0x32: {  	s10 =	sld [smem:$0x3FB5];
	_ =	sdelay $0x3  }
0x33: {  	p0 =	seq.s32 s10, $0x1;
	s10 =	sld [smem:$0x3FB7];
	_ =	sdelay $0x3  }
0x34: {  	[smem:$0x3FB7] =	sst s10  }
0x35: {  	s10 =	sld [smem:$0x3FB6];
	_ =	sdelay $0x3  }
0x36: {  	p1 =	seq.s32 s10, $0x1;
	s10 =	sld [smem:$0x3FB7];
	_ =	sdelay $0x3  }
0x37: {  	[smem:$0x3FB7] =	sst s10  }
0x38: {  	s10 =	sld [smem:$0x3FB8]  }
0x39: {  	_ = 	snop;
	(pc) =	sbr.ind lr, $3  }
0x3a: {  	_ = 	snop  }
0x3b: {  	_ = 	snop  }
0x3c: {  	p2 =	seq.s32 s10, $0x1;
	s10 =	sld [smem:$0x3FB7]  }
0x3d: {  	_ =	shalt  }
0x3e: {  	_ =	shalt  }
0x3f: {  	_ =	shalt  }
0x40: {  	_ =	shalt  }
0x41: {  	_ =	shalt  }
0x42: {  	_ =	shalt  }
0x43: {  	_ =	shalt  }
0x44: {  	_ =	shalt  }
0x45: {  	_ =	shalt  }
0x46: {  	_ =	shalt  }
0x47: {  	_ =	shalt  }
0x48: {  	_ =	shalt  }
0x49: {  	_ =	shalt  }
0x4a: {  	_ =	shalt  }
0x4b: {  	_ =	shalt  }
0x4c: {  	_ =	shalt  }
0x4d: {  	_ =	shalt  }
0x4e: {  	_ =	shalt  }
0x4f: {  	_ =	shalt  }
0x50: {  	_ =	shalt  }
0x51: {  	_ =	shalt  }
0x52: {  	_ =	shalt  }
0x53: {  	_ =	shalt  }
0x54: {  	_ =	shalt  }
0x55: {  	_ =	shalt  }
0x56: {  	_ =	shalt  }
0x57: {  	_ =	shalt  }
0x58: {  	_ =	shalt  }
0x59: {  	_ =	shalt  }
0x5a: {  	_ =	shalt  }
0x5b: {  	_ =	shalt  }
0x5c: {  	_ =	shalt  }
0x5d: {  	_ =	shalt  }
0x5e: {  	_ =	shalt  }
0x5f: {  	_ =	shalt  }
0x60: {  	_ =	shalt  }
0x61: {  	_ =	shalt  }
0x62: {  	_ =	shalt  }
0x63: {  	_ =	shalt  }
0x64: {  	_ =	shalt  }
0x65: {  	_ =	shalt  }
0x66: {  	_ =	shalt  }
0x67: {  	_ =	shalt  }
0x68: {  	_ =	shalt  }
0x69: {  	_ =	shalt  }
0x6a: {  	_ =	shalt  }
0x6b: {  	_ =	shalt  }
0x6c: {  	_ =	shalt  }
0x6d: {  	_ =	shalt  }
0x6e: {  	_ =	shalt  }
0x6f: {  	_ =	shalt  }
0x70: {  	_ =	shalt  }
0x71: {  	_ =	shalt  }
0x72: {  	_ =	shalt  }
0x73: {  	_ =	shalt  }
0x74: {  	_ =	shalt  }
0x75: {  	_ =	shalt  }
0x76: {  	_ =	shalt  }
0x77: {  	_ =	shalt  }
0x78: {  	_ =	shalt  }
0x79: {  	_ =	shalt  }
0x7a: {  	_ =	shalt  }
0x7b: {  	_ =	shalt  }
0x7c: {  	_ =	shalt  }
0x7d: {  	_ =	shalt  }
0x7e: {  	_ =	shalt  }
0x7f: {  	_ =	shalt  }
0x80: {  	_ =	shalt  }
0x81: {  	_ =	shalt  }
0x82: {  	_ =	shalt  }
0x83: {  	_ =	shalt  }
0x84: {  	_ =	shalt  }
0x85: {  	_ =	shalt  }
0x86: {  	_ =	shalt  }
0x87: {  	_ =	shalt  }
.Lfunc_end0:
.L_simem_size_0:
called_computation.3_lowered:
.L_overlay_start_0:
0x88: {  	s2 =	sld [smem:$0x3FD9]  }
0x89: {  	s3 =	sld [smem:$0x3FFE];
	_ =	sdelay $0x1  }
0x8a: {  	s1 =	srdreg.scid  }
0x8b: {  	s0 =	sand.u32 $0x1, s1  }
0x8c: {  	s17 =	sshll.u32 s0, $0xA;
	s2 =	sadd.s32 s3, s2  }
0x8d: {  	s2 =	sadd.s32 s2, s17  }
0x8e: {  	[smem:$0x3FC3] =	sst s2  }
0x8f: {  	_ = 	snop  }
0x90: {  	s18 =	sld [smem:$0x3FC9];
	(tm) =	ssettm $0x1  }
0x91: {  	s19 =	sld [smem:$0x3FFB];
	_ =	sdelay $0x3  }
0x92: {  	_ =	strace s19  }
0x93: {  	s2 =	sld [smem:$0x3FFC];
	_ =	sdelay $0x3  }
0x94: {  	_ =	strace s2  }
0x95: {  	s2 =	sld [smem:$0x3FFD];
	_ =	sdelay $0x3  }
0x96: {  	_ =	strace s2  }
0x97: {  	_ =	strace $0x8FFFFFFF  }
0x98: {  	s20 =	sld [smem:$0x3FDB];
	_ =	sdelay $0x1  }
0x99: {  	s4 =	simm.s32 $_scs_section_size  }
0x9a: {  	s5 =	simm.s32 $_size__tile_overlayer_lowered;
	s6 =	simm.s32 $_tile_overlayer_lowered  }
0x9b: {  	s7 =	simm.s32 $0x1BFF;
	s21 =	sshll.u32 s6, $0x1;
	s4 =	sadd.s32 s4, s20  }
0x9c: {  	s22 =	simm.s32 $0x0;
	s5 =	sshll.u32 s5, $0x1;
	s6 =	sadd.s32 s21, s4  }
0x9d: {  	[timem:s22], [sflag:s7] =	dma.local [hbm:s6], s5  }
0x9e: {  	_ =	swait.ge [sflag:s7], s5  }
0x9f: {  	s5 =	ssub.s32 $0x0, s5;
	[sflag:s7] =	ssyncset.done $0x0  }
0xa0: {  	[sflag:s7] =	ssyncadd.s32 s5;
	_ =	sdelay $0x1  }
0xa1: {  	s23 =	simm.s32 $0x1B8B  }
0xa2: {  	_ =	swait.ge [sflag:s23], $0x1  }
0xa3: {  	[sflag:s23] =	ssyncset.done $0x0  }
0xa4: {  	[sflag:s23] =	ssyncadd.s32 $0xFFFFFFFF  }
0xa5: {  	s5 =	sld [smem:$0x0]  }
0xa6: {  	s6 =	sand.u32 $0xFFFFFFFE, s1  }
0xa7: {  	p0 =	sne.s32 s1, s6  }
0xa8: {  	s6 =	sshll.u32 @p0 s6, $0xE  }
0xa9: {  	s6 =	sadd.s32 @p0 $0x11B8D, s6;
	s7 =	sshll.u32 @p0 s5, $0x11  }
0xaa: {  	s6 =	sor.u32 @p0 s7, s6  }
0xab: {  	[sflag:s6] =	ssyncadd.remote.s32 @p0 $0x1;
	_ =	sdelay $0x1  }
0xac: {  	s6 =	simm.s32 @p0 $0x1B8D  }
0xad: {  	_ =	swait.eq @p0 [sflag:s6], $0x1  }
0xae: {  	[sflag:s6] =	ssyncadd.s32 @p0 $0xFFFFFFFF  }
0xaf: {  	s7 =	sshll.u32 @!p0 s1, $0xE  }
0xb0: {  	s7 =	sor.u32 @!p0 $0x4000, s7;
	s6 =	simm.s32 @!p0 $0x1B8D  }
0xb1: {  	s5 =	sshll.u32 @!p0 s5, $0x11;
	s7 =	sadd.s32 @!p0 $0x11B8D, s7;
	_ =	swait.eq @!p0 [sflag:s6], $0x1  }
0xb2: {  	s5 =	sor.u32 @!p0 s5, s7;
	[sflag:s6] =	ssyncadd.s32 @!p0 $0xFFFFFFFF  }
0xb3: {  	s25 =	simm.s32 $0x1B8E;
	s24 =	sld [smem:$0x3FFE];
	[sflag:s5] =	ssyncadd.remote.s32 @!p0 $0x1  }
0xb4: {  	s26 =	simm.s32 $execute0_lowered;
	[smem:$0x3FD2] =	sst s25  }
0xb5: {  	s6 =	sshll.u32 s26, $0x1;
	_ =	strace $0x8000004F;
	[dreg:$0x1] =	wrdreg $0xFFFFFFFF  }
0xb6: {  	s28 =	simm.s32 $_size_execute0_lowered;
	s4 =	sadd.s32 s4, s6;
	[dreg:$0x0] =	wrdreg $0x0  }
0xb7: {  	s6 =	sshll.u32 s28, $0x1;
	[dreg:$0x2] =	wrdreg s4  }
0xb8: {  	[dreg:$0x3] =	wrdreg s6  }
0xb9: {  	[dreg:$0x4] =	wrdreg $0xC0  }
0xba: {  	_ =	task [dreg:s22], $0x5FFFF  }
0xbb: {  	[dreg:$0x1] =	wrdreg $0xFFFFFFFF  }
0xbc: {  	[dreg:$0x0] =	wrdreg $0x60  }
0xbd: {  	[dreg:$0x2] =	wrdreg s24  }
0xbe: {  	[dreg:$0x3] =	wrdreg s18  }
0xbf: {  	[dreg:$0x4] =	wrdreg $0xC  }
0xc0: {  	_ =	task.clear_ibuf [dreg:s22], $0x5FFFF;
	_ =	strace $0x9000004F  }
0xc1: {  	s29 =	simm.s32 $0xC;
	_ =	strace $0x80000051  }
0xc2: {  	_ =	swait.ge [sflag:s29], $0x1  }
0xc3: {  	[sflag:s29] =	ssyncadd.s32 $0xFFFFFFFF  }
0xc4: {  	_ =	strace $0x90000051  }
0xc5: {  	_ =	sfence  }
0xc6: {  	s30 =	sld [smem:$0x0];
	_ =	sdelay $0x2  }
0xc7: {  	s31 =	sshll.u32 s1, $0xD;
	s1 =	sshrl.u32 s1, $0x2  }
0xc8: {  	s4 =	sand.u32 $0x4000, s31;
	s1 =	sadd.s32 s1, s30  }
0xc9: {  	s0 =	sor.u32 s4, s0;
	s1 =	sshll.u32 s1, $0x11  }
0xca: {  	s0 =	sor.u32 s1, s0  }
0xcb: {  	s0 =	sadd.s32 $0x8F2B, s0  }
0xcc: {  	[sflag:s0] =	ssyncadd.remote.s32 $0x1  }
0xcd: {  	_ =	sfence.sel $0xFFFF  }
0xce: {  	[dreg:$0x0] =	wrdreg $0xFFFFFFFF;
	(pc) =	sbr.abs _section_cstart, $3  }
0xcf: {  	[dreg:$0x1] =	wrdreg $0xFFFFFFFF  }
0xd0: {  	_ =	task.clear_ibuf [dreg:s22], $0x2FFFF;
	_ =	strace $0x9FFFFFFF  }
0xd1: {  	(tm) =	ssettm $0x7FFFFFFF  }
tec
execute0_lowered:
.L_overlay_start_1:
0x0: {  	(tag) =	ssettag $0x1  }
0x1: {  	s0 =	srdreg.scid  }
0x2: {  	s5 =	stileid.u32;
	s1 =	rddreg [dreg:$0x0]  }
0x3: {  	s2 =	rddreg [dreg:$0x1];
	s8 =	simm.s32 $0x50;
	s9 =	simm.s32 $0x2800  }
0x4: {  	s11 =	simm.s32 $0x5000;
	s13 =	simm.s32 $0x7800;
	s15 =	simm.s32 $0xA000  }
0x5: {  	s17 =	simm.s32 $0xC800;
	s18 =	simm.s32 $0x280;
	s19 =	simm.s32 $0xF000  }
0x6: {  	s20 =	simm.s32 $0x1;
	s21 =	simm.s32 $0x2;
	s22 =	simm.s32 $0x7  }
0x7: {  	s23 =	simm.s32 $0x8;
	s24 =	simm.s32 $0x3;
	s25 =	simm.s32 $0x4  }
0x8: {  	s26 =	simm.s32 $0x5;
	s0 =	sand.u32 $0x1, s0;
	s3 =	sshll.u32 s5, $0x1  }
0x9: {  	s28 =	simm.s32 $0x6;
	s5 =	smul.u32 $0x2E400, s5;
	s4 =	sor.u32 s0, s3  }
0xa: {  	s29 =	simm.s32 $0x9;
	s30 =	simm.s32 $0x0;
	s4 =	smul.u32 $0x500, s4  }
.Ltmp0:
0xb: {  	s3 =	simm.s32 $0x0;
	s6 =	ssub.s32 $0x2, s0;
	(pc) =	sbr.rel .LBB2_1-.Ltmp0, $4  }
0xc: {  	s0 =	smul.u32 $0x17200, s0;
	[smem:$0x7FF] =	sst s3;
	s7 =	sshrl.u32 s6, $0x1  }
0xd: {  	_ =	strace $0x80000050;
	s4 =	sadd.s32 s4, s1;
	s1 =	sadd.s32 s5, s1  }
0xe: {  	s31 =	ssub.s32 s6, s7;
	s7 =	simm.s32 $0xD;
	s0 =	sadd.s32 s0, s1  }
0xf: {  	s5 =	smax.u32 s31, $0x1;
	s4 =	sadd.s32 $0x2600, s4;
	s6 =	sadd.s32 $0x5C6900, s0  }
.LBB2_6:
0x10: {  	_ =	swait.ge [sflag:s22], $0x2800  }
0x11: {  	[sflag:s22] =	ssyncset.done $0x0  }
0x12: {  	[sflag:s22] =	ssyncadd.s32 $0xFFFFD800  }
0x13: {  	_ =	swait.ge [sflag:s23], $0x2800  }
0x14: {  	[sflag:s23] =	ssyncset.done $0x0  }
0x15: {  	[sflag:s23] =	ssyncadd.s32 $0xFFFFD800  }
.LBB2_4:
0x16: {  	s30 =	sadd.s32 $0x1, s30  }
0x17: {  	p0 =	sne.s32 s30, s5  }
.Ltmp1:
0x18: {  	_ = 	snop;
	(pc) =	sbr.rel @!p0 .LBB2_5-.Ltmp1, $1  }
0x19: {  	_ =	sdelay $0x3  }
.LBB2_1:
0x1a: {  	[tilespmem:s3], [sflag:$0xD] =	stream.linear.gather [hbm4b:s4+s3], $0x2500, $0x38;
	[tilespmem:$0x11800] =	vst v63  }
0x1b: {  	_ =	swait.ge [sflag:s7], $0x2500  }
0x1c: {  	[sflag:s7] =	ssyncset.done $0x0  }
0x1d: {  	[sflag:s7] =	ssyncadd.s32 $0xFFFFDB00  }
0x1e: {  	[tilespmem:s9], [sflag:$0x1] =	stream.indirect.gather [hbm4b:s2+s8], $0x80, s3, s8, $0xb8;
	[tilespmem:$0x11800] =	vst v63  }
0x1f: {  	s0 =	simm.s32 $0x80  }
0x20: {  	[tilespmem:s11], [sflag:$0x2] =	stream.indirect.gather [hbm4b:s2+s8], $0x80, s0, s8, $0xb8;
	[tilespmem:$0x11800] =	vst v63  }
0x21: {  	s12 =	simm.s32 $0x100  }
0x22: {  	[tilespmem:s13], [sflag:$0x3] =	stream.indirect.gather [hbm4b:s2+s8], $0x80, s12, s8, $0xb8;
	[tilespmem:$0x11800] =	vst v63  }
0x23: {  	s14 =	simm.s32 $0x180  }
0x24: {  	[tilespmem:s15], [sflag:$0x4] =	stream.indirect.gather [hbm4b:s2+s8], $0x80, s14, s8, $0xb8;
	[tilespmem:$0x11800] =	vst v63  }
0x25: {  	s16 =	simm.s32 $0x200  }
0x26: {  	[tilespmem:s17], [sflag:$0x5] =	stream.indirect.gather [hbm4b:s2+s8], $0x80, s16, s8, $0xb8;
	[tilespmem:$0x11800] =	vst v63  }
0x27: {  	s31 =	smov.u32 s6;
	s1 =	simm.s32 $0x0;
	s0 =	simm.s32 $0x0  }
0x28: {  	[tilespmem:s19], [sflag:$0x6] =	stream.indirect.gather [hbm4b:s2+s8], $0x80, s18, s8, $0xb8;
	[tilespmem:$0x11800] =	vst v63  }
.LBB2_2:
0x29: {  	_ =	swait.ge [sflag:s20], $0x2800  }
0x2a: {  	[sflag:s20] =	ssyncset.done $0x0  }
0x2b: {  	s10 =	sadd.s32 $0xFFFFE700, s31;
	p0 =	seq.s32 s1, $0x9000;
	[sflag:s20] =	ssyncadd.s32 $0xFFFFD800  }
0x2c: {  	[hbm4b:s10+s3] =	stream.linear.scatter [tilespmem:s9], [sflag:$0x7], $0x2800, $0x38;
	[tilespmem:$0x11800] =	vst v63  }
.Ltmp2:
0x2d: {  	_ = 	snop;
	(pc) =	sbr.rel @p0 .LBB2_6-.Ltmp2, $4  }
0x2e: {  	_ =	swait.ge [sflag:s21], $0x2800  }
0x2f: {  	[sflag:s21] =	ssyncset.done $0x0  }
0x30: {  	s16 =	sadd.s32 $0xFFFFEC00, s31;
	[sflag:s21] =	ssyncadd.s32 $0xFFFFD800  }
0x31: {  	[hbm4b:s16+s3] =	stream.linear.scatter [tilespmem:s11], [sflag:$0x8], $0x2800, $0x38;
	[tilespmem:$0x11800] =	vst v63  }
0x32: {  	_ =	swait.ge [sflag:s24], $0x2800  }
0x33: {  	[sflag:s24] =	ssyncset.done $0x0  }
0x34: {  	s10 =	sadd.s32 $0xFFFFF100, s31;
	[sflag:s24] =	ssyncadd.s32 $0xFFFFD800  }
0x35: {  	[hbm4b:s10+s3] =	stream.linear.scatter [tilespmem:s13], [sflag:$0x9], $0x2800, $0x38;
	[tilespmem:$0x11800] =	vst v63  }
0x36: {  	_ =	swait.ge [sflag:s25], $0x2800  }
0x37: {  	[sflag:s25] =	ssyncset.done $0x0  }
0x38: {  	s12 =	sadd.s32 $0xFFFFF600, s31;
	[sflag:s25] =	ssyncadd.s32 $0xFFFFD800  }
0x39: {  	[hbm4b:s12+s3] =	stream.linear.scatter [tilespmem:s15], [sflag:$0xA], $0x2800, $0x38;
	[tilespmem:$0x11800] =	vst v63  }
0x3a: {  	_ =	swait.ge [sflag:s26], $0x2800  }
0x3b: {  	[sflag:s26] =	ssyncset.done $0x0  }
0x3c: {  	s14 =	sadd.s32 $0xFFFFFB00, s31;
	[sflag:s26] =	ssyncadd.s32 $0xFFFFD800  }
0x3d: {  	[hbm4b:s14+s3] =	stream.linear.scatter [tilespmem:s17], [sflag:$0xB], $0x2800, $0x38;
	[tilespmem:$0x11800] =	vst v63  }
0x3e: {  	_ =	swait.ge [sflag:s28], $0x2800  }
0x3f: {  	[sflag:s28] =	ssyncset.done $0x0  }
0x40: {  	[sflag:s28] =	ssyncadd.s32 $0xFFFFD800  }
0x41: {  	[hbm4b:s31+s3] =	stream.linear.scatter [tilespmem:s19], [sflag:$0xC], $0x2800, $0x38;
	[tilespmem:$0x11800] =	vst v63  }
0x42: {  	_ =	swait.ge [sflag:s22], $0x2800  }
0x43: {  	s16 =	sshra.s32 s1, $0x2;
	[sflag:s22] =	ssyncset.done $0x0  }
0x44: {  	s12 =	sadd.s32 $0x300, s16;
	[sflag:s22] =	ssyncadd.s32 $0xFFFFD800  }
0x45: {  	[tilespmem:s9], [sflag:$0x1] =	stream.indirect.gather [hbm4b:s2+s8], $0x80, s12, s8, $0xb8;
	[tilespmem:$0x11800] =	vst v63  }
0x46: {  	_ =	swait.ge [sflag:s23], $0x2800  }
0x47: {  	[sflag:s23] =	ssyncset.done $0x0  }
0x48: {  	s10 =	sadd.s32 $0x380, s16;
	[sflag:s23] =	ssyncadd.s32 $0xFFFFD800  }
0x49: {  	[tilespmem:s11], [sflag:$0x2] =	stream.indirect.gather [hbm4b:s2+s8], $0x80, s10, s8, $0xb8;
	[tilespmem:$0x11800] =	vst v63  }
0x4a: {  	p0 =	slt.u32 s0, $0xB;
	_ =	swait.ge [sflag:s29], $0x2800  }
0x4b: {  	s16 =	simm.s32 @p0 $0x7800;
	s10 =	sshra.s32 @p0 s1, $0x2;
	[sflag:s29] =	ssyncset.done $0x0  }
0x4c: {  	s14 =	simm.s32 @p0 $0x50;
	s12 =	sadd.s32 @p0 $0x400, s10;
	[sflag:s29] =	ssyncadd.s32 $0xFFFFD800  }
0x4d: {  	[tilespmem:s16], [sflag:$0x3] =	stream.indirect.gather @p0 [hbm4b:s2+s14], $0x80, s12, s14, $0xb8;
	[tilespmem:$0x11800] =	vst v63  }
0x4e: {  	s12 =	simm.s32 @p0 $0xA  }
0x4f: {  	_ =	swait.ge @p0 [sflag:s12], $0x2800  }
0x50: {  	[sflag:s12] =	ssyncset.done @p0 $0x0  }
0x51: {  	s16 =	simm.s32 @p0 $0xA000;
	[sflag:s12] =	ssyncadd.s32 @p0 $0xFFFFD800;
	s12 =	sadd.s32 @p0 $0x480, s10  }
0x52: {  	[tilespmem:s16], [sflag:$0x4] =	stream.indirect.gather @p0 [hbm4b:s2+s14], $0x80, s12, s14, $0xb8;
	[tilespmem:$0x11800] =	vst v63  }
0x53: {  	s12 =	simm.s32 @p0 $0xB  }
0x54: {  	_ =	swait.ge @p0 [sflag:s12], $0x2800  }
0x55: {  	[sflag:s12] =	ssyncset.done @p0 $0x0  }
0x56: {  	s16 =	simm.s32 @p0 $0xC800;
	[sflag:s12] =	ssyncadd.s32 @p0 $0xFFFFD800;
	s12 =	sadd.s32 @p0 $0x500, s10  }
0x57: {  	[tilespmem:s16], [sflag:$0x5] =	stream.indirect.gather @p0 [hbm4b:s2+s14], $0x80, s12, s14, $0xb8;
	[tilespmem:$0x11800] =	vst v63  }
0x58: {  	s12 =	simm.s32 @p0 $0xC  }
0x59: {  	_ =	swait.ge @p0 [sflag:s12], $0x2800  }
0x5a: {  	[sflag:s12] =	ssyncset.done @p0 $0x0  }
0x5b: {  	s10 =	sadd.s32 @p0 $0x580, s10;
	[sflag:s12] =	ssyncadd.s32 @p0 $0xFFFFD800;
	s12 =	simm.s32 @p0 $0xF000  }
0x5c: {  	[tilespmem:s12], [sflag:$0x6] =	stream.indirect.gather @p0 [hbm4b:s2+s14], $0x80, s10, s14, $0xb8;
	[tilespmem:$0x11800] =	vst v63  }
0x5d: {  	s10 =	simm.s32 @!p0 $0xA  }
0x5e: {  	_ =	swait.ge @!p0 [sflag:s10], $0x2800  }
0x5f: {  	[sflag:s10] =	ssyncset.done @!p0 $0x0  }
0x60: {  	[sflag:s10] =	ssyncadd.s32 @!p0 $0xFFFFD800;
	s10 =	simm.s32 @!p0 $0xB  }
0x61: {  	_ =	swait.ge @!p0 [sflag:s10], $0x2800  }
0x62: {  	[sflag:s10] =	ssyncset.done @!p0 $0x0  }
0x63: {  	[sflag:s10] =	ssyncadd.s32 @!p0 $0xFFFFD800;
	s10 =	simm.s32 @!p0 $0xC  }
0x64: {  	_ =	swait.ge @!p0 [sflag:s10], $0x2800  }
0x65: {  	s1 =	sadd.s32 $0xC00, s1;
	[sflag:s10] =	ssyncset.done @!p0 $0x0  }
0x66: {  	[sflag:s10] =	ssyncadd.s32 @!p0 $0xFFFFD800;
	p0 =	sne.s32 s1, $0x9C00  }
.Ltmp3:
0x67: {  	_ = 	snop;
	(pc) =	sbr.rel @p0 .LBB2_2-.Ltmp3, $4  }
.Ltmp4:
0x68: {  	_ = 	snop;
	(pc) =	sbr.rel @!p0 .LBB2_4-.Ltmp4, $4  }
0x69: {  	_ = 	snop  }
0x6a: {  	_ = 	snop  }
0x6b: {  	s0 =	sadd.s32 $0x1, s0;
	s31 =	sadd.s32 $0x1E00, s31  }
0x6c: {  	_ = 	snop  }
.LBB2_5:
0x6d: {  	_ =	sfence.sel $0x180000  }
0x6e: {  	[bflag:$0x0] =	sbarrier.arrive $0xFFFF  }
0x6f: {  	_ =	strace $0x90000050  }
0x70: {  	s0 =	stileid.u32;
	[bflag:$0x2] =	sbarrier.arrive $0xFFFF  }
0x71: {  	p0 =	sne.s32 s0, $0x0;
	s0 =	rddreg [dreg:$0x2]  }
0x72: {  	s0 =	sadd.s32 @!p0 $0x100000, s0  }
0x73: {  	[sflag:s0] =	ssyncadd.tile.s32 @!p0 $0x1;
	_ =	shalt  }
.Lfunc_end2:
_tile_overlayer_lowered:
.L_overlay_start_2:
0x74: {  	(tag) =	ssettag $0x2  }
0x75: {  	s0 =	rddreg [dreg:$0x0];
	s2 =	stileid.u32  }
0x76: {  	s1 =	rddreg [dreg:$0x1];
	p0 =	sne.s32 s2, $0x0  }
0x77: {  	s3 =	rddreg [dreg:$0x2];
	[bflag:$0x3] =	sbarrier.arrive $0xFFFF;
	s2 =	simm.s32 @!p0 $0x1C0D  }
0x78: {  	[timem:s3], [sflag:s2] =	dma.local @!p0 [hbm:s0], s1  }
0x79: {  	s0 =	simm.s32 @!p0 $0xD  }
0x7a: {  	_ =	swait.ge @!p0 [sflag:s0], s1  }
0x7b: {  	s1 =	ssub.s32 @!p0 $0x0, s1;
	[sflag:s0] =	ssyncset.done @!p0 $0x0  }
0x7c: {  	[sflag:s0] =	ssyncadd.s32 @!p0 s1  }
0x7d: {  	[bflag:$0x3] =	sbarrier.arrive $0xFFFF  }
0x7e: {  	_ =	shalt  }

</sc_bundles>
